<compile_context>
chip_gen: v7x
topology: tpu7x:2x2x1
jax: 0.10.2.dev20260603
libtpu: 0.0.44.dev20260713+nightly
codegen_flags: <defaults>
</compile_context>

<pallas_src>
import functools

import jax
import jax.numpy as jnp
from jax import lax
from jax.experimental import pallas as pl
from jax.experimental.pallas import tpu as pltpu
from jax.experimental.pallas import tpu_sc as plsc

N = 10000
E = 320000
D = 128
NP = 10240

_NC = 2
_NS = 16
_NW = _NC * _NS

_CHUNK = 80
_EDGES_PER_W = E // _NW
_CHUNKS_PER_W = _EDGES_PER_W // _CHUNK

_EPAD = 10240
_SCORE_ROWS = 2 * _EPAD
_SCORE_CHUNKS_PER_W = _SCORE_ROWS // _NW // _CHUNK

_ROWS_PER_TILE = NP // _NS


def _wid():
    return lax.axis_index("s") * _NC + lax.axis_index("c")


_CGRP = 5
assert _CHUNKS_PER_W % _CGRP == 0


def _sc_count_body(dst_hbm, ones_hbm, zeros_hbm, out_hbm,
                   didx_all, ones_v, cnt_sh, ssem):
    wid = _wid()
    sub = lax.axis_index("s")
    core = lax.axis_index("c")
    ebase = pl.multiple_of(wid * _EDGES_PER_W, _EDGES_PER_W)

    pltpu.sync_copy(zeros_hbm.at[pl.ds(sub * _ROWS_PER_TILE, _ROWS_PER_TILE)],
                    cnt_sh.at[pl.ds(sub * _ROWS_PER_TILE, _ROWS_PER_TILE)])
    pltpu.sync_copy(ones_hbm, ones_v)
    pltpu.sync_copy(dst_hbm.at[pl.ds(ebase, _EDGES_PER_W)], didx_all)
    plsc.subcore_barrier()

    def didx(i):
        return didx_all.at[pl.ds(pl.multiple_of(i * _CHUNK, _CHUNK), _CHUNK)]

    def step(i, _):
        pltpu.sync_copy(ones_v, cnt_sh.at[didx(i)], add=True)
        return 0

    lax.fori_loop(0, _CHUNKS_PER_W, step, 0)
    plsc.subcore_barrier()
    pltpu.sync_copy(cnt_sh.at[pl.ds(sub * _ROWS_PER_TILE, _ROWS_PER_TILE)],
                    out_hbm.at[core, pl.ds(sub * _ROWS_PER_TILE, _ROWS_PER_TILE)])


def _sc_count(dst, ones_chunk, zeros_f):
    return pl.kernel(
        _sc_count_body,
        out_type=jax.ShapeDtypeStruct((_NC, NP, D), jnp.float32),
        mesh=plsc.VectorSubcoreMesh(core_axis_name="c", subcore_axis_name="s", num_cores=_NC, num_subcores=_NS),
        scratch_types=[
            pltpu.VMEM((_EDGES_PER_W,), jnp.int32),
            pltpu.VMEM((_CHUNK, D), jnp.float32),
            pltpu.VMEM_SHARED((NP, D), jnp.float32),
            pltpu.SemaphoreType.DMA,
        ],
    )(dst, ones_chunk, zeros_f)


_NBUF = 2
_STEADY_GROUPS = (_CHUNKS_PER_W - 1) // _NBUF - 1
_DRAIN_BASE = _NBUF * (_STEADY_GROUPS + 1)


def _sc_agg_body(h_hbm, src_hbm, dst_hbm, zeros_hbm, out_hbm, *refs):
    sidx_all = refs[0]
    didx_all = refs[1]
    rows_b = refs[2:2 + _NBUF]
    acc_sh = refs[2 + _NBUF]
    gsems = refs[3 + _NBUF:3 + 2 * _NBUF]
    ssems = refs[3 + 2 * _NBUF:3 + 3 * _NBUF]

    wid = _wid()
    sub = lax.axis_index("s")
    core = lax.axis_index("c")
    ebase = pl.multiple_of(wid * _EDGES_PER_W, _EDGES_PER_W)

    pltpu.sync_copy(zeros_hbm.at[pl.ds(sub * _ROWS_PER_TILE, _ROWS_PER_TILE)],
                    acc_sh.at[pl.ds(sub * _ROWS_PER_TILE, _ROWS_PER_TILE)])
    pltpu.sync_copy(src_hbm.at[pl.ds(ebase, _EDGES_PER_W)], sidx_all)
    pltpu.sync_copy(dst_hbm.at[pl.ds(ebase, _EDGES_PER_W)], didx_all)
    plsc.subcore_barrier()

    def sidx(i):
        return sidx_all.at[pl.ds(pl.multiple_of(i * _CHUNK, _CHUNK), _CHUNK)]

    def didx(i):
        return didx_all.at[pl.ds(pl.multiple_of(i * _CHUNK, _CHUNK), _CHUNK)]

    for b in range(_NBUF):
        pltpu.async_copy(h_hbm.at[sidx(b)], rows_b[b], gsems[b])

    def step(g, _):
        for b in range(_NBUF):
            i = g + b
            pltpu.make_async_copy(h_hbm.at[sidx(i)], rows_b[b], gsems[b]).wait()
            pltpu.async_copy(rows_b[b], acc_sh.at[didx(i)], ssems[b], add=True)
            pltpu.make_async_copy(rows_b[b], acc_sh.at[didx(i)], ssems[b]).wait()
            pltpu.async_copy(h_hbm.at[sidx(i + _NBUF)], rows_b[b], gsems[b])
        return 0

    lax.fori_loop(0, _STEADY_GROUPS, lambda g, c: step(g * _NBUF, c), 0)

    for b in range(_NBUF):
        i = _DRAIN_BASE - _NBUF + b
        pltpu.make_async_copy(h_hbm.at[sidx(i)], rows_b[b], gsems[b]).wait()
        pltpu.sync_copy(rows_b[b], acc_sh.at[didx(i)], add=True)

    pltpu.async_copy(h_hbm.at[sidx(_DRAIN_BASE)], rows_b[0], gsems[0])
    pltpu.make_async_copy(h_hbm.at[sidx(_DRAIN_BASE)], rows_b[0], gsems[0]).wait()
    pltpu.sync_copy(rows_b[0], acc_sh.at[didx(_DRAIN_BASE)], add=True)

    plsc.subcore_barrier()
    pltpu.sync_copy(acc_sh.at[pl.ds(sub * _ROWS_PER_TILE, _ROWS_PER_TILE)],
                    out_hbm.at[core, pl.ds(sub * _ROWS_PER_TILE, _ROWS_PER_TILE)])


def _sc_agg(h, src, dst, zeros_f):
    return pl.kernel(
        _sc_agg_body,
        out_type=jax.ShapeDtypeStruct((_NC, NP, D), jnp.float32),
        mesh=plsc.VectorSubcoreMesh(core_axis_name="c", subcore_axis_name="s", num_cores=_NC, num_subcores=_NS),
        scratch_types=(
            [pltpu.VMEM((_EDGES_PER_W,), jnp.int32) for _ in range(2)]
            + [pltpu.VMEM((_CHUNK, D), jnp.float32) for _ in range(_NBUF)]
            + [pltpu.VMEM_SHARED((NP, D), jnp.float32)]
            + [pltpu.SemaphoreType.DMA for _ in range(2 * _NBUF)]
        ),
    )(h, src, dst, zeros_f)


_SCORE_PER_W = _SCORE_CHUNKS_PER_W * _CHUNK


def _sc_score_gather_body(h_hbm, uidx_hbm, vidx_hbm, u_out, v_out, *refs):
    uidx_all, vidx_all = refs[0], refs[1]
    urows = refs[2:4]
    vrows = refs[4:6]
    gsem_u = refs[6:8]
    gsem_v = refs[8:10]
    wsem_u = refs[10:12]
    wsem_v = refs[12:14]

    wid = _wid()
    sbase = pl.multiple_of(wid * _SCORE_PER_W, _SCORE_PER_W)
    pltpu.sync_copy(uidx_hbm.at[pl.ds(sbase, _SCORE_PER_W)], uidx_all)
    pltpu.sync_copy(vidx_hbm.at[pl.ds(sbase, _SCORE_PER_W)], vidx_all)

    def uidx(i):
        return uidx_all.at[pl.ds(pl.multiple_of(i * _CHUNK, _CHUNK), _CHUNK)]

    def vidx(i):
        return vidx_all.at[pl.ds(pl.multiple_of(i * _CHUNK, _CHUNK), _CHUNK)]

    def obase(i):
        return pl.multiple_of(sbase + i * _CHUNK, _CHUNK)

    for b in range(2):
        pltpu.async_copy(h_hbm.at[uidx(b)], urows[b], gsem_u[b])
        pltpu.async_copy(h_hbm.at[vidx(b)], vrows[b], gsem_v[b])

    for i in range(_SCORE_CHUNKS_PER_W):
        b = i % 2
        pltpu.make_async_copy(h_hbm.at[uidx(i)], urows[b], gsem_u[b]).wait()
        pltpu.async_copy(urows[b], u_out.at[pl.ds(obase(i), _CHUNK)], wsem_u[b])
        pltpu.make_async_copy(h_hbm.at[vidx(i)], vrows[b], gsem_v[b]).wait()
        pltpu.async_copy(vrows[b], v_out.at[pl.ds(obase(i), _CHUNK)], wsem_v[b])
        if i + 2 < _SCORE_CHUNKS_PER_W:
            pltpu.make_async_copy(urows[b], u_out.at[pl.ds(obase(i), _CHUNK)],
                                  wsem_u[b]).wait()
            pltpu.async_copy(h_hbm.at[uidx(i + 2)], urows[b], gsem_u[b])
            pltpu.make_async_copy(vrows[b], v_out.at[pl.ds(obase(i), _CHUNK)],
                                  wsem_v[b]).wait()
            pltpu.async_copy(h_hbm.at[vidx(i + 2)], vrows[b], gsem_v[b])

    for i in (_SCORE_CHUNKS_PER_W - 2, _SCORE_CHUNKS_PER_W - 1):
        b = i % 2
        pltpu.make_async_copy(urows[b], u_out.at[pl.ds(obase(i), _CHUNK)],
                              wsem_u[b]).wait()
        pltpu.make_async_copy(vrows[b], v_out.at[pl.ds(obase(i), _CHUNK)],
                              wsem_v[b]).wait()


def _sc_score_gather(h, uidx, vidx):
    return pl.kernel(
        _sc_score_gather_body,
        out_type=(jax.ShapeDtypeStruct((_SCORE_ROWS, D), jnp.float32),
                  jax.ShapeDtypeStruct((_SCORE_ROWS, D), jnp.float32)),
        mesh=plsc.VectorSubcoreMesh(core_axis_name="c", subcore_axis_name="s", num_cores=_NC, num_subcores=_NS),
        scratch_types=(
            [pltpu.VMEM((_SCORE_PER_W,), jnp.int32) for _ in range(2)]
            + [pltpu.VMEM((_CHUNK, D), jnp.float32) for _ in range(4)]
            + [pltpu.SemaphoreType.DMA for _ in range(8)]
        ),
    )(h, uidx, vidx)


_BN = 1024


def _tc_sage_body(relu, h_ref, p0_ref, p1_ref, c0_ref, c1_ref,
                  ws_ref, wn_ref, b_ref, out_ref):
    cnt = c0_ref[:, :1] + c1_ref[:, :1]
    inv = 1.0 / jnp.maximum(cnt, 1.0)
    agg = (p0_ref[...] + p1_ref[...]) * inv
    out = (jnp.dot(h_ref[...], ws_ref[...], preferred_element_type=jnp.float32)
           + jnp.dot(agg, wn_ref[...], preferred_element_type=jnp.float32)
           + b_ref[...])
    if relu:
        out = jnp.maximum(out, 0.0)
    out_ref[...] = out


def _tc_sage(h, parts, cnts, Ws, Wn, b, relu):
    grid = (NP // _BN,)
    return pl.pallas_call(
        functools.partial(_tc_sage_body, relu),
        grid=grid,
        in_specs=[
            pl.BlockSpec((_BN, D), lambda i: (i, 0)),
            pl.BlockSpec((_BN, D), lambda i: (i, 0)),
            pl.BlockSpec((_BN, D), lambda i: (i, 0)),
            pl.BlockSpec((_BN, 16), lambda i: (i, 0)),
            pl.BlockSpec((_BN, 16), lambda i: (i, 0)),
            pl.BlockSpec((D, D), lambda i: (0, 0)),
            pl.BlockSpec((D, D), lambda i: (0, 0)),
            pl.BlockSpec((1, D), lambda i: (0, 0)),
        ],
        out_specs=pl.BlockSpec((_BN, D), lambda i: (i, 0)),
        out_shape=jax.ShapeDtypeStruct((NP, D), jnp.float32),
    )(h, parts[0], parts[1], cnts[0], cnts[1], Ws, Wn, b)


_BS = 2048


def _tc_dot_body(u_ref, v_ref, out_ref):
    out_ref[...] = jnp.sum(u_ref[...] * v_ref[...], axis=-1, keepdims=True)


def _tc_dot(u_rows, v_rows):
    grid = (_SCORE_ROWS // _BS,)
    return pl.pallas_call(
        _tc_dot_body,
        grid=grid,
        in_specs=[
            pl.BlockSpec((_BS, D), lambda i: (i, 0)),
            pl.BlockSpec((_BS, D), lambda i: (i, 0)),
        ],
        out_specs=pl.BlockSpec((_BS, 1), lambda i: (i, 0)),
        out_shape=jax.ShapeDtypeStruct((_SCORE_ROWS, 1), jnp.float32),
    )(u_rows, v_rows)


def kernel(x, edge_index, pos_edge_index, neg_edge_index,
           W1n, W1s, b1, W2n, W2s, b2, W3n, W3s, b3):
    src = edge_index[0]
    dst = edge_index[1]
    zeros_f = jnp.zeros((NP, D), jnp.float32)
    ones_chunk = jnp.ones((_CHUNK, D), jnp.float32)

    cnt_parts = _sc_count(dst, ones_chunk, zeros_f)
    cnts = (cnt_parts[0][:, :16], cnt_parts[1][:, :16])

    h = jnp.pad(x, ((0, NP - N), (0, 0)))
    for (Wn, Ws, b, relu) in ((W1n, W1s, b1, True),
                              (W2n, W2s, b2, True),
                              (W3n, W3s, b3, False)):
        parts = _sc_agg(h, src, dst, zeros_f)
        h = _tc_sage(h, parts, cnts, Ws, Wn, b.reshape(1, D), relu)

    pad = jnp.zeros((_EPAD - pos_edge_index.shape[1],), jnp.int32)
    uidx = jnp.concatenate([pos_edge_index[0], pad, neg_edge_index[0], pad])
    vidx = jnp.concatenate([pos_edge_index[1], pad, neg_edge_index[1], pad])

    u_rows, v_rows = _sc_score_gather(h, uidx, vidx)
    scores = _tc_dot(u_rows, v_rows)

    pos_s = scores[:pos_edge_index.shape[1]]
    neg_s = scores[_EPAD:_EPAD + neg_edge_index.shape[1]]
    return (pos_s, neg_s)

# --- scband reference (transcript-rebuilt; emitter-appended) ---
"""Pipeline reference for scband-sage-10900626997366 (READ-ONLY COPY).

The authoritative reference and input builder live on the scoring server;
editing this copy changes nothing except your own understanding.
"""

import jax, jax.numpy as jnp
import numpy as np

N = 10000
E = 320000
D_IN = 128
D_HID = 128
D_OUT = 128
EP = 10000
EN = 10000


def _glorot(key, shape):
    fan_in, fan_out = shape[0], shape[1]
    scale = np.sqrt(2.0 / (fan_in + fan_out))
    return jax.random.normal(key, shape, dtype=jnp.float32) * scale


def setup_inputs(seed: int = 0) -> dict:
    key = jax.random.key(seed)
    ks = jax.random.split(key, 16)
    x = jax.random.normal(ks[0], (N, D_IN), dtype=jnp.float32)
    edge_index = jax.random.randint(ks[1], (2, E), 0, N, dtype=jnp.int32)
    pos_edge_index = jax.random.randint(ks[2], (2, EP), 0, N, dtype=jnp.int32)
    neg_edge_index = jax.random.randint(ks[3], (2, EN), 0, N, dtype=jnp.int32)
    # SAGEConv params: fc_neigh (Wn), fc_self (Ws), bias per layer
    W1n = _glorot(ks[4], (D_IN, D_HID));  W1s = _glorot(ks[5], (D_IN, D_HID));  b1 = jnp.zeros((D_HID,), jnp.float32)
    W2n = _glorot(ks[6], (D_HID, D_HID)); W2s = _glorot(ks[7], (D_HID, D_HID)); b2 = jnp.zeros((D_HID,), jnp.float32)
    W3n = _glorot(ks[8], (D_HID, D_OUT)); W3s = _glorot(ks[9], (D_HID, D_OUT)); b3 = jnp.zeros((D_OUT,), jnp.float32)
    return {"x": x, "edge_index": edge_index, "pos_edge_index": pos_edge_index,
            "neg_edge_index": neg_edge_index,
            "W1n": W1n, "W1s": W1s, "b1": b1,
            "W2n": W2n, "W2s": W2s, "b2": b2,
            "W3n": W3n, "W3s": W3s, "b3": b3}


def _sage_layer(h, src, dst, Wn, Ws, b):
    # mean aggregator: gather src feats, segment-mean into dst
    msgs = jnp.take(h, src, axis=0)
    agg = jax.ops.segment_sum(msgs, dst, num_segments=N)
    cnt = jax.ops.segment_sum(jnp.ones((msgs.shape[0], 1), jnp.float32), dst, num_segments=N)
    agg = agg / jnp.clip(cnt, 1.0, None)
    return h @ Ws + agg @ Wn + b


def reference(x, edge_index, pos_edge_index, neg_edge_index,
              W1n, W1s, b1, W2n, W2s, b2, W3n, W3s, b3):
    src, dst = edge_index[0], edge_index[1]
    h = _sage_layer(x, src, dst, W1n, W1s, b1)
    h = jax.nn.relu(h)  # dropout omitted (eval mode / deterministic)
    h = _sage_layer(h, src, dst, W2n, W2s, b2)
    h = jax.nn.relu(h)
    h = _sage_layer(h, src, dst, W3n, W3s, b3)
    # apply_edges u_dot_v on pair_graph and neg_pair_graph
    pos_s = jnp.sum(jnp.take(h, pos_edge_index[0], axis=0) * jnp.take(h, pos_edge_index[1], axis=0), axis=-1, keepdims=True)
    neg_s = jnp.sum(jnp.take(h, neg_edge_index[0], axis=0) * jnp.take(h, neg_edge_index[1], axis=0), axis=-1, keepdims=True)
    return (pos_s, neg_s)

if __name__ == "__main__":
    import jax
    _d = setup_inputs()
    print(jax.jit(kernel)(*tuple(_d.values())))

</pallas_src>

<mosaic_0001>
#map = affine_map<(d0, d1) -> (0, 0)>
#map1 = affine_map<(d0, d1) -> (0)>
#map2 = affine_map<(d0, d1) -> (0, 0, 0)>
module attributes {stable_mosaic.version = 14 : i64} {
  func.func @_sc_agg_body(%arg0: i32, %arg1: i32, %arg2: memref<10240x128xf32, #tpu.memory_space<hbm>>, %arg3: memref<320000xi32, #tpu.memory_space<hbm>>, %arg4: memref<320000xi32, #tpu.memory_space<hbm>>, %arg5: memref<10240x128xf32, #tpu.memory_space<hbm>>, %arg6: memref<2x10240x128xf32, #tpu.memory_space<hbm>>, %arg7: memref<10000xi32, #tpu.memory_space<vmem>>, %arg8: memref<10000xi32, #tpu.memory_space<vmem>>, %arg9: memref<80x128xf32, #tpu.memory_space<vmem>>, %arg10: memref<80x128xf32, #tpu.memory_space<vmem>>, %arg11: memref<10240x128xf32, #tpu.memory_space<vmem_shared>>, %arg12: memref<!tpu.dma_semaphore, #tpu.memory_space<semaphore_mem>>, %arg13: memref<!tpu.dma_semaphore, #tpu.memory_space<semaphore_mem>>, %arg14: memref<!tpu.dma_semaphore, #tpu.memory_space<semaphore_mem>>, %arg15: memref<!tpu.dma_semaphore, #tpu.memory_space<semaphore_mem>>) attributes {dimension_semantics = [#tpu.dimension_semantics<core_parallel>, #tpu.dimension_semantics<subcore_parallel>], iteration_bounds = array<i64: 2, 16>, scalar_prefetch = 0 : i64, scratch_operands = 9 : i64, tpu.core_type = #tpu.core_type<sc_vector_subcore>, window_params = [{transform_indices = #map}, {transform_indices = #map1}, {transform_indices = #map1}, {transform_indices = #map}, {transform_indices = #map2}]} {
    %mul3A = arith.constant 2 : i32
    %mul3A_0 = arith.muli %arg1, %mul3A : i32
    %add3A = arith.addi %mul3A_0, %arg0 : i32
    %mul3A_1 = arith.constant 10000 : i32
    %mul3A_2 = arith.muli %add3A, %mul3A_1 : i32
    %multiple_of3A = tpu.assume_multiple %mul3A_2, 10000 : i32
    %mul3A_3 = arith.constant 640 : i32
    %mul3A_4 = arith.muli %arg1, %mul3A_3 : i32
    %mul3A_5 = arith.constant 640 : i32
    %mul3A_6 = arith.muli %arg1, %mul3A_5 : i32
    "tpu.region"() ({
      %run_scoped3A = tpu.sem_alloc : memref<!tpu.dma_semaphore, #tpu.memory_space<semaphore_mem>>
      %dma_start3A_58 = arith.constant 0 : i32
      %dma_start3A_59 = tpu.memref_slice %arg11[%mul3A_6, %dma_start3A_58] : memref<10240x128xf32, #tpu.memory_space<vmem_shared>> -> memref<640x128xf32, #tpu.memory_space<vmem_shared>>
      %dma_start3A_60 = arith.constant 0 : i32
      %dma_start3A_61 = tpu.memref_slice %arg5[%mul3A_4, %dma_start3A_60] : memref<10240x128xf32, #tpu.memory_space<hbm>> -> memref<640x128xf32, #tpu.memory_space<hbm>>
      tpu.enqueue_dma source(%dma_start3A_61 : memref<640x128xf32, #tpu.memory_space<hbm>>) target(%dma_start3A_59 : memref<640x128xf32, #tpu.memory_space<vmem_shared>>) target_semaphore(%run_scoped3A : memref<!tpu.dma_semaphore, #tpu.memory_space<semaphore_mem>>)
      %dma_wait3A_62 = arith.constant 0 : i32
      %dma_wait3A_63 = tpu.memref_slice %arg11[%mul3A_6, %dma_wait3A_62] : memref<10240x128xf32, #tpu.memory_space<vmem_shared>> -> memref<640x128xf32, #tpu.memory_space<vmem_shared>>
      %dma_wait3A_64 = arith.constant 0 : i32
      %dma_wait3A_65 = tpu.memref_slice %arg5[%mul3A_4, %dma_wait3A_64] : memref<10240x128xf32, #tpu.memory_space<hbm>> -> memref<640x128xf32, #tpu.memory_space<hbm>>
      tpu.wait_dma2 semaphore(%run_scoped3A : memref<!tpu.dma_semaphore, #tpu.memory_space<semaphore_mem>>) src(%dma_wait3A_65 : memref<640x128xf32, #tpu.memory_space<hbm>>) dst(%dma_wait3A_63 : memref<640x128xf32, #tpu.memory_space<vmem_shared>>)
      tpu.yield
    }) : () -> ()
    "tpu.region"() ({
      %run_scoped3A = tpu.sem_alloc : memref<!tpu.dma_semaphore, #tpu.memory_space<semaphore_mem>>
      %dma_start3A_58 = tpu.memref_slice %arg3[%multiple_of3A] : memref<320000xi32, #tpu.memory_space<hbm>> -> memref<10000xi32, #tpu.memory_space<hbm>>
      %dma_start3A_59 = tpu.memref_slice %arg3[%multiple_of3A] : memref<320000xi32, #tpu.memory_space<hbm>> -> memref<10000xi32, #tpu.memory_space<hbm>>
      tpu.enqueue_dma source(%dma_start3A_59 : memref<10000xi32, #tpu.memory_space<hbm>>) target(%arg7 : memref<10000xi32, #tpu.memory_space<vmem>>) target_semaphore(%run_scoped3A : memref<!tpu.dma_semaphore, #tpu.memory_space<semaphore_mem>>)
      %dma_wait3A_60 = tpu.memref_slice %arg3[%multiple_of3A] : memref<320000xi32, #tpu.memory_space<hbm>> -> memref<10000xi32, #tpu.memory_space<hbm>>
      %dma_wait3A_61 = tpu.memref_slice %arg3[%multiple_of3A] : memref<320000xi32, #tpu.memory_space<hbm>> -> memref<10000xi32, #tpu.memory_space<hbm>>
      tpu.wait_dma2 semaphore(%run_scoped3A : memref<!tpu.dma_semaphore, #tpu.memory_space<semaphore_mem>>) src(%dma_wait3A_61 : memref<10000xi32, #tpu.memory_space<hbm>>) dst(%arg7 : memref<10000xi32, #tpu.memory_space<vmem>>)
      tpu.yield
    }) : () -> ()
    "tpu.region"() ({
      %run_scoped3A = tpu.sem_alloc : memref<!tpu.dma_semaphore, #tpu.memory_space<semaphore_mem>>
      %dma_start3A_58 = tpu.memref_slice %arg4[%multiple_of3A] : memref<320000xi32, #tpu.memory_space<hbm>> -> memref<10000xi32, #tpu.memory_space<hbm>>
      %dma_start3A_59 = tpu.memref_slice %arg4[%multiple_of3A] : memref<320000xi32, #tpu.memory_space<hbm>> -> memref<10000xi32, #tpu.memory_space<hbm>>
      tpu.enqueue_dma source(%dma_start3A_59 : memref<10000xi32, #tpu.memory_space<hbm>>) target(%arg8 : memref<10000xi32, #tpu.memory_space<vmem>>) target_semaphore(%run_scoped3A : memref<!tpu.dma_semaphore, #tpu.memory_space<semaphore_mem>>)
      %dma_wait3A_60 = tpu.memref_slice %arg4[%multiple_of3A] : memref<320000xi32, #tpu.memory_space<hbm>> -> memref<10000xi32, #tpu.memory_space<hbm>>
      %dma_wait3A_61 = tpu.memref_slice %arg4[%multiple_of3A] : memref<320000xi32, #tpu.memory_space<hbm>> -> memref<10000xi32, #tpu.memory_space<hbm>>
      tpu.wait_dma2 semaphore(%run_scoped3A : memref<!tpu.dma_semaphore, #tpu.memory_space<semaphore_mem>>) src(%dma_wait3A_61 : memref<10000xi32, #tpu.memory_space<hbm>>) dst(%arg8 : memref<10000xi32, #tpu.memory_space<vmem>>)
      tpu.yield
    }) : () -> ()
    %barrier3A = arith.constant 0 : index
    tpu.barrier barrier_id(%barrier3A)
    %multiple_of3A_7 = arith.constant 0 : i32
    %multiple_of3A_8 = tpu.assume_multiple %multiple_of3A_7, 80 : i32
    %dma_start3A = tpu.memref_slice %arg7[%multiple_of3A_8] : memref<10000xi32, #tpu.memory_space<vmem>> -> memref<80xi32, #tpu.memory_space<vmem>>
    %dma_start3A_9 = arith.constant 0 : i32
    %dma_start3A_10 = arith.constant 0 : i32
    %dma_start3A_11 = tpu.memref_slice %arg2[%dma_start3A_9, %dma_start3A_10] : memref<10240x128xf32, #tpu.memory_space<hbm>> -> memref<10240x128xf32, #tpu.memory_space<hbm>>
    tpu.enqueue_indirect_dma source(%dma_start3A_11 : memref<10240x128xf32, #tpu.memory_space<hbm>>) target(%arg9 : memref<80x128xf32, #tpu.memory_space<vmem>>) offsets(%dma_start3A : memref<80xi32, #tpu.memory_space<vmem>>) semaphore(%arg12 : memref<!tpu.dma_semaphore, #tpu.memory_space<semaphore_mem>>)
    %multiple_of3A_12 = arith.constant 80 : i32
    %multiple_of3A_13 = tpu.assume_multiple %multiple_of3A_12, 80 : i32
    %dma_start3A_14 = tpu.memref_slice %arg7[%multiple_of3A_13] : memref<10000xi32, #tpu.memory_space<vmem>> -> memref<80xi32, #tpu.memory_space<vmem>>
    %dma_start3A_15 = arith.constant 0 : i32
    %dma_start3A_16 = arith.constant 0 : i32
    %dma_start3A_17 = tpu.memref_slice %arg2[%dma_start3A_15, %dma_start3A_16] : memref<10240x128xf32, #tpu.memory_space<hbm>> -> memref<10240x128xf32, #tpu.memory_space<hbm>>
    tpu.enqueue_indirect_dma source(%dma_start3A_17 : memref<10240x128xf32, #tpu.memory_space<hbm>>) target(%arg10 : memref<80x128xf32, #tpu.memory_space<vmem>>) offsets(%dma_start3A_14 : memref<80xi32, #tpu.memory_space<vmem>>) semaphore(%arg13 : memref<!tpu.dma_semaphore, #tpu.memory_space<semaphore_mem>>)
    %scan3A = arith.constant 0 : i32
    %scan3A_18 = arith.constant 0 : i32
    %scan3A_19 = arith.constant 61 : i32
    %scan3A_20 = arith.addi %scan3A_18, %scan3A_19 : i32
    %scan3A_21 = arith.constant 1 : i32
    %scan3A_22 = scf.for %scan3A_58 = %scan3A_18 to %scan3A_20 step %scan3A_21 iter_args(%scan3A_59 = %scan3A) -> (i32)  : i32 {
      %mul3A_60 = arith.constant 2 : i32
      %mul3A_61 = arith.muli %scan3A_58, %mul3A_60 : i32
      %add3A_62 = arith.constant 0 : i32
      %add3A_63 = arith.addi %mul3A_61, %add3A_62 : i32
      %mul3A_64 = arith.constant 80 : i32
      %mul3A_65 = arith.muli %add3A_63, %mul3A_64 : i32
      %multiple_of3A_66 = tpu.assume_multiple %mul3A_65, 80 : i32
      %dma_wait3A_67 = tpu.memref_slice %arg7[%multiple_of3A_66] : memref<10000xi32, #tpu.memory_space<vmem>> -> memref<80xi32, #tpu.memory_space<vmem>>
      %dma_wait3A_68 = arith.constant 0 : i32
      %dma_wait3A_69 = arith.constant 0 : i32
      %dma_wait3A_70 = tpu.memref_slice %arg2[%dma_wait3A_68, %dma_wait3A_69] : memref<10240x128xf32, #tpu.memory_space<hbm>> -> memref<10240x128xf32, #tpu.memory_space<hbm>>
      tpu.wait_indirect_dma semaphore(%arg12 : memref<!tpu.dma_semaphore, #tpu.memory_space<semaphore_mem>>) src(%dma_wait3A_70 : memref<10240x128xf32, #tpu.memory_space<hbm>>) dst(%arg9 : memref<80x128xf32, #tpu.memory_space<vmem>>)
      %mul3A_71 = arith.constant 80 : i32
      %mul3A_72 = arith.muli %add3A_63, %mul3A_71 : i32
      %multiple_of3A_73 = tpu.assume_multiple %mul3A_72, 80 : i32
      %dma_start3A_74 = tpu.memref_slice %arg8[%multiple_of3A_73] : memref<10000xi32, #tpu.memory_space<vmem>> -> memref<80xi32, #tpu.memory_space<vmem>>
      %dma_start3A_75 = arith.constant 0 : i32
      %dma_start3A_76 = arith.constant 0 : i32
      %dma_start3A_77 = tpu.memref_slice %arg11[%dma_start3A_75, %dma_start3A_76] : memref<10240x128xf32, #tpu.memory_space<vmem_shared>> -> memref<10240x128xf32, #tpu.memory_space<vmem_shared>>
      tpu.enqueue_indirect_dma source(%arg9 : memref<80x128xf32, #tpu.memory_space<vmem>>) target(%dma_start3A_77 : memref<10240x128xf32, #tpu.memory_space<vmem_shared>>) offsets(%dma_start3A_74 : memref<80xi32, #tpu.memory_space<vmem>>) semaphore(%arg14 : memref<!tpu.dma_semaphore, #tpu.memory_space<semaphore_mem>>) {add = true}
      %mul3A_78 = arith.constant 80 : i32
      %mul3A_79 = arith.muli %add3A_63, %mul3A_78 : i32
      %multiple_of3A_80 = tpu.assume_multiple %mul3A_79, 80 : i32
      %dma_wait3A_81 = tpu.memref_slice %arg8[%multiple_of3A_80] : memref<10000xi32, #tpu.memory_space<vmem>> -> memref<80xi32, #tpu.memory_space<vmem>>
      %dma_wait3A_82 = arith.constant 0 : i32
      %dma_wait3A_83 = arith.constant 0 : i32
      %dma_wait3A_84 = tpu.memref_slice %arg11[%dma_wait3A_82, %dma_wait3A_83] : memref<10240x128xf32, #tpu.memory_space<vmem_shared>> -> memref<10240x128xf32, #tpu.memory_space<vmem_shared>>
      tpu.wait_indirect_dma semaphore(%arg14 : memref<!tpu.dma_semaphore, #tpu.memory_space<semaphore_mem>>) src(%arg9 : memref<80x128xf32, #tpu.memory_space<vmem>>) dst(%dma_wait3A_84 : memref<10240x128xf32, #tpu.memory_space<vmem_shared>>)
      %add3A_85 = arith.constant 2 : i32
      %add3A_86 = arith.addi %add3A_63, %add3A_85 : i32
      %mul3A_87 = arith.constant 80 : i32
      %mul3A_88 = arith.muli %add3A_86, %mul3A_87 : i32
      %multiple_of3A_89 = tpu.assume_multiple %mul3A_88, 80 : i32
      %dma_start3A_90 = tpu.memref_slice %arg7[%multiple_of3A_89] : memref<10000xi32, #tpu.memory_space<vmem>> -> memref<80xi32, #tpu.memory_space<vmem>>
      %dma_start3A_91 = arith.constant 0 : i32
      %dma_start3A_92 = arith.constant 0 : i32
      %dma_start3A_93 = tpu.memref_slice %arg2[%dma_start3A_91, %dma_start3A_92] : memref<10240x128xf32, #tpu.memory_space<hbm>> -> memref<10240x128xf32, #tpu.memory_space<hbm>>
      tpu.enqueue_indirect_dma source(%dma_start3A_93 : memref<10240x128xf32, #tpu.memory_space<hbm>>) target(%arg9 : memref<80x128xf32, #tpu.memory_space<vmem>>) offsets(%dma_start3A_90 : memref<80xi32, #tpu.memory_space<vmem>>) semaphore(%arg12 : memref<!tpu.dma_semaphore, #tpu.memory_space<semaphore_mem>>)
      %add3A_94 = arith.constant 1 : i32
      %add3A_95 = arith.addi %mul3A_61, %add3A_94 : i32
      %mul3A_96 = arith.constant 80 : i32
      %mul3A_97 = arith.muli %add3A_95, %mul3A_96 : i32
      %multiple_of3A_98 = tpu.assume_multiple %mul3A_97, 80 : i32
      %dma_wait3A_99 = tpu.memref_slice %arg7[%multiple_of3A_98] : memref<10000xi32, #tpu.memory_space<vmem>> -> memref<80xi32, #tpu.memory_space<vmem>>
      %dma_wait3A_100 = arith.constant 0 : i32
      %dma_wait3A_101 = arith.constant 0 : i32
      %dma_wait3A_102 = tpu.memref_slice %arg2[%dma_wait3A_100, %dma_wait3A_101] : memref<10240x128xf32, #tpu.memory_space<hbm>> -> memref<10240x128xf32, #tpu.memory_space<hbm>>
      tpu.wait_indirect_dma semaphore(%arg13 : memref<!tpu.dma_semaphore, #tpu.memory_space<semaphore_mem>>) src(%dma_wait3A_102 : memref<10240x128xf32, #tpu.memory_space<hbm>>) dst(%arg10 : memref<80x128xf32, #tpu.memory_space<vmem>>)
      %mul3A_103 = arith.constant 80 : i32
      %mul3A_104 = arith.muli %add3A_95, %mul3A_103 : i32
      %multiple_of3A_105 = tpu.assume_multiple %mul3A_104, 80 : i32
      %dma_start3A_106 = tpu.memref_slice %arg8[%multiple_of3A_105] : memref<10000xi32, #tpu.memory_space<vmem>> -> memref<80xi32, #tpu.memory_space<vmem>>
      %dma_start3A_107 = arith.constant 0 : i32
      %dma_start3A_108 = arith.constant 0 : i32
      %dma_start3A_109 = tpu.memref_slice %arg11[%dma_start3A_107, %dma_start3A_108] : memref<10240x128xf32, #tpu.memory_space<vmem_shared>> -> memref<10240x128xf32, #tpu.memory_space<vmem_shared>>
      tpu.enqueue_indirect_dma source(%arg10 : memref<80x128xf32, #tpu.memory_space<vmem>>) target(%dma_start3A_109 : memref<10240x128xf32, #tpu.memory_space<vmem_shared>>) offsets(%dma_start3A_106 : memref<80xi32, #tpu.memory_space<vmem>>) semaphore(%arg15 : memref<!tpu.dma_semaphore, #tpu.memory_space<semaphore_mem>>) {add = true}
      %mul3A_110 = arith.constant 80 : i32
      %mul3A_111 = arith.muli %add3A_95, %mul3A_110 : i32
      %multiple_of3A_112 = tpu.assume_multiple %mul3A_111, 80 : i32
      %dma_wait3A_113 = tpu.memref_slice %arg8[%multiple_of3A_112] : memref<10000xi32, #tpu.memory_space<vmem>> -> memref<80xi32, #tpu.memory_space<vmem>>
      %dma_wait3A_114 = arith.constant 0 : i32
      %dma_wait3A_115 = arith.constant 0 : i32
      %dma_wait3A_116 = tpu.memref_slice %arg11[%dma_wait3A_114, %dma_wait3A_115] : memref<10240x128xf32, #tpu.memory_space<vmem_shared>> -> memref<10240x128xf32, #tpu.memory_space<vmem_shared>>
      tpu.wait_indirect_dma semaphore(%arg15 : memref<!tpu.dma_semaphore, #tpu.memory_space<semaphore_mem>>) src(%arg10 : memref<80x128xf32, #tpu.memory_space<vmem>>) dst(%dma_wait3A_116 : memref<10240x128xf32, #tpu.memory_space<vmem_shared>>)
      %add3A_117 = arith.constant 2 : i32
      %add3A_118 = arith.addi %add3A_95, %add3A_117 : i32
      %mul3A_119 = arith.constant 80 : i32
      %mul3A_120 = arith.muli %add3A_118, %mul3A_119 : i32
      %multiple_of3A_121 = tpu.assume_multiple %mul3A_120, 80 : i32
      %dma_start3A_122 = tpu.memref_slice %arg7[%multiple_of3A_121] : memref<10000xi32, #tpu.memory_space<vmem>> -> memref<80xi32, #tpu.memory_space<vmem>>
      %dma_start3A_123 = arith.constant 0 : i32
      %dma_start3A_124 = arith.constant 0 : i32
      %dma_start3A_125 = tpu.memref_slice %arg2[%dma_start3A_123, %dma_start3A_124] : memref<10240x128xf32, #tpu.memory_space<hbm>> -> memref<10240x128xf32, #tpu.memory_space<hbm>>
      tpu.enqueue_indirect_dma source(%dma_start3A_125 : memref<10240x128xf32, #tpu.memory_space<hbm>>) target(%arg10 : memref<80x128xf32, #tpu.memory_space<vmem>>) offsets(%dma_start3A_122 : memref<80xi32, #tpu.memory_space<vmem>>) semaphore(%arg13 : memref<!tpu.dma_semaphore, #tpu.memory_space<semaphore_mem>>)
      %scan3A_126 = arith.constant 0 : i32
      scf.yield %scan3A_126 : i32
    }
    %scan3A_23 = arith.constant 61 : i32
    %multiple_of3A_24 = arith.constant 9760 : i32
    %multiple_of3A_25 = tpu.assume_multiple %multiple_of3A_24, 80 : i32
    %dma_wait3A = tpu.memref_slice %arg7[%multiple_of3A_25] : memref<10000xi32, #tpu.memory_space<vmem>> -> memref<80xi32, #tpu.memory_space<vmem>>
    %dma_wait3A_26 = arith.constant 0 : i32
    %dma_wait3A_27 = arith.constant 0 : i32
    %dma_wait3A_28 = tpu.memref_slice %arg2[%dma_wait3A_26, %dma_wait3A_27] : memref<10240x128xf32, #tpu.memory_space<hbm>> -> memref<10240x128xf32, #tpu.memory_space<hbm>>
    tpu.wait_indirect_dma semaphore(%arg12 : memref<!tpu.dma_semaphore, #tpu.memory_space<semaphore_mem>>) src(%dma_wait3A_28 : memref<10240x128xf32, #tpu.memory_space<hbm>>) dst(%arg9 : memref<80x128xf32, #tpu.memory_space<vmem>>)
    %multiple_of3A_29 = arith.constant 9760 : i32
    %multiple_of3A_30 = tpu.assume_multiple %multiple_of3A_29, 80 : i32
    "tpu.region"() ({
      %run_scoped3A = tpu.sem_alloc : memref<!tpu.dma_semaphore, #tpu.memory_space<semaphore_mem>>
      %dma_start3A_58 = tpu.memref_slice %arg8[%multiple_of3A_30] : memref<10000xi32, #tpu.memory_space<vmem>> -> memref<80xi32, #tpu.memory_space<vmem>>
      %dma_start3A_59 = arith.constant 0 : i32
      %dma_start3A_60 = arith.constant 0 : i32
      %dma_start3A_61 = tpu.memref_slice %arg11[%dma_start3A_59, %dma_start3A_60] : memref<10240x128xf32, #tpu.memory_space<vmem_shared>> -> memref<10240x128xf32, #tpu.memory_space<vmem_shared>>
      tpu.enqueue_indirect_dma source(%arg9 : memref<80x128xf32, #tpu.memory_space<vmem>>) target(%dma_start3A_61 : memref<10240x128xf32, #tpu.memory_space<vmem_shared>>) offsets(%dma_start3A_58 : memref<80xi32, #tpu.memory_space<vmem>>) semaphore(%run_scoped3A : memref<!tpu.dma_semaphore, #tpu.memory_space<semaphore_mem>>) {add = true}
      %dma_wait3A_62 = tpu.memref_slice %arg8[%multiple_of3A_30] : memref<10000xi32, #tpu.memory_space<vmem>> -> memref<80xi32, #tpu.memory_space<vmem>>
      %dma_wait3A_63 = arith.constant 0 : i32
      %dma_wait3A_64 = arith.constant 0 : i32
      %dma_wait3A_65 = tpu.memref_slice %arg11[%dma_wait3A_63, %dma_wait3A_64] : memref<10240x128xf32, #tpu.memory_space<vmem_shared>> -> memref<10240x128xf32, #tpu.memory_space<vmem_shared>>
      tpu.wait_indirect_dma semaphore(%run_scoped3A : memref<!tpu.dma_semaphore, #tpu.memory_space<semaphore_mem>>) src(%arg9 : memref<80x128xf32, #tpu.memory_space<vmem>>) dst(%dma_wait3A_65 : memref<10240x128xf32, #tpu.memory_space<vmem_shared>>)
      tpu.yield
    }) : () -> ()
    %multiple_of3A_31 = arith.constant 9840 : i32
    %multiple_of3A_32 = tpu.assume_multiple %multiple_of3A_31, 80 : i32
    %dma_wait3A_33 = tpu.memref_slice %arg7[%multiple_of3A_32] : memref<10000xi32, #tpu.memory_space<vmem>> -> memref<80xi32, #tpu.memory_space<vmem>>
    %dma_wait3A_34 = arith.constant 0 : i32
    %dma_wait3A_35 = arith.constant 0 : i32
    %dma_wait3A_36 = tpu.memref_slice %arg2[%dma_wait3A_34, %dma_wait3A_35] : memref<10240x128xf32, #tpu.memory_space<hbm>> -> memref<10240x128xf32, #tpu.memory_space<hbm>>
    tpu.wait_indirect_dma semaphore(%arg13 : memref<!tpu.dma_semaphore, #tpu.memory_space<semaphore_mem>>) src(%dma_wait3A_36 : memref<10240x128xf32, #tpu.memory_space<hbm>>) dst(%arg10 : memref<80x128xf32, #tpu.memory_space<vmem>>)
    %multiple_of3A_37 = arith.constant 9840 : i32
    %multiple_of3A_38 = tpu.assume_multiple %multiple_of3A_37, 80 : i32
    "tpu.region"() ({
      %run_scoped3A = tpu.sem_alloc : memref<!tpu.dma_semaphore, #tpu.memory_space<semaphore_mem>>
      %dma_start3A_58 = tpu.memref_slice %arg8[%multiple_of3A_38] : memref<10000xi32, #tpu.memory_space<vmem>> -> memref<80xi32, #tpu.memory_space<vmem>>
      %dma_start3A_59 = arith.constant 0 : i32
      %dma_start3A_60 = arith.constant 0 : i32
      %dma_start3A_61 = tpu.memref_slice %arg11[%dma_start3A_59, %dma_start3A_60] : memref<10240x128xf32, #tpu.memory_space<vmem_shared>> -> memref<10240x128xf32, #tpu.memory_space<vmem_shared>>
      tpu.enqueue_indirect_dma source(%arg10 : memref<80x128xf32, #tpu.memory_space<vmem>>) target(%dma_start3A_61 : memref<10240x128xf32, #tpu.memory_space<vmem_shared>>) offsets(%dma_start3A_58 : memref<80xi32, #tpu.memory_space<vmem>>) semaphore(%run_scoped3A : memref<!tpu.dma_semaphore, #tpu.memory_space<semaphore_mem>>) {add = true}
      %dma_wait3A_62 = tpu.memref_slice %arg8[%multiple_of3A_38] : memref<10000xi32, #tpu.memory_space<vmem>> -> memref<80xi32, #tpu.memory_space<vmem>>
      %dma_wait3A_63 = arith.constant 0 : i32
      %dma_wait3A_64 = arith.constant 0 : i32
      %dma_wait3A_65 = tpu.memref_slice %arg11[%dma_wait3A_63, %dma_wait3A_64] : memref<10240x128xf32, #tpu.memory_space<vmem_shared>> -> memref<10240x128xf32, #tpu.memory_space<vmem_shared>>
      tpu.wait_indirect_dma semaphore(%run_scoped3A : memref<!tpu.dma_semaphore, #tpu.memory_space<semaphore_mem>>) src(%arg10 : memref<80x128xf32, #tpu.memory_space<vmem>>) dst(%dma_wait3A_65 : memref<10240x128xf32, #tpu.memory_space<vmem_shared>>)
      tpu.yield
    }) : () -> ()
    %multiple_of3A_39 = arith.constant 9920 : i32
    %multiple_of3A_40 = tpu.assume_multiple %multiple_of3A_39, 80 : i32
    %dma_start3A_41 = tpu.memref_slice %arg7[%multiple_of3A_40] : memref<10000xi32, #tpu.memory_space<vmem>> -> memref<80xi32, #tpu.memory_space<vmem>>
    %dma_start3A_42 = arith.constant 0 : i32
    %dma_start3A_43 = arith.constant 0 : i32
    %dma_start3A_44 = tpu.memref_slice %arg2[%dma_start3A_42, %dma_start3A_43] : memref<10240x128xf32, #tpu.memory_space<hbm>> -> memref<10240x128xf32, #tpu.memory_space<hbm>>
    tpu.enqueue_indirect_dma source(%dma_start3A_44 : memref<10240x128xf32, #tpu.memory_space<hbm>>) target(%arg9 : memref<80x128xf32, #tpu.memory_space<vmem>>) offsets(%dma_start3A_41 : memref<80xi32, #tpu.memory_space<vmem>>) semaphore(%arg12 : memref<!tpu.dma_semaphore, #tpu.memory_space<semaphore_mem>>)
    %multiple_of3A_45 = arith.constant 9920 : i32
    %multiple_of3A_46 = tpu.assume_multiple %multiple_of3A_45, 80 : i32
    %dma_wait3A_47 = tpu.memref_slice %arg7[%multiple_of3A_46] : memref<10000xi32, #tpu.memory_space<vmem>> -> memref<80xi32, #tpu.memory_space<vmem>>
    %dma_wait3A_48 = arith.constant 0 : i32
    %dma_wait3A_49 = arith.constant 0 : i32
    %dma_wait3A_50 = tpu.memref_slice %arg2[%dma_wait3A_48, %dma_wait3A_49] : memref<10240x128xf32, #tpu.memory_space<hbm>> -> memref<10240x128xf32, #tpu.memory_space<hbm>>
    tpu.wait_indirect_dma semaphore(%arg12 : memref<!tpu.dma_semaphore, #tpu.memory_space<semaphore_mem>>) src(%dma_wait3A_50 : memref<10240x128xf32, #tpu.memory_space<hbm>>) dst(%arg9 : memref<80x128xf32, #tpu.memory_space<vmem>>)
    %multiple_of3A_51 = arith.constant 9920 : i32
    %multiple_of3A_52 = tpu.assume_multiple %multiple_of3A_51, 80 : i32
    "tpu.region"() ({
      %run_scoped3A = tpu.sem_alloc : memref<!tpu.dma_semaphore, #tpu.memory_space<semaphore_mem>>
      %dma_start3A_58 = tpu.memref_slice %arg8[%multiple_of3A_52] : memref<10000xi32, #tpu.memory_space<vmem>> -> memref<80xi32, #tpu.memory_space<vmem>>
      %dma_start3A_59 = arith.constant 0 : i32
      %dma_start3A_60 = arith.constant 0 : i32
      %dma_start3A_61 = tpu.memref_slice %arg11[%dma_start3A_59, %dma_start3A_60] : memref<10240x128xf32, #tpu.memory_space<vmem_shared>> -> memref<10240x128xf32, #tpu.memory_space<vmem_shared>>
      tpu.enqueue_indirect_dma source(%arg9 : memref<80x128xf32, #tpu.memory_space<vmem>>) target(%dma_start3A_61 : memref<10240x128xf32, #tpu.memory_space<vmem_shared>>) offsets(%dma_start3A_58 : memref<80xi32, #tpu.memory_space<vmem>>) semaphore(%run_scoped3A : memref<!tpu.dma_semaphore, #tpu.memory_space<semaphore_mem>>) {add = true}
      %dma_wait3A_62 = tpu.memref_slice %arg8[%multiple_of3A_52] : memref<10000xi32, #tpu.memory_space<vmem>> -> memref<80xi32, #tpu.memory_space<vmem>>
      %dma_wait3A_63 = arith.constant 0 : i32
      %dma_wait3A_64 = arith.constant 0 : i32
      %dma_wait3A_65 = tpu.memref_slice %arg11[%dma_wait3A_63, %dma_wait3A_64] : memref<10240x128xf32, #tpu.memory_space<vmem_shared>> -> memref<10240x128xf32, #tpu.memory_space<vmem_shared>>
      tpu.wait_indirect_dma semaphore(%run_scoped3A : memref<!tpu.dma_semaphore, #tpu.memory_space<semaphore_mem>>) src(%arg9 : memref<80x128xf32, #tpu.memory_space<vmem>>) dst(%dma_wait3A_65 : memref<10240x128xf32, #tpu.memory_space<vmem_shared>>)
      tpu.yield
    }) : () -> ()
    %barrier3A_53 = arith.constant 0 : index
    tpu.barrier barrier_id(%barrier3A_53)
    %mul3A_54 = arith.constant 640 : i32
    %mul3A_55 = arith.muli %arg1, %mul3A_54 : i32
    %mul3A_56 = arith.constant 640 : i32
    %mul3A_57 = arith.muli %arg1, %mul3A_56 : i32
    "tpu.region"() ({
      %run_scoped3A = tpu.sem_alloc : memref<!tpu.dma_semaphore, #tpu.memory_space<semaphore_mem>>
      %dma_start3A_58 = arith.constant 0 : i32
      %dma_start3A_59 = tpu.memref_slice %arg6[%arg0, %mul3A_57, %dma_start3A_58] : memref<2x10240x128xf32, #tpu.memory_space<hbm>> -> memref<1x640x128xf32, #tpu.memory_space<hbm>>
      %dma_start3A_60 = tpu.memref_squeeze %dma_start3A_59 : memref<1x640x128xf32, #tpu.memory_space<hbm>> -> memref<640x128xf32, #tpu.memory_space<hbm>>
      %dma_start3A_61 = arith.constant 0 : i32
      %dma_start3A_62 = tpu.memref_slice %arg11[%mul3A_55, %dma_start3A_61] : memref<10240x128xf32, #tpu.memory_space<vmem_shared>> -> memref<640x128xf32, #tpu.memory_space<vmem_shared>>
      tpu.enqueue_dma source(%dma_start3A_62 : memref<640x128xf32, #tpu.memory_space<vmem_shared>>) target(%dma_start3A_60 : memref<640x128xf32, #tpu.memory_space<hbm>>) target_semaphore(%run_scoped3A : memref<!tpu.dma_semaphore, #tpu.memory_space<semaphore_mem>>)
      %dma_wait3A_63 = arith.constant 0 : i32
      %dma_wait3A_64 = tpu.memref_slice %arg6[%arg0, %mul3A_57, %dma_wait3A_63] : memref<2x10240x128xf32, #tpu.memory_space<hbm>> -> memref<1x640x128xf32, #tpu.memory_space<hbm>>
      %dma_wait3A_65 = tpu.memref_squeeze %dma_wait3A_64 : memref<1x640x128xf32, #tpu.memory_space<hbm>> -> memref<640x128xf32, #tpu.memory_space<hbm>>
      %dma_wait3A_66 = arith.constant 0 : i32
      %dma_wait3A_67 = tpu.memref_slice %arg11[%mul3A_55, %dma_wait3A_66] : memref<10240x128xf32, #tpu.memory_space<vmem_shared>> -> memref<640x128xf32, #tpu.memory_space<vmem_shared>>
      tpu.wait_dma2 semaphore(%run_scoped3A : memref<!tpu.dma_semaphore, #tpu.memory_space<semaphore_mem>>) src(%dma_wait3A_67 : memref<640x128xf32, #tpu.memory_space<vmem_shared>>) dst(%dma_wait3A_65 : memref<640x128xf32, #tpu.memory_space<hbm>>)
      tpu.yield
    }) : () -> ()
    return
  }
}

#map = affine_map<(d0, d1) -> (0, 0)>
#map1 = affine_map<(d0, d1) -> (0)>
#map2 = affine_map<(d0, d1) -> (0, 0, 0)>
module attributes {stable_mosaic.version = 14 : i64} {
  func.func @_sc_agg_body(%arg0: i32, %arg1: i32, %arg2: memref<10240x128xf32, #tpu.memory_space<hbm>>, %arg3: memref<320000xi32, #tpu.memory_space<hbm>>, %arg4: memref<320000xi32, #tpu.memory_space<hbm>>, %arg5: memref<10240x128xf32, #tpu.memory_space<hbm>>, %arg6: memref<2x10240x128xf32, #tpu.memory_space<hbm>>, %arg7: memref<10000xi32, #tpu.memory_space<vmem>>, %arg8: memref<10000xi32, #tpu.memory_space<vmem>>, %arg9: memref<80x128xf32, #tpu.memory_space<vmem>>, %arg10: memref<80x128xf32, #tpu.memory_space<vmem>>, %arg11: memref<10240x128xf32, #tpu.memory_space<vmem_shared>>, %arg12: memref<!tpu.dma_semaphore, #tpu.memory_space<semaphore_mem>>, %arg13: memref<!tpu.dma_semaphore, #tpu.memory_space<semaphore_mem>>, %arg14: memref<!tpu.dma_semaphore, #tpu.memory_space<semaphore_mem>>, %arg15: memref<!tpu.dma_semaphore, #tpu.memory_space<semaphore_mem>>) attributes {dimension_semantics = [#tpu.dimension_semantics<core_parallel>, #tpu.dimension_semantics<subcore_parallel>], iteration_bounds = array<i64: 2, 16>, scalar_prefetch = 0 : i64, scratch_operands = 9 : i64, tpu.core_type = #tpu.core_type<sc_vector_subcore>, window_params = [{transform_indices = #map}, {transform_indices = #map1}, {transform_indices = #map1}, {transform_indices = #map}, {transform_indices = #map2}]} {
    %mul3A = arith.constant 2 : i32
    %mul3A_0 = arith.muli %arg1, %mul3A : i32
    %add3A = arith.addi %mul3A_0, %arg0 : i32
    %mul3A_1 = arith.constant 10000 : i32
    %mul3A_2 = arith.muli %add3A, %mul3A_1 : i32
    %multiple_of3A = tpu.assume_multiple %mul3A_2, 10000 : i32
    %mul3A_3 = arith.constant 640 : i32
    %mul3A_4 = arith.muli %arg1, %mul3A_3 : i32
    %mul3A_5 = arith.constant 640 : i32
    %mul3A_6 = arith.muli %arg1, %mul3A_5 : i32
    "tpu.region"() ({
      %run_scoped3A = tpu.sem_alloc : memref<!tpu.dma_semaphore, #tpu.memory_space<semaphore_mem>>
      %dma_start3A_58 = arith.constant 0 : i32
      %dma_start3A_59 = tpu.memref_slice %arg11[%mul3A_6, %dma_start3A_58] : memref<10240x128xf32, #tpu.memory_space<vmem_shared>> -> memref<640x128xf32, #tpu.memory_space<vmem_shared>>
      %dma_start3A_60 = arith.constant 0 : i32
      %dma_start3A_61 = tpu.memref_slice %arg5[%mul3A_4, %dma_start3A_60] : memref<10240x128xf32, #tpu.memory_space<hbm>> -> memref<640x128xf32, #tpu.memory_space<hbm>>
      tpu.enqueue_dma source(%dma_start3A_61 : memref<640x128xf32, #tpu.memory_space<hbm>>) target(%dma_start3A_59 : memref<640x128xf32, #tpu.memory_space<vmem_shared>>) target_semaphore(%run_scoped3A : memref<!tpu.dma_semaphore, #tpu.memory_space<semaphore_mem>>)
      %dma_wait3A_62 = arith.constant 0 : i32
      %dma_wait3A_63 = tpu.memref_slice %arg11[%mul3A_6, %dma_wait3A_62] : memref<10240x128xf32, #tpu.memory_space<vmem_shared>> -> memref<640x128xf32, #tpu.memory_space<vmem_shared>>
      %dma_wait3A_64 = arith.constant 0 : i32
      %dma_wait3A_65 = tpu.memref_slice %arg5[%mul3A_4, %dma_wait3A_64] : memref<10240x128xf32, #tpu.memory_space<hbm>> -> memref<640x128xf32, #tpu.memory_space<hbm>>
      tpu.wait_dma2 semaphore(%run_scoped3A : memref<!tpu.dma_semaphore, #tpu.memory_space<semaphore_mem>>) src(%dma_wait3A_65 : memref<640x128xf32, #tpu.memory_space<hbm>>) dst(%dma_wait3A_63 : memref<640x128xf32, #tpu.memory_space<vmem_shared>>)
      tpu.yield
    }) : () -> ()
    "tpu.region"() ({
      %run_scoped3A = tpu.sem_alloc : memref<!tpu.dma_semaphore, #tpu.memory_space<semaphore_mem>>
      %dma_start3A_58 = tpu.memref_slice %arg3[%multiple_of3A] : memref<320000xi32, #tpu.memory_space<hbm>> -> memref<10000xi32, #tpu.memory_space<hbm>>
      %dma_start3A_59 = tpu.memref_slice %arg3[%multiple_of3A] : memref<320000xi32, #tpu.memory_space<hbm>> -> memref<10000xi32, #tpu.memory_space<hbm>>
      tpu.enqueue_dma source(%dma_start3A_59 : memref<10000xi32, #tpu.memory_space<hbm>>) target(%arg7 : memref<10000xi32, #tpu.memory_space<vmem>>) target_semaphore(%run_scoped3A : memref<!tpu.dma_semaphore, #tpu.memory_space<semaphore_mem>>)
      %dma_wait3A_60 = tpu.memref_slice %arg3[%multiple_of3A] : memref<320000xi32, #tpu.memory_space<hbm>> -> memref<10000xi32, #tpu.memory_space<hbm>>
      %dma_wait3A_61 = tpu.memref_slice %arg3[%multiple_of3A] : memref<320000xi32, #tpu.memory_space<hbm>> -> memref<10000xi32, #tpu.memory_space<hbm>>
      tpu.wait_dma2 semaphore(%run_scoped3A : memref<!tpu.dma_semaphore, #tpu.memory_space<semaphore_mem>>) src(%dma_wait3A_61 : memref<10000xi32, #tpu.memory_space<hbm>>) dst(%arg7 : memref<10000xi32, #tpu.memory_space<vmem>>)
      tpu.yield
    }) : () -> ()
    "tpu.region"() ({
      %run_scoped3A = tpu.sem_alloc : memref<!tpu.dma_semaphore, #tpu.memory_space<semaphore_mem>>
      %dma_start3A_58 = tpu.memref_slice %arg4[%multiple_of3A] : memref<320000xi32, #tpu.memory_space<hbm>> -> memref<10000xi32, #tpu.memory_space<hbm>>
      %dma_start3A_59 = tpu.memref_slice %arg4[%multiple_of3A] : memref<320000xi32, #tpu.memory_space<hbm>> -> memref<10000xi32, #tpu.memory_space<hbm>>
      tpu.enqueue_dma source(%dma_start3A_59 : memref<10000xi32, #tpu.memory_space<hbm>>) target(%arg8 : memref<10000xi32, #tpu.memory_space<vmem>>) target_semaphore(%run_scoped3A : memref<!tpu.dma_semaphore, #tpu.memory_space<semaphore_mem>>)
      %dma_wait3A_60 = tpu.memref_slice %arg4[%multiple_of3A] : memref<320000xi32, #tpu.memory_space<hbm>> -> memref<10000xi32, #tpu.memory_space<hbm>>
      %dma_wait3A_61 = tpu.memref_slice %arg4[%multiple_of3A] : memref<320000xi32, #tpu.memory_space<hbm>> -> memref<10000xi32, #tpu.memory_space<hbm>>
      tpu.wait_dma2 semaphore(%run_scoped3A : memref<!tpu.dma_semaphore, #tpu.memory_space<semaphore_mem>>) src(%dma_wait3A_61 : memref<10000xi32, #tpu.memory_space<hbm>>) dst(%arg8 : memref<10000xi32, #tpu.memory_space<vmem>>)
      tpu.yield
    }) : () -> ()
    %barrier3A = arith.constant 0 : index
    tpu.barrier barrier_id(%barrier3A)
    %multiple_of3A_7 = arith.constant 0 : i32
    %multiple_of3A_8 = tpu.assume_multiple %multiple_of3A_7, 80 : i32
    %dma_start3A = tpu.memref_slice %arg7[%multiple_of3A_8] : memref<10000xi32, #tpu.memory_space<vmem>> -> memref<80xi32, #tpu.memory_space<vmem>>
    %dma_start3A_9 = arith.constant 0 : i32
    %dma_start3A_10 = arith.constant 0 : i32
    %dma_start3A_11 = tpu.memref_slice %arg2[%dma_start3A_9, %dma_start3A_10] : memref<10240x128xf32, #tpu.memory_space<hbm>> -> memref<10240x128xf32, #tpu.memory_space<hbm>>
    tpu.enqueue_indirect_dma source(%dma_start3A_11 : memref<10240x128xf32, #tpu.memory_space<hbm>>) target(%arg9 : memref<80x128xf32, #tpu.memory_space<vmem>>) offsets(%dma_start3A : memref<80xi32, #tpu.memory_space<vmem>>) semaphore(%arg12 : memref<!tpu.dma_semaphore, #tpu.memory_space<semaphore_mem>>)
    %multiple_of3A_12 = arith.constant 80 : i32
    %multiple_of3A_13 = tpu.assume_multiple %multiple_of3A_12, 80 : i32
    %dma_start3A_14 = tpu.memref_slice %arg7[%multiple_of3A_13] : memref<10000xi32, #tpu.memory_space<vmem>> -> memref<80xi32, #tpu.memory_space<vmem>>
    %dma_start3A_15 = arith.constant 0 : i32
    %dma_start3A_16 = arith.constant 0 : i32
    %dma_start3A_17 = tpu.memref_slice %arg2[%dma_start3A_15, %dma_start3A_16] : memref<10240x128xf32, #tpu.memory_space<hbm>> -> memref<10240x128xf32, #tpu.memory_space<hbm>>
    tpu.enqueue_indirect_dma source(%dma_start3A_17 : memref<10240x128xf32, #tpu.memory_space<hbm>>) target(%arg10 : memref<80x128xf32, #tpu.memory_space<vmem>>) offsets(%dma_start3A_14 : memref<80xi32, #tpu.memory_space<vmem>>) semaphore(%arg13 : memref<!tpu.dma_semaphore, #tpu.memory_space<semaphore_mem>>)
    %scan3A = arith.constant 0 : i32
    %scan3A_18 = arith.constant 0 : i32
    %scan3A_19 = arith.constant 61 : i32
    %scan3A_20 = arith.addi %scan3A_18, %scan3A_19 : i32
    %scan3A_21 = arith.constant 1 : i32
    %scan3A_22 = scf.for %scan3A_58 = %scan3A_18 to %scan3A_20 step %scan3A_21 iter_args(%scan3A_59 = %scan3A) -> (i32)  : i32 {
      %mul3A_60 = arith.constant 2 : i32
      %mul3A_61 = arith.muli %scan3A_58, %mul3A_60 : i32
      %add3A_62 = arith.constant 0 : i32
      %add3A_63 = arith.addi %mul3A_61, %add3A_62 : i32
      %mul3A_64 = arith.constant 80 : i32
      %mul3A_65 = arith.muli %add3A_63, %mul3A_64 : i32
      %multiple_of3A_66 = tpu.assume_multiple %mul3A_65, 80 : i32
      %dma_wait3A_67 = tpu.memref_slice %arg7[%multiple_of3A_66] : memref<10000xi32, #tpu.memory_space<vmem>> -> memref<80xi32, #tpu.memory_space<vmem>>
      %dma_wait3A_68 = arith.constant 0 : i32
      %dma_wait3A_69 = arith.constant 0 : i32
      %dma_wait3A_70 = tpu.memref_slice %arg2[%dma_wait3A_68, %dma_wait3A_69] : memref<10240x128xf32, #tpu.memory_space<hbm>> -> memref<10240x128xf32, #tpu.memory_space<hbm>>
      tpu.wait_indirect_dma semaphore(%arg12 : memref<!tpu.dma_semaphore, #tpu.memory_space<semaphore_mem>>) src(%dma_wait3A_70 : memref<10240x128xf32, #tpu.memory_space<hbm>>) dst(%arg9 : memref<80x128xf32, #tpu.memory_space<vmem>>)
      %mul3A_71 = arith.constant 80 : i32
      %mul3A_72 = arith.muli %add3A_63, %mul3A_71 : i32
      %multiple_of3A_73 = tpu.assume_multiple %mul3A_72, 80 : i32
      %dma_start3A_74 = tpu.memref_slice %arg8[%multiple_of3A_73] : memref<10000xi32, #tpu.memory_space<vmem>> -> memref<80xi32, #tpu.memory_space<vmem>>
      %dma_start3A_75 = arith.constant 0 : i32
      %dma_start3A_76 = arith.constant 0 : i32
      %dma_start3A_77 = tpu.memref_slice %arg11[%dma_start3A_75, %dma_start3A_76] : memref<10240x128xf32, #tpu.memory_space<vmem_shared>> -> memref<10240x128xf32, #tpu.memory_space<vmem_shared>>
      tpu.enqueue_indirect_dma source(%arg9 : memref<80x128xf32, #tpu.memory_space<vmem>>) target(%dma_start3A_77 : memref<10240x128xf32, #tpu.memory_space<vmem_shared>>) offsets(%dma_start3A_74 : memref<80xi32, #tpu.memory_space<vmem>>) semaphore(%arg14 : memref<!tpu.dma_semaphore, #tpu.memory_space<semaphore_mem>>) {add = true}
      %mul3A_78 = arith.constant 80 : i32
      %mul3A_79 = arith.muli %add3A_63, %mul3A_78 : i32
      %multiple_of3A_80 = tpu.assume_multiple %mul3A_79, 80 : i32
      %dma_wait3A_81 = tpu.memref_slice %arg8[%multiple_of3A_80] : memref<10000xi32, #tpu.memory_space<vmem>> -> memref<80xi32, #tpu.memory_space<vmem>>
      %dma_wait3A_82 = arith.constant 0 : i32
      %dma_wait3A_83 = arith.constant 0 : i32
      %dma_wait3A_84 = tpu.memref_slice %arg11[%dma_wait3A_82, %dma_wait3A_83] : memref<10240x128xf32, #tpu.memory_space<vmem_shared>> -> memref<10240x128xf32, #tpu.memory_space<vmem_shared>>
      tpu.wait_indirect_dma semaphore(%arg14 : memref<!tpu.dma_semaphore, #tpu.memory_space<semaphore_mem>>) src(%arg9 : memref<80x128xf32, #tpu.memory_space<vmem>>) dst(%dma_wait3A_84 : memref<10240x128xf32, #tpu.memory_space<vmem_shared>>)
      %add3A_85 = arith.constant 2 : i32
      %add3A_86 = arith.addi %add3A_63, %add3A_85 : i32
      %mul3A_87 = arith.constant 80 : i32
      %mul3A_88 = arith.muli %add3A_86, %mul3A_87 : i32
      %multiple_of3A_89 = tpu.assume_multiple %mul3A_88, 80 : i32
      %dma_start3A_90 = tpu.memref_slice %arg7[%multiple_of3A_89] : memref<10000xi32, #tpu.memory_space<vmem>> -> memref<80xi32, #tpu.memory_space<vmem>>
      %dma_start3A_91 = arith.constant 0 : i32
      %dma_start3A_92 = arith.constant 0 : i32
      %dma_start3A_93 = tpu.memref_slice %arg2[%dma_start3A_91, %dma_start3A_92] : memref<10240x128xf32, #tpu.memory_space<hbm>> -> memref<10240x128xf32, #tpu.memory_space<hbm>>
      tpu.enqueue_indirect_dma source(%dma_start3A_93 : memref<10240x128xf32, #tpu.memory_space<hbm>>) target(%arg9 : memref<80x128xf32, #tpu.memory_space<vmem>>) offsets(%dma_start3A_90 : memref<80xi32, #tpu.memory_space<vmem>>) semaphore(%arg12 : memref<!tpu.dma_semaphore, #tpu.memory_space<semaphore_mem>>)
      %add3A_94 = arith.constant 1 : i32
      %add3A_95 = arith.addi %mul3A_61, %add3A_94 : i32
      %mul3A_96 = arith.constant 80 : i32
      %mul3A_97 = arith.muli %add3A_95, %mul3A_96 : i32
      %multiple_of3A_98 = tpu.assume_multiple %mul3A_97, 80 : i32
      %dma_wait3A_99 = tpu.memref_slice %arg7[%multiple_of3A_98] : memref<10000xi32, #tpu.memory_space<vmem>> -> memref<80xi32, #tpu.memory_space<vmem>>
      %dma_wait3A_100 = arith.constant 0 : i32
      %dma_wait3A_101 = arith.constant 0 : i32
      %dma_wait3A_102 = tpu.memref_slice %arg2[%dma_wait3A_100, %dma_wait3A_101] : memref<10240x128xf32, #tpu.memory_space<hbm>> -> memref<10240x128xf32, #tpu.memory_space<hbm>>
      tpu.wait_indirect_dma semaphore(%arg13 : memref<!tpu.dma_semaphore, #tpu.memory_space<semaphore_mem>>) src(%dma_wait3A_102 : memref<10240x128xf32, #tpu.memory_space<hbm>>) dst(%arg10 : memref<80x128xf32, #tpu.memory_space<vmem>>)
      %mul3A_103 = arith.constant 80 : i32
      %mul3A_104 = arith.muli %add3A_95, %mul3A_103 : i32
      %multiple_of3A_105 = tpu.assume_multiple %mul3A_104, 80 : i32
      %dma_start3A_106 = tpu.memref_slice %arg8[%multiple_of3A_105] : memref<10000xi32, #tpu.memory_space<vmem>> -> memref<80xi32, #tpu.memory_space<vmem>>
      %dma_start3A_107 = arith.constant 0 : i32
      %dma_start3A_108 = arith.constant 0 : i32
      %dma_start3A_109 = tpu.memref_slice %arg11[%dma_start3A_107, %dma_start3A_108] : memref<10240x128xf32, #tpu.memory_space<vmem_shared>> -> memref<10240x128xf32, #tpu.memory_space<vmem_shared>>
      tpu.enqueue_indirect_dma source(%arg10 : memref<80x128xf32, #tpu.memory_space<vmem>>) target(%dma_start3A_109 : memref<10240x128xf32, #tpu.memory_space<vmem_shared>>) offsets(%dma_start3A_106 : memref<80xi32, #tpu.memory_space<vmem>>) semaphore(%arg15 : memref<!tpu.dma_semaphore, #tpu.memory_space<semaphore_mem>>) {add = true}
      %mul3A_110 = arith.constant 80 : i32
      %mul3A_111 = arith.muli %add3A_95, %mul3A_110 : i32
      %multiple_of3A_112 = tpu.assume_multiple %mul3A_111, 80 : i32
      %dma_wait3A_113 = tpu.memref_slice %arg8[%multiple_of3A_112] : memref<10000xi32, #tpu.memory_space<vmem>> -> memref<80xi32, #tpu.memory_space<vmem>>
      %dma_wait3A_114 = arith.constant 0 : i32
      %dma_wait3A_115 = arith.constant 0 : i32
      %dma_wait3A_116 = tpu.memref_slice %arg11[%dma_wait3A_114, %dma_wait3A_115] : memref<10240x128xf32, #tpu.memory_space<vmem_shared>> -> memref<10240x128xf32, #tpu.memory_space<vmem_shared>>
      tpu.wait_indirect_dma semaphore(%arg15 : memref<!tpu.dma_semaphore, #tpu.memory_space<semaphore_mem>>) src(%arg10 : memref<80x128xf32, #tpu.memory_space<vmem>>) dst(%dma_wait3A_116 : memref<10240x128xf32, #tpu.memory_space<vmem_shared>>)
      %add3A_117 = arith.constant 2 : i32
      %add3A_118 = arith.addi %add3A_95, %add3A_117 : i32
      %mul3A_119 = arith.constant 80 : i32
      %mul3A_120 = arith.muli %add3A_118, %mul3A_119 : i32
      %multiple_of3A_121 = tpu.assume_multiple %mul3A_120, 80 : i32
      %dma_start3A_122 = tpu.memref_slice %arg7[%multiple_of3A_121] : memref<10000xi32, #tpu.memory_space<vmem>> -> memref<80xi32, #tpu.memory_space<vmem>>
      %dma_start3A_123 = arith.constant 0 : i32
      %dma_start3A_124 = arith.constant 0 : i32
      %dma_start3A_125 = tpu.memref_slice %arg2[%dma_start3A_123, %dma_start3A_124] : memref<10240x128xf32, #tpu.memory_space<hbm>> -> memref<10240x128xf32, #tpu.memory_space<hbm>>
      tpu.enqueue_indirect_dma source(%dma_start3A_125 : memref<10240x128xf32, #tpu.memory_space<hbm>>) target(%arg10 : memref<80x128xf32, #tpu.memory_space<vmem>>) offsets(%dma_start3A_122 : memref<80xi32, #tpu.memory_space<vmem>>) semaphore(%arg13 : memref<!tpu.dma_semaphore, #tpu.memory_space<semaphore_mem>>)
      %scan3A_126 = arith.constant 0 : i32
      scf.yield %scan3A_126 : i32
    }
    %scan3A_23 = arith.constant 61 : i32
    %multiple_of3A_24 = arith.constant 9760 : i32
    %multiple_of3A_25 = tpu.assume_multiple %multiple_of3A_24, 80 : i32
    %dma_wait3A = tpu.memref_slice %arg7[%multiple_of3A_25] : memref<10000xi32, #tpu.memory_space<vmem>> -> memref<80xi32, #tpu.memory_space<vmem>>
    %dma_wait3A_26 = arith.constant 0 : i32
    %dma_wait3A_27 = arith.constant 0 : i32
    %dma_wait3A_28 = tpu.memref_slice %arg2[%dma_wait3A_26, %dma_wait3A_27] : memref<10240x128xf32, #tpu.memory_space<hbm>> -> memref<10240x128xf32, #tpu.memory_space<hbm>>
    tpu.wait_indirect_dma semaphore(%arg12 : memref<!tpu.dma_semaphore, #tpu.memory_space<semaphore_mem>>) src(%dma_wait3A_28 : memref<10240x128xf32, #tpu.memory_space<hbm>>) dst(%arg9 : memref<80x128xf32, #tpu.memory_space<vmem>>)
    %multiple_of3A_29 = arith.constant 9760 : i32
    %multiple_of3A_30 = tpu.assume_multiple %multiple_of3A_29, 80 : i32
    "tpu.region"() ({
      %run_scoped3A = tpu.sem_alloc : memref<!tpu.dma_semaphore, #tpu.memory_space<semaphore_mem>>
      %dma_start3A_58 = tpu.memref_slice %arg8[%multiple_of3A_30] : memref<10000xi32, #tpu.memory_space<vmem>> -> memref<80xi32, #tpu.memory_space<vmem>>
      %dma_start3A_59 = arith.constant 0 : i32
      %dma_start3A_60 = arith.constant 0 : i32
      %dma_start3A_61 = tpu.memref_slice %arg11[%dma_start3A_59, %dma_start3A_60] : memref<10240x128xf32, #tpu.memory_space<vmem_shared>> -> memref<10240x128xf32, #tpu.memory_space<vmem_shared>>
      tpu.enqueue_indirect_dma source(%arg9 : memref<80x128xf32, #tpu.memory_space<vmem>>) target(%dma_start3A_61 : memref<10240x128xf32, #tpu.memory_space<vmem_shared>>) offsets(%dma_start3A_58 : memref<80xi32, #tpu.memory_space<vmem>>) semaphore(%run_scoped3A : memref<!tpu.dma_semaphore, #tpu.memory_space<semaphore_mem>>) {add = true}
      %dma_wait3A_62 = tpu.memref_slice %arg8[%multiple_of3A_30] : memref<10000xi32, #tpu.memory_space<vmem>> -> memref<80xi32, #tpu.memory_space<vmem>>
      %dma_wait3A_63 = arith.constant 0 : i32
      %dma_wait3A_64 = arith.constant 0 : i32
      %dma_wait3A_65 = tpu.memref_slice %arg11[%dma_wait3A_63, %dma_wait3A_64] : memref<10240x128xf32, #tpu.memory_space<vmem_shared>> -> memref<10240x128xf32, #tpu.memory_space<vmem_shared>>
      tpu.wait_indirect_dma semaphore(%run_scoped3A : memref<!tpu.dma_semaphore, #tpu.memory_space<semaphore_mem>>) src(%arg9 : memref<80x128xf32, #tpu.memory_space<vmem>>) dst(%dma_wait3A_65 : memref<10240x128xf32, #tpu.memory_space<vmem_shared>>)
      tpu.yield
    }) : () -> ()
    %multiple_of3A_31 = arith.constant 9840 : i32
    %multiple_of3A_32 = tpu.assume_multiple %multiple_of3A_31, 80 : i32
    %dma_wait3A_33 = tpu.memref_slice %arg7[%multiple_of3A_32] : memref<10000xi32, #tpu.memory_space<vmem>> -> memref<80xi32, #tpu.memory_space<vmem>>
    %dma_wait3A_34 = arith.constant 0 : i32
    %dma_wait3A_35 = arith.constant 0 : i32
    %dma_wait3A_36 = tpu.memref_slice %arg2[%dma_wait3A_34, %dma_wait3A_35] : memref<10240x128xf32, #tpu.memory_space<hbm>> -> memref<10240x128xf32, #tpu.memory_space<hbm>>
    tpu.wait_indirect_dma semaphore(%arg13 : memref<!tpu.dma_semaphore, #tpu.memory_space<semaphore_mem>>) src(%dma_wait3A_36 : memref<10240x128xf32, #tpu.memory_space<hbm>>) dst(%arg10 : memref<80x128xf32, #tpu.memory_space<vmem>>)
    %multiple_of3A_37 = arith.constant 9840 : i32
    %multiple_of3A_38 = tpu.assume_multiple %multiple_of3A_37, 80 : i32
    "tpu.region"() ({
      %run_scoped3A = tpu.sem_alloc : memref<!tpu.dma_semaphore, #tpu.memory_space<semaphore_mem>>
      %dma_start3A_58 = tpu.memref_slice %arg8[%multiple_of3A_38] : memref<10000xi32, #tpu.memory_space<vmem>> -> memref<80xi32, #tpu.memory_space<vmem>>
      %dma_start3A_59 = arith.constant 0 : i32
      %dma_start3A_60 = arith.constant 0 : i32
      %dma_start3A_61 = tpu.memref_slice %arg11[%dma_start3A_59, %dma_start3A_60] : memref<10240x128xf32, #tpu.memory_space<vmem_shared>> -> memref<10240x128xf32, #tpu.memory_space<vmem_shared>>
      tpu.enqueue_indirect_dma source(%arg10 : memref<80x128xf32, #tpu.memory_space<vmem>>) target(%dma_start3A_61 : memref<10240x128xf32, #tpu.memory_space<vmem_shared>>) offsets(%dma_start3A_58 : memref<80xi32, #tpu.memory_space<vmem>>) semaphore(%run_scoped3A : memref<!tpu.dma_semaphore, #tpu.memory_space<semaphore_mem>>) {add = true}
      %dma_wait3A_62 = tpu.memref_slice %arg8[%multiple_of3A_38] : memref<10000xi32, #tpu.memory_space<vmem>> -> memref<80xi32, #tpu.memory_space<vmem>>
      %dma_wait3A_63 = arith.constant 0 : i32
      %dma_wait3A_64 = arith.constant 0 : i32
      %dma_wait3A_65 = tpu.memref_slice %arg11[%dma_wait3A_63, %dma_wait3A_64] : memref<10240x128xf32, #tpu.memory_space<vmem_shared>> -> memref<10240x128xf32, #tpu.memory_space<vmem_shared>>
      tpu.wait_indirect_dma semaphore(%run_scoped3A : memref<!tpu.dma_semaphore, #tpu.memory_space<semaphore_mem>>) src(%arg10 : memref<80x128xf32, #tpu.memory_space<vmem>>) dst(%dma_wait3A_65 : memref<10240x128xf32, #tpu.memory_space<vmem_shared>>)
      tpu.yield
    }) : () -> ()
    %multiple_of3A_39 = arith.constant 9920 : i32
    %multiple_of3A_40 = tpu.assume_multiple %multiple_of3A_39, 80 : i32
    %dma_start3A_41 = tpu.memref_slice %arg7[%multiple_of3A_40] : memref<10000xi32, #tpu.memory_space<vmem>> -> memref<80xi32, #tpu.memory_space<vmem>>
    %dma_start3A_42 = arith.constant 0 : i32
    %dma_start3A_43 = arith.constant 0 : i32
    %dma_start3A_44 = tpu.memref_slice %arg2[%dma_start3A_42, %dma_start3A_43] : memref<10240x128xf32, #tpu.memory_space<hbm>> -> memref<10240x128xf32, #tpu.memory_space<hbm>>
    tpu.enqueue_indirect_dma source(%dma_start3A_44 : memref<10240x128xf32, #tpu.memory_space<hbm>>) target(%arg9 : memref<80x128xf32, #tpu.memory_space<vmem>>) offsets(%dma_start3A_41 : memref<80xi32, #tpu.memory_space<vmem>>) semaphore(%arg12 : memref<!tpu.dma_semaphore, #tpu.memory_space<semaphore_mem>>)
    %multiple_of3A_45 = arith.constant 9920 : i32
    %multiple_of3A_46 = tpu.assume_multiple %multiple_of3A_45, 80 : i32
    %dma_wait3A_47 = tpu.memref_slice %arg7[%multiple_of3A_46] : memref<10000xi32, #tpu.memory_space<vmem>> -> memref<80xi32, #tpu.memory_space<vmem>>
    %dma_wait3A_48 = arith.constant 0 : i32
    %dma_wait3A_49 = arith.constant 0 : i32
    %dma_wait3A_50 = tpu.memref_slice %arg2[%dma_wait3A_48, %dma_wait3A_49] : memref<10240x128xf32, #tpu.memory_space<hbm>> -> memref<10240x128xf32, #tpu.memory_space<hbm>>
    tpu.wait_indirect_dma semaphore(%arg12 : memref<!tpu.dma_semaphore, #tpu.memory_space<semaphore_mem>>) src(%dma_wait3A_50 : memref<10240x128xf32, #tpu.memory_space<hbm>>) dst(%arg9 : memref<80x128xf32, #tpu.memory_space<vmem>>)
    %multiple_of3A_51 = arith.constant 9920 : i32
    %multiple_of3A_52 = tpu.assume_multiple %multiple_of3A_51, 80 : i32
    "tpu.region"() ({
      %run_scoped3A = tpu.sem_alloc : memref<!tpu.dma_semaphore, #tpu.memory_space<semaphore_mem>>
      %dma_start3A_58 = tpu.memref_slice %arg8[%multiple_of3A_52] : memref<10000xi32, #tpu.memory_space<vmem>> -> memref<80xi32, #tpu.memory_space<vmem>>
      %dma_start3A_59 = arith.constant 0 : i32
      %dma_start3A_60 = arith.constant 0 : i32
      %dma_start3A_61 = tpu.memref_slice %arg11[%dma_start3A_59, %dma_start3A_60] : memref<10240x128xf32, #tpu.memory_space<vmem_shared>> -> memref<10240x128xf32, #tpu.memory_space<vmem_shared>>
      tpu.enqueue_indirect_dma source(%arg9 : memref<80x128xf32, #tpu.memory_space<vmem>>) target(%dma_start3A_61 : memref<10240x128xf32, #tpu.memory_space<vmem_shared>>) offsets(%dma_start3A_58 : memref<80xi32, #tpu.memory_space<vmem>>) semaphore(%run_scoped3A : memref<!tpu.dma_semaphore, #tpu.memory_space<semaphore_mem>>) {add = true}
      %dma_wait3A_62 = tpu.memref_slice %arg8[%multiple_of3A_52] : memref<10000xi32, #tpu.memory_space<vmem>> -> memref<80xi32, #tpu.memory_space<vmem>>
      %dma_wait3A_63 = arith.constant 0 : i32
      %dma_wait3A_64 = arith.constant 0 : i32
      %dma_wait3A_65 = tpu.memref_slice %arg11[%dma_wait3A_63, %dma_wait3A_64] : memref<10240x128xf32, #tpu.memory_space<vmem_shared>> -> memref<10240x128xf32, #tpu.memory_space<vmem_shared>>
      tpu.wait_indirect_dma semaphore(%run_scoped3A : memref<!tpu.dma_semaphore, #tpu.memory_space<semaphore_mem>>) src(%arg9 : memref<80x128xf32, #tpu.memory_space<vmem>>) dst(%dma_wait3A_65 : memref<10240x128xf32, #tpu.memory_space<vmem_shared>>)
      tpu.yield
    }) : () -> ()
    %barrier3A_53 = arith.constant 0 : index
    tpu.barrier barrier_id(%barrier3A_53)
    %mul3A_54 = arith.constant 640 : i32
    %mul3A_55 = arith.muli %arg1, %mul3A_54 : i32
    %mul3A_56 = arith.constant 640 : i32
    %mul3A_57 = arith.muli %arg1, %mul3A_56 : i32
    "tpu.region"() ({
      %run_scoped3A = tpu.sem_alloc : memref<!tpu.dma_semaphore, #tpu.memory_space<semaphore_mem>>
      %dma_start3A_58 = arith.constant 0 : i32
      %dma_start3A_59 = tpu.memref_slice %arg6[%arg0, %mul3A_57, %dma_start3A_58] : memref<2x10240x128xf32, #tpu.memory_space<hbm>> -> memref<1x640x128xf32, #tpu.memory_space<hbm>>
      %dma_start3A_60 = tpu.memref_squeeze %dma_start3A_59 : memref<1x640x128xf32, #tpu.memory_space<hbm>> -> memref<640x128xf32, #tpu.memory_space<hbm>>
      %dma_start3A_61 = arith.constant 0 : i32
      %dma_start3A_62 = tpu.memref_slice %arg11[%mul3A_55, %dma_start3A_61] : memref<10240x128xf32, #tpu.memory_space<vmem_shared>> -> memref<640x128xf32, #tpu.memory_space<vmem_shared>>
      tpu.enqueue_dma source(%dma_start3A_62 : memref<640x128xf32, #tpu.memory_space<vmem_shared>>) target(%dma_start3A_60 : memref<640x128xf32, #tpu.memory_space<hbm>>) target_semaphore(%run_scoped3A : memref<!tpu.dma_semaphore, #tpu.memory_space<semaphore_mem>>)
      %dma_wait3A_63 = arith.constant 0 : i32
      %dma_wait3A_64 = tpu.memref_slice %arg6[%arg0, %mul3A_57, %dma_wait3A_63] : memref<2x10240x128xf32, #tpu.memory_space<hbm>> -> memref<1x640x128xf32, #tpu.memory_space<hbm>>
      %dma_wait3A_65 = tpu.memref_squeeze %dma_wait3A_64 : memref<1x640x128xf32, #tpu.memory_space<hbm>> -> memref<640x128xf32, #tpu.memory_space<hbm>>
      %dma_wait3A_66 = arith.constant 0 : i32
      %dma_wait3A_67 = tpu.memref_slice %arg11[%mul3A_55, %dma_wait3A_66] : memref<10240x128xf32, #tpu.memory_space<vmem_shared>> -> memref<640x128xf32, #tpu.memory_space<vmem_shared>>
      tpu.wait_dma2 semaphore(%run_scoped3A : memref<!tpu.dma_semaphore, #tpu.memory_space<semaphore_mem>>) src(%dma_wait3A_67 : memref<640x128xf32, #tpu.memory_space<vmem_shared>>) dst(%dma_wait3A_65 : memref<640x128xf32, #tpu.memory_space<hbm>>)
      tpu.yield
    }) : () -> ()
    return
  }
}

#map = affine_map<(d0, d1) -> (0, 0)>
#map1 = affine_map<(d0, d1) -> (0)>
#map2 = affine_map<(d0, d1) -> (0, 0, 0)>
module attributes {stable_mosaic.version = 14 : i64} {
  func.func @_sc_agg_body(%arg0: i32, %arg1: i32, %arg2: memref<10240x128xf32, #tpu.memory_space<hbm>>, %arg3: memref<320000xi32, #tpu.memory_space<hbm>>, %arg4: memref<320000xi32, #tpu.memory_space<hbm>>, %arg5: memref<10240x128xf32, #tpu.memory_space<hbm>>, %arg6: memref<2x10240x128xf32, #tpu.memory_space<hbm>>, %arg7: memref<10000xi32, #tpu.memory_space<vmem>>, %arg8: memref<10000xi32, #tpu.memory_space<vmem>>, %arg9: memref<80x128xf32, #tpu.memory_space<vmem>>, %arg10: memref<80x128xf32, #tpu.memory_space<vmem>>, %arg11: memref<10240x128xf32, #tpu.memory_space<vmem_shared>>, %arg12: memref<!tpu.dma_semaphore, #tpu.memory_space<semaphore_mem>>, %arg13: memref<!tpu.dma_semaphore, #tpu.memory_space<semaphore_mem>>, %arg14: memref<!tpu.dma_semaphore, #tpu.memory_space<semaphore_mem>>, %arg15: memref<!tpu.dma_semaphore, #tpu.memory_space<semaphore_mem>>) attributes {dimension_semantics = [#tpu.dimension_semantics<core_parallel>, #tpu.dimension_semantics<subcore_parallel>], iteration_bounds = array<i64: 2, 16>, scalar_prefetch = 0 : i64, scratch_operands = 9 : i64, tpu.core_type = #tpu.core_type<sc_vector_subcore>, window_params = [{transform_indices = #map}, {transform_indices = #map1}, {transform_indices = #map1}, {transform_indices = #map}, {transform_indices = #map2}]} {
    %mul3A = arith.constant 2 : i32
    %mul3A_0 = arith.muli %arg1, %mul3A : i32
    %add3A = arith.addi %mul3A_0, %arg0 : i32
    %mul3A_1 = arith.constant 10000 : i32
    %mul3A_2 = arith.muli %add3A, %mul3A_1 : i32
    %multiple_of3A = tpu.assume_multiple %mul3A_2, 10000 : i32
    %mul3A_3 = arith.constant 640 : i32
    %mul3A_4 = arith.muli %arg1, %mul3A_3 : i32
    %mul3A_5 = arith.constant 640 : i32
    %mul3A_6 = arith.muli %arg1, %mul3A_5 : i32
    "tpu.region"() ({
      %run_scoped3A = tpu.sem_alloc : memref<!tpu.dma_semaphore, #tpu.memory_space<semaphore_mem>>
      %dma_start3A_58 = arith.constant 0 : i32
      %dma_start3A_59 = tpu.memref_slice %arg11[%mul3A_6, %dma_start3A_58] : memref<10240x128xf32, #tpu.memory_space<vmem_shared>> -> memref<640x128xf32, #tpu.memory_space<vmem_shared>>
      %dma_start3A_60 = arith.constant 0 : i32
      %dma_start3A_61 = tpu.memref_slice %arg5[%mul3A_4, %dma_start3A_60] : memref<10240x128xf32, #tpu.memory_space<hbm>> -> memref<640x128xf32, #tpu.memory_space<hbm>>
      tpu.enqueue_dma source(%dma_start3A_61 : memref<640x128xf32, #tpu.memory_space<hbm>>) target(%dma_start3A_59 : memref<640x128xf32, #tpu.memory_space<vmem_shared>>) target_semaphore(%run_scoped3A : memref<!tpu.dma_semaphore, #tpu.memory_space<semaphore_mem>>)
      %dma_wait3A_62 = arith.constant 0 : i32
      %dma_wait3A_63 = tpu.memref_slice %arg11[%mul3A_6, %dma_wait3A_62] : memref<10240x128xf32, #tpu.memory_space<vmem_shared>> -> memref<640x128xf32, #tpu.memory_space<vmem_shared>>
      %dma_wait3A_64 = arith.constant 0 : i32
      %dma_wait3A_65 = tpu.memref_slice %arg5[%mul3A_4, %dma_wait3A_64] : memref<10240x128xf32, #tpu.memory_space<hbm>> -> memref<640x128xf32, #tpu.memory_space<hbm>>
      tpu.wait_dma2 semaphore(%run_scoped3A : memref<!tpu.dma_semaphore, #tpu.memory_space<semaphore_mem>>) src(%dma_wait3A_65 : memref<640x128xf32, #tpu.memory_space<hbm>>) dst(%dma_wait3A_63 : memref<640x128xf32, #tpu.memory_space<vmem_shared>>)
      tpu.yield
    }) : () -> ()
    "tpu.region"() ({
      %run_scoped3A = tpu.sem_alloc : memref<!tpu.dma_semaphore, #tpu.memory_space<semaphore_mem>>
      %dma_start3A_58 = tpu.memref_slice %arg3[%multiple_of3A] : memref<320000xi32, #tpu.memory_space<hbm>> -> memref<10000xi32, #tpu.memory_space<hbm>>
      %dma_start3A_59 = tpu.memref_slice %arg3[%multiple_of3A] : memref<320000xi32, #tpu.memory_space<hbm>> -> memref<10000xi32, #tpu.memory_space<hbm>>
      tpu.enqueue_dma source(%dma_start3A_59 : memref<10000xi32, #tpu.memory_space<hbm>>) target(%arg7 : memref<10000xi32, #tpu.memory_space<vmem>>) target_semaphore(%run_scoped3A : memref<!tpu.dma_semaphore, #tpu.memory_space<semaphore_mem>>)
      %dma_wait3A_60 = tpu.memref_slice %arg3[%multiple_of3A] : memref<320000xi32, #tpu.memory_space<hbm>> -> memref<10000xi32, #tpu.memory_space<hbm>>
      %dma_wait3A_61 = tpu.memref_slice %arg3[%multiple_of3A] : memref<320000xi32, #tpu.memory_space<hbm>> -> memref<10000xi32, #tpu.memory_space<hbm>>
      tpu.wait_dma2 semaphore(%run_scoped3A : memref<!tpu.dma_semaphore, #tpu.memory_space<semaphore_mem>>) src(%dma_wait3A_61 : memref<10000xi32, #tpu.memory_space<hbm>>) dst(%arg7 : memref<10000xi32, #tpu.memory_space<vmem>>)
      tpu.yield
    }) : () -> ()
    "tpu.region"() ({
      %run_scoped3A = tpu.sem_alloc : memref<!tpu.dma_semaphore, #tpu.memory_space<semaphore_mem>>
      %dma_start3A_58 = tpu.memref_slice %arg4[%multiple_of3A] : memref<320000xi32, #tpu.memory_space<hbm>> -> memref<10000xi32, #tpu.memory_space<hbm>>
      %dma_start3A_59 = tpu.memref_slice %arg4[%multiple_of3A] : memref<320000xi32, #tpu.memory_space<hbm>> -> memref<10000xi32, #tpu.memory_space<hbm>>
      tpu.enqueue_dma source(%dma_start3A_59 : memref<10000xi32, #tpu.memory_space<hbm>>) target(%arg8 : memref<10000xi32, #tpu.memory_space<vmem>>) target_semaphore(%run_scoped3A : memref<!tpu.dma_semaphore, #tpu.memory_space<semaphore_mem>>)
      %dma_wait3A_60 = tpu.memref_slice %arg4[%multiple_of3A] : memref<320000xi32, #tpu.memory_space<hbm>> -> memref<10000xi32, #tpu.memory_space<hbm>>
      %dma_wait3A_61 = tpu.memref_slice %arg4[%multiple_of3A] : memref<320000xi32, #tpu.memory_space<hbm>> -> memref<10000xi32, #tpu.memory_space<hbm>>
      tpu.wait_dma2 semaphore(%run_scoped3A : memref<!tpu.dma_semaphore, #tpu.memory_space<semaphore_mem>>) src(%dma_wait3A_61 : memref<10000xi32, #tpu.memory_space<hbm>>) dst(%arg8 : memref<10000xi32, #tpu.memory_space<vmem>>)
      tpu.yield
    }) : () -> ()
    %barrier3A = arith.constant 0 : index
    tpu.barrier barrier_id(%barrier3A)
    %multiple_of3A_7 = arith.constant 0 : i32
    %multiple_of3A_8 = tpu.assume_multiple %multiple_of3A_7, 80 : i32
    %dma_start3A = tpu.memref_slice %arg7[%multiple_of3A_8] : memref<10000xi32, #tpu.memory_space<vmem>> -> memref<80xi32, #tpu.memory_space<vmem>>
    %dma_start3A_9 = arith.constant 0 : i32
    %dma_start3A_10 = arith.constant 0 : i32
    %dma_start3A_11 = tpu.memref_slice %arg2[%dma_start3A_9, %dma_start3A_10] : memref<10240x128xf32, #tpu.memory_space<hbm>> -> memref<10240x128xf32, #tpu.memory_space<hbm>>
    tpu.enqueue_indirect_dma source(%dma_start3A_11 : memref<10240x128xf32, #tpu.memory_space<hbm>>) target(%arg9 : memref<80x128xf32, #tpu.memory_space<vmem>>) offsets(%dma_start3A : memref<80xi32, #tpu.memory_space<vmem>>) semaphore(%arg12 : memref<!tpu.dma_semaphore, #tpu.memory_space<semaphore_mem>>)
    %multiple_of3A_12 = arith.constant 80 : i32
    %multiple_of3A_13 = tpu.assume_multiple %multiple_of3A_12, 80 : i32
    %dma_start3A_14 = tpu.memref_slice %arg7[%multiple_of3A_13] : memref<10000xi32, #tpu.memory_space<vmem>> -> memref<80xi32, #tpu.memory_space<vmem>>
    %dma_start3A_15 = arith.constant 0 : i32
    %dma_start3A_16 = arith.constant 0 : i32
    %dma_start3A_17 = tpu.memref_slice %arg2[%dma_start3A_15, %dma_start3A_16] : memref<10240x128xf32, #tpu.memory_space<hbm>> -> memref<10240x128xf32, #tpu.memory_space<hbm>>
    tpu.enqueue_indirect_dma source(%dma_start3A_17 : memref<10240x128xf32, #tpu.memory_space<hbm>>) target(%arg10 : memref<80x128xf32, #tpu.memory_space<vmem>>) offsets(%dma_start3A_14 : memref<80xi32, #tpu.memory_space<vmem>>) semaphore(%arg13 : memref<!tpu.dma_semaphore, #tpu.memory_space<semaphore_mem>>)
    %scan3A = arith.constant 0 : i32
    %scan3A_18 = arith.constant 0 : i32
    %scan3A_19 = arith.constant 61 : i32
    %scan3A_20 = arith.addi %scan3A_18, %scan3A_19 : i32
    %scan3A_21 = arith.constant 1 : i32
    %scan3A_22 = scf.for %scan3A_58 = %scan3A_18 to %scan3A_20 step %scan3A_21 iter_args(%scan3A_59 = %scan3A) -> (i32)  : i32 {
      %mul3A_60 = arith.constant 2 : i32
      %mul3A_61 = arith.muli %scan3A_58, %mul3A_60 : i32
      %add3A_62 = arith.constant 0 : i32
      %add3A_63 = arith.addi %mul3A_61, %add3A_62 : i32
      %mul3A_64 = arith.constant 80 : i32
      %mul3A_65 = arith.muli %add3A_63, %mul3A_64 : i32
      %multiple_of3A_66 = tpu.assume_multiple %mul3A_65, 80 : i32
      %dma_wait3A_67 = tpu.memref_slice %arg7[%multiple_of3A_66] : memref<10000xi32, #tpu.memory_space<vmem>> -> memref<80xi32, #tpu.memory_space<vmem>>
      %dma_wait3A_68 = arith.constant 0 : i32
      %dma_wait3A_69 = arith.constant 0 : i32
      %dma_wait3A_70 = tpu.memref_slice %arg2[%dma_wait3A_68, %dma_wait3A_69] : memref<10240x128xf32, #tpu.memory_space<hbm>> -> memref<10240x128xf32, #tpu.memory_space<hbm>>
      tpu.wait_indirect_dma semaphore(%arg12 : memref<!tpu.dma_semaphore, #tpu.memory_space<semaphore_mem>>) src(%dma_wait3A_70 : memref<10240x128xf32, #tpu.memory_space<hbm>>) dst(%arg9 : memref<80x128xf32, #tpu.memory_space<vmem>>)
      %mul3A_71 = arith.constant 80 : i32
      %mul3A_72 = arith.muli %add3A_63, %mul3A_71 : i32
      %multiple_of3A_73 = tpu.assume_multiple %mul3A_72, 80 : i32
      %dma_start3A_74 = tpu.memref_slice %arg8[%multiple_of3A_73] : memref<10000xi32, #tpu.memory_space<vmem>> -> memref<80xi32, #tpu.memory_space<vmem>>
      %dma_start3A_75 = arith.constant 0 : i32
      %dma_start3A_76 = arith.constant 0 : i32
      %dma_start3A_77 = tpu.memref_slice %arg11[%dma_start3A_75, %dma_start3A_76] : memref<10240x128xf32, #tpu.memory_space<vmem_shared>> -> memref<10240x128xf32, #tpu.memory_space<vmem_shared>>
      tpu.enqueue_indirect_dma source(%arg9 : memref<80x128xf32, #tpu.memory_space<vmem>>) target(%dma_start3A_77 : memref<10240x128xf32, #tpu.memory_space<vmem_shared>>) offsets(%dma_start3A_74 : memref<80xi32, #tpu.memory_space<vmem>>) semaphore(%arg14 : memref<!tpu.dma_semaphore, #tpu.memory_space<semaphore_mem>>) {add = true}
      %mul3A_78 = arith.constant 80 : i32
      %mul3A_79 = arith.muli %add3A_63, %mul3A_78 : i32
      %multiple_of3A_80 = tpu.assume_multiple %mul3A_79, 80 : i32
      %dma_wait3A_81 = tpu.memref_slice %arg8[%multiple_of3A_80] : memref<10000xi32, #tpu.memory_space<vmem>> -> memref<80xi32, #tpu.memory_space<vmem>>
      %dma_wait3A_82 = arith.constant 0 : i32
      %dma_wait3A_83 = arith.constant 0 : i32
      %dma_wait3A_84 = tpu.memref_slice %arg11[%dma_wait3A_82, %dma_wait3A_83] : memref<10240x128xf32, #tpu.memory_space<vmem_shared>> -> memref<10240x128xf32, #tpu.memory_space<vmem_shared>>
      tpu.wait_indirect_dma semaphore(%arg14 : memref<!tpu.dma_semaphore, #tpu.memory_space<semaphore_mem>>) src(%arg9 : memref<80x128xf32, #tpu.memory_space<vmem>>) dst(%dma_wait3A_84 : memref<10240x128xf32, #tpu.memory_space<vmem_shared>>)
      %add3A_85 = arith.constant 2 : i32
      %add3A_86 = arith.addi %add3A_63, %add3A_85 : i32
      %mul3A_87 = arith.constant 80 : i32
      %mul3A_88 = arith.muli %add3A_86, %mul3A_87 : i32
      %multiple_of3A_89 = tpu.assume_multiple %mul3A_88, 80 : i32
      %dma_start3A_90 = tpu.memref_slice %arg7[%multiple_of3A_89] : memref<10000xi32, #tpu.memory_space<vmem>> -> memref<80xi32, #tpu.memory_space<vmem>>
      %dma_start3A_91 = arith.constant 0 : i32
      %dma_start3A_92 = arith.constant 0 : i32
      %dma_start3A_93 = tpu.memref_slice %arg2[%dma_start3A_91, %dma_start3A_92] : memref<10240x128xf32, #tpu.memory_space<hbm>> -> memref<10240x128xf32, #tpu.memory_space<hbm>>
      tpu.enqueue_indirect_dma source(%dma_start3A_93 : memref<10240x128xf32, #tpu.memory_space<hbm>>) target(%arg9 : memref<80x128xf32, #tpu.memory_space<vmem>>) offsets(%dma_start3A_90 : memref<80xi32, #tpu.memory_space<vmem>>) semaphore(%arg12 : memref<!tpu.dma_semaphore, #tpu.memory_space<semaphore_mem>>)
      %add3A_94 = arith.constant 1 : i32
      %add3A_95 = arith.addi %mul3A_61, %add3A_94 : i32
      %mul3A_96 = arith.constant 80 : i32
      %mul3A_97 = arith.muli %add3A_95, %mul3A_96 : i32
      %multiple_of3A_98 = tpu.assume_multiple %mul3A_97, 80 : i32
      %dma_wait3A_99 = tpu.memref_slice %arg7[%multiple_of3A_98] : memref<10000xi32, #tpu.memory_space<vmem>> -> memref<80xi32, #tpu.memory_space<vmem>>
      %dma_wait3A_100 = arith.constant 0 : i32
      %dma_wait3A_101 = arith.constant 0 : i32
      %dma_wait3A_102 = tpu.memref_slice %arg2[%dma_wait3A_100, %dma_wait3A_101] : memref<10240x128xf32, #tpu.memory_space<hbm>> -> memref<10240x128xf32, #tpu.memory_space<hbm>>
      tpu.wait_indirect_dma semaphore(%arg13 : memref<!tpu.dma_semaphore, #tpu.memory_space<semaphore_mem>>) src(%dma_wait3A_102 : memref<10240x128xf32, #tpu.memory_space<hbm>>) dst(%arg10 : memref<80x128xf32, #tpu.memory_space<vmem>>)
      %mul3A_103 = arith.constant 80 : i32
      %mul3A_104 = arith.muli %add3A_95, %mul3A_103 : i32
      %multiple_of3A_105 = tpu.assume_multiple %mul3A_104, 80 : i32
      %dma_start3A_106 = tpu.memref_slice %arg8[%multiple_of3A_105] : memref<10000xi32, #tpu.memory_space<vmem>> -> memref<80xi32, #tpu.memory_space<vmem>>
      %dma_start3A_107 = arith.constant 0 : i32
      %dma_start3A_108 = arith.constant 0 : i32
      %dma_start3A_109 = tpu.memref_slice %arg11[%dma_start3A_107, %dma_start3A_108] : memref<10240x128xf32, #tpu.memory_space<vmem_shared>> -> memref<10240x128xf32, #tpu.memory_space<vmem_shared>>
      tpu.enqueue_indirect_dma source(%arg10 : memref<80x128xf32, #tpu.memory_space<vmem>>) target(%dma_start3A_109 : memref<10240x128xf32, #tpu.memory_space<vmem_shared>>) offsets(%dma_start3A_106 : memref<80xi32, #tpu.memory_space<vmem>>) semaphore(%arg15 : memref<!tpu.dma_semaphore, #tpu.memory_space<semaphore_mem>>) {add = true}
      %mul3A_110 = arith.constant 80 : i32
      %mul3A_111 = arith.muli %add3A_95, %mul3A_110 : i32
      %multiple_of3A_112 = tpu.assume_multiple %mul3A_111, 80 : i32
      %dma_wait3A_113 = tpu.memref_slice %arg8[%multiple_of3A_112] : memref<10000xi32, #tpu.memory_space<vmem>> -> memref<80xi32, #tpu.memory_space<vmem>>
      %dma_wait3A_114 = arith.constant 0 : i32
      %dma_wait3A_115 = arith.constant 0 : i32
      %dma_wait3A_116 = tpu.memref_slice %arg11[%dma_wait3A_114, %dma_wait3A_115] : memref<10240x128xf32, #tpu.memory_space<vmem_shared>> -> memref<10240x128xf32, #tpu.memory_space<vmem_shared>>
      tpu.wait_indirect_dma semaphore(%arg15 : memref<!tpu.dma_semaphore, #tpu.memory_space<semaphore_mem>>) src(%arg10 : memref<80x128xf32, #tpu.memory_space<vmem>>) dst(%dma_wait3A_116 : memref<10240x128xf32, #tpu.memory_space<vmem_shared>>)
      %add3A_117 = arith.constant 2 : i32
      %add3A_118 = arith.addi %add3A_95, %add3A_117 : i32
      %mul3A_119 = arith.constant 80 : i32
      %mul3A_120 = arith.muli %add3A_118, %mul3A_119 : i32
      %multiple_of3A_121 = tpu.assume_multiple %mul3A_120, 80 : i32
      %dma_start3A_122 = tpu.memref_slice %arg7[%multiple_of3A_121] : memref<10000xi32, #tpu.memory_space<vmem>> -> memref<80xi32, #tpu.memory_space<vmem>>
      %dma_start3A_123 = arith.constant 0 : i32
      %dma_start3A_124 = arith.constant 0 : i32
      %dma_start3A_125 = tpu.memref_slice %arg2[%dma_start3A_123, %dma_start3A_124] : memref<10240x128xf32, #tpu.memory_space<hbm>> -> memref<10240x128xf32, #tpu.memory_space<hbm>>
      tpu.enqueue_indirect_dma source(%dma_start3A_125 : memref<10240x128xf32, #tpu.memory_space<hbm>>) target(%arg10 : memref<80x128xf32, #tpu.memory_space<vmem>>) offsets(%dma_start3A_122 : memref<80xi32, #tpu.memory_space<vmem>>) semaphore(%arg13 : memref<!tpu.dma_semaphore, #tpu.memory_space<semaphore_mem>>)
      %scan3A_126 = arith.constant 0 : i32
      scf.yield %scan3A_126 : i32
    }
    %scan3A_23 = arith.constant 61 : i32
    %multiple_of3A_24 = arith.constant 9760 : i32
    %multiple_of3A_25 = tpu.assume_multiple %multiple_of3A_24, 80 : i32
    %dma_wait3A = tpu.memref_slice %arg7[%multiple_of3A_25] : memref<10000xi32, #tpu.memory_space<vmem>> -> memref<80xi32, #tpu.memory_space<vmem>>
    %dma_wait3A_26 = arith.constant 0 : i32
    %dma_wait3A_27 = arith.constant 0 : i32
    %dma_wait3A_28 = tpu.memref_slice %arg2[%dma_wait3A_26, %dma_wait3A_27] : memref<10240x128xf32, #tpu.memory_space<hbm>> -> memref<10240x128xf32, #tpu.memory_space<hbm>>
    tpu.wait_indirect_dma semaphore(%arg12 : memref<!tpu.dma_semaphore, #tpu.memory_space<semaphore_mem>>) src(%dma_wait3A_28 : memref<10240x128xf32, #tpu.memory_space<hbm>>) dst(%arg9 : memref<80x128xf32, #tpu.memory_space<vmem>>)
    %multiple_of3A_29 = arith.constant 9760 : i32
    %multiple_of3A_30 = tpu.assume_multiple %multiple_of3A_29, 80 : i32
    "tpu.region"() ({
      %run_scoped3A = tpu.sem_alloc : memref<!tpu.dma_semaphore, #tpu.memory_space<semaphore_mem>>
      %dma_start3A_58 = tpu.memref_slice %arg8[%multiple_of3A_30] : memref<10000xi32, #tpu.memory_space<vmem>> -> memref<80xi32, #tpu.memory_space<vmem>>
      %dma_start3A_59 = arith.constant 0 : i32
      %dma_start3A_60 = arith.constant 0 : i32
      %dma_start3A_61 = tpu.memref_slice %arg11[%dma_start3A_59, %dma_start3A_60] : memref<10240x128xf32, #tpu.memory_space<vmem_shared>> -> memref<10240x128xf32, #tpu.memory_space<vmem_shared>>
      tpu.enqueue_indirect_dma source(%arg9 : memref<80x128xf32, #tpu.memory_space<vmem>>) target(%dma_start3A_61 : memref<10240x128xf32, #tpu.memory_space<vmem_shared>>) offsets(%dma_start3A_58 : memref<80xi32, #tpu.memory_space<vmem>>) semaphore(%run_scoped3A : memref<!tpu.dma_semaphore, #tpu.memory_space<semaphore_mem>>) {add = true}
      %dma_wait3A_62 = tpu.memref_slice %arg8[%multiple_of3A_30] : memref<10000xi32, #tpu.memory_space<vmem>> -> memref<80xi32, #tpu.memory_space<vmem>>
      %dma_wait3A_63 = arith.constant 0 : i32
      %dma_wait3A_64 = arith.constant 0 : i32
      %dma_wait3A_65 = tpu.memref_slice %arg11[%dma_wait3A_63, %dma_wait3A_64] : memref<10240x128xf32, #tpu.memory_space<vmem_shared>> -> memref<10240x128xf32, #tpu.memory_space<vmem_shared>>
      tpu.wait_indirect_dma semaphore(%run_scoped3A : memref<!tpu.dma_semaphore, #tpu.memory_space<semaphore_mem>>) src(%arg9 : memref<80x128xf32, #tpu.memory_space<vmem>>) dst(%dma_wait3A_65 : memref<10240x128xf32, #tpu.memory_space<vmem_shared>>)
      tpu.yield
    }) : () -> ()
    %multiple_of3A_31 = arith.constant 9840 : i32
    %multiple_of3A_32 = tpu.assume_multiple %multiple_of3A_31, 80 : i32
    %dma_wait3A_33 = tpu.memref_slice %arg7[%multiple_of3A_32] : memref<10000xi32, #tpu.memory_space<vmem>> -> memref<80xi32, #tpu.memory_space<vmem>>
    %dma_wait3A_34 = arith.constant 0 : i32
    %dma_wait3A_35 = arith.constant 0 : i32
    %dma_wait3A_36 = tpu.memref_slice %arg2[%dma_wait3A_34, %dma_wait3A_35] : memref<10240x128xf32, #tpu.memory_space<hbm>> -> memref<10240x128xf32, #tpu.memory_space<hbm>>
    tpu.wait_indirect_dma semaphore(%arg13 : memref<!tpu.dma_semaphore, #tpu.memory_space<semaphore_mem>>) src(%dma_wait3A_36 : memref<10240x128xf32, #tpu.memory_space<hbm>>) dst(%arg10 : memref<80x128xf32, #tpu.memory_space<vmem>>)
    %multiple_of3A_37 = arith.constant 9840 : i32
    %multiple_of3A_38 = tpu.assume_multiple %multiple_of3A_37, 80 : i32
    "tpu.region"() ({
      %run_scoped3A = tpu.sem_alloc : memref<!tpu.dma_semaphore, #tpu.memory_space<semaphore_mem>>
      %dma_start3A_58 = tpu.memref_slice %arg8[%multiple_of3A_38] : memref<10000xi32, #tpu.memory_space<vmem>> -> memref<80xi32, #tpu.memory_space<vmem>>
      %dma_start3A_59 = arith.constant 0 : i32
      %dma_start3A_60 = arith.constant 0 : i32
      %dma_start3A_61 = tpu.memref_slice %arg11[%dma_start3A_59, %dma_start3A_60] : memref<10240x128xf32, #tpu.memory_space<vmem_shared>> -> memref<10240x128xf32, #tpu.memory_space<vmem_shared>>
      tpu.enqueue_indirect_dma source(%arg10 : memref<80x128xf32, #tpu.memory_space<vmem>>) target(%dma_start3A_61 : memref<10240x128xf32, #tpu.memory_space<vmem_shared>>) offsets(%dma_start3A_58 : memref<80xi32, #tpu.memory_space<vmem>>) semaphore(%run_scoped3A : memref<!tpu.dma_semaphore, #tpu.memory_space<semaphore_mem>>) {add = true}
      %dma_wait3A_62 = tpu.memref_slice %arg8[%multiple_of3A_38] : memref<10000xi32, #tpu.memory_space<vmem>> -> memref<80xi32, #tpu.memory_space<vmem>>
      %dma_wait3A_63 = arith.constant 0 : i32
      %dma_wait3A_64 = arith.constant 0 : i32
      %dma_wait3A_65 = tpu.memref_slice %arg11[%dma_wait3A_63, %dma_wait3A_64] : memref<10240x128xf32, #tpu.memory_space<vmem_shared>> -> memref<10240x128xf32, #tpu.memory_space<vmem_shared>>
      tpu.wait_indirect_dma semaphore(%run_scoped3A : memref<!tpu.dma_semaphore, #tpu.memory_space<semaphore_mem>>) src(%arg10 : memref<80x128xf32, #tpu.memory_space<vmem>>) dst(%dma_wait3A_65 : memref<10240x128xf32, #tpu.memory_space<vmem_shared>>)
      tpu.yield
    }) : () -> ()
    %multiple_of3A_39 = arith.constant 9920 : i32
    %multiple_of3A_40 = tpu.assume_multiple %multiple_of3A_39, 80 : i32
    %dma_start3A_41 = tpu.memref_slice %arg7[%multiple_of3A_40] : memref<10000xi32, #tpu.memory_space<vmem>> -> memref<80xi32, #tpu.memory_space<vmem>>
    %dma_start3A_42 = arith.constant 0 : i32
    %dma_start3A_43 = arith.constant 0 : i32
    %dma_start3A_44 = tpu.memref_slice %arg2[%dma_start3A_42, %dma_start3A_43] : memref<10240x128xf32, #tpu.memory_space<hbm>> -> memref<10240x128xf32, #tpu.memory_space<hbm>>
    tpu.enqueue_indirect_dma source(%dma_start3A_44 : memref<10240x128xf32, #tpu.memory_space<hbm>>) target(%arg9 : memref<80x128xf32, #tpu.memory_space<vmem>>) offsets(%dma_start3A_41 : memref<80xi32, #tpu.memory_space<vmem>>) semaphore(%arg12 : memref<!tpu.dma_semaphore, #tpu.memory_space<semaphore_mem>>)
    %multiple_of3A_45 = arith.constant 9920 : i32
    %multiple_of3A_46 = tpu.assume_multiple %multiple_of3A_45, 80 : i32
    %dma_wait3A_47 = tpu.memref_slice %arg7[%multiple_of3A_46] : memref<10000xi32, #tpu.memory_space<vmem>> -> memref<80xi32, #tpu.memory_space<vmem>>
    %dma_wait3A_48 = arith.constant 0 : i32
    %dma_wait3A_49 = arith.constant 0 : i32
    %dma_wait3A_50 = tpu.memref_slice %arg2[%dma_wait3A_48, %dma_wait3A_49] : memref<10240x128xf32, #tpu.memory_space<hbm>> -> memref<10240x128xf32, #tpu.memory_space<hbm>>
    tpu.wait_indirect_dma semaphore(%arg12 : memref<!tpu.dma_semaphore, #tpu.memory_space<semaphore_mem>>) src(%dma_wait3A_50 : memref<10240x128xf32, #tpu.memory_space<hbm>>) dst(%arg9 : memref<80x128xf32, #tpu.memory_space<vmem>>)
    %multiple_of3A_51 = arith.constant 9920 : i32
    %multiple_of3A_52 = tpu.assume_multiple %multiple_of3A_51, 80 : i32
    "tpu.region"() ({
      %run_scoped3A = tpu.sem_alloc : memref<!tpu.dma_semaphore, #tpu.memory_space<semaphore_mem>>
      %dma_start3A_58 = tpu.memref_slice %arg8[%multiple_of3A_52] : memref<10000xi32, #tpu.memory_space<vmem>> -> memref<80xi32, #tpu.memory_space<vmem>>
      %dma_start3A_59 = arith.constant 0 : i32
      %dma_start3A_60 = arith.constant 0 : i32
      %dma_start3A_61 = tpu.memref_slice %arg11[%dma_start3A_59, %dma_start3A_60] : memref<10240x128xf32, #tpu.memory_space<vmem_shared>> -> memref<10240x128xf32, #tpu.memory_space<vmem_shared>>
      tpu.enqueue_indirect_dma source(%arg9 : memref<80x128xf32, #tpu.memory_space<vmem>>) target(%dma_start3A_61 : memref<10240x128xf32, #tpu.memory_space<vmem_shared>>) offsets(%dma_start3A_58 : memref<80xi32, #tpu.memory_space<vmem>>) semaphore(%run_scoped3A : memref<!tpu.dma_semaphore, #tpu.memory_space<semaphore_mem>>) {add = true}
      %dma_wait3A_62 = tpu.memref_slice %arg8[%multiple_of3A_52] : memref<10000xi32, #tpu.memory_space<vmem>> -> memref<80xi32, #tpu.memory_space<vmem>>
      %dma_wait3A_63 = arith.constant 0 : i32
      %dma_wait3A_64 = arith.constant 0 : i32
      %dma_wait3A_65 = tpu.memref_slice %arg11[%dma_wait3A_63, %dma_wait3A_64] : memref<10240x128xf32, #tpu.memory_space<vmem_shared>> -> memref<10240x128xf32, #tpu.memory_space<vmem_shared>>
      tpu.wait_indirect_dma semaphore(%run_scoped3A : memref<!tpu.dma_semaphore, #tpu.memory_space<semaphore_mem>>) src(%arg9 : memref<80x128xf32, #tpu.memory_space<vmem>>) dst(%dma_wait3A_65 : memref<10240x128xf32, #tpu.memory_space<vmem_shared>>)
      tpu.yield
    }) : () -> ()
    %barrier3A_53 = arith.constant 0 : index
    tpu.barrier barrier_id(%barrier3A_53)
    %mul3A_54 = arith.constant 640 : i32
    %mul3A_55 = arith.muli %arg1, %mul3A_54 : i32
    %mul3A_56 = arith.constant 640 : i32
    %mul3A_57 = arith.muli %arg1, %mul3A_56 : i32
    "tpu.region"() ({
      %run_scoped3A = tpu.sem_alloc : memref<!tpu.dma_semaphore, #tpu.memory_space<semaphore_mem>>
      %dma_start3A_58 = arith.constant 0 : i32
      %dma_start3A_59 = tpu.memref_slice %arg6[%arg0, %mul3A_57, %dma_start3A_58] : memref<2x10240x128xf32, #tpu.memory_space<hbm>> -> memref<1x640x128xf32, #tpu.memory_space<hbm>>
      %dma_start3A_60 = tpu.memref_squeeze %dma_start3A_59 : memref<1x640x128xf32, #tpu.memory_space<hbm>> -> memref<640x128xf32, #tpu.memory_space<hbm>>
      %dma_start3A_61 = arith.constant 0 : i32
      %dma_start3A_62 = tpu.memref_slice %arg11[%mul3A_55, %dma_start3A_61] : memref<10240x128xf32, #tpu.memory_space<vmem_shared>> -> memref<640x128xf32, #tpu.memory_space<vmem_shared>>
      tpu.enqueue_dma source(%dma_start3A_62 : memref<640x128xf32, #tpu.memory_space<vmem_shared>>) target(%dma_start3A_60 : memref<640x128xf32, #tpu.memory_space<hbm>>) target_semaphore(%run_scoped3A : memref<!tpu.dma_semaphore, #tpu.memory_space<semaphore_mem>>)
      %dma_wait3A_63 = arith.constant 0 : i32
      %dma_wait3A_64 = tpu.memref_slice %arg6[%arg0, %mul3A_57, %dma_wait3A_63] : memref<2x10240x128xf32, #tpu.memory_space<hbm>> -> memref<1x640x128xf32, #tpu.memory_space<hbm>>
      %dma_wait3A_65 = tpu.memref_squeeze %dma_wait3A_64 : memref<1x640x128xf32, #tpu.memory_space<hbm>> -> memref<640x128xf32, #tpu.memory_space<hbm>>
      %dma_wait3A_66 = arith.constant 0 : i32
      %dma_wait3A_67 = tpu.memref_slice %arg11[%mul3A_55, %dma_wait3A_66] : memref<10240x128xf32, #tpu.memory_space<vmem_shared>> -> memref<640x128xf32, #tpu.memory_space<vmem_shared>>
      tpu.wait_dma2 semaphore(%run_scoped3A : memref<!tpu.dma_semaphore, #tpu.memory_space<semaphore_mem>>) src(%dma_wait3A_67 : memref<640x128xf32, #tpu.memory_space<vmem_shared>>) dst(%dma_wait3A_65 : memref<640x128xf32, #tpu.memory_space<hbm>>)
      tpu.yield
    }) : () -> ()
    return
  }
}

#map = affine_map<(d0, d1) -> (0)>
#map1 = affine_map<(d0, d1) -> (0, 0)>
#map2 = affine_map<(d0, d1) -> (0, 0, 0)>
module attributes {stable_mosaic.version = 14 : i64} {
  func.func @_sc_count_body(%arg0: i32, %arg1: i32, %arg2: memref<320000xi32, #tpu.memory_space<hbm>>, %arg3: memref<80x128xf32, #tpu.memory_space<hbm>>, %arg4: memref<10240x128xf32, #tpu.memory_space<hbm>>, %arg5: memref<2x10240x128xf32, #tpu.memory_space<hbm>>, %arg6: memref<10000xi32, #tpu.memory_space<vmem>>, %arg7: memref<80x128xf32, #tpu.memory_space<vmem>>, %arg8: memref<10240x128xf32, #tpu.memory_space<vmem_shared>>, %arg9: memref<!tpu.dma_semaphore, #tpu.memory_space<semaphore_mem>>) attributes {dimension_semantics = [#tpu.dimension_semantics<core_parallel>, #tpu.dimension_semantics<subcore_parallel>], iteration_bounds = array<i64: 2, 16>, scalar_prefetch = 0 : i64, scratch_operands = 4 : i64, tpu.core_type = #tpu.core_type<sc_vector_subcore>, window_params = [{transform_indices = #map}, {transform_indices = #map1}, {transform_indices = #map1}, {transform_indices = #map2}]} {
    %mul3A = arith.constant 2 : i32
    %mul3A_0 = arith.muli %arg1, %mul3A : i32
    %add3A = arith.addi %mul3A_0, %arg0 : i32
    %mul3A_1 = arith.constant 10000 : i32
    %mul3A_2 = arith.muli %add3A, %mul3A_1 : i32
    %multiple_of3A = tpu.assume_multiple %mul3A_2, 10000 : i32
    %mul3A_3 = arith.constant 640 : i32
    %mul3A_4 = arith.muli %arg1, %mul3A_3 : i32
    %mul3A_5 = arith.constant 640 : i32
    %mul3A_6 = arith.muli %arg1, %mul3A_5 : i32
    "tpu.region"() ({
      %run_scoped3A = tpu.sem_alloc : memref<!tpu.dma_semaphore, #tpu.memory_space<semaphore_mem>>
      %dma_start3A = arith.constant 0 : i32
      %dma_start3A_18 = tpu.memref_slice %arg8[%mul3A_6, %dma_start3A] : memref<10240x128xf32, #tpu.memory_space<vmem_shared>> -> memref<640x128xf32, #tpu.memory_space<vmem_shared>>
      %dma_start3A_19 = arith.constant 0 : i32
      %dma_start3A_20 = tpu.memref_slice %arg4[%mul3A_4, %dma_start3A_19] : memref<10240x128xf32, #tpu.memory_space<hbm>> -> memref<640x128xf32, #tpu.memory_space<hbm>>
      tpu.enqueue_dma source(%dma_start3A_20 : memref<640x128xf32, #tpu.memory_space<hbm>>) target(%dma_start3A_18 : memref<640x128xf32, #tpu.memory_space<vmem_shared>>) target_semaphore(%run_scoped3A : memref<!tpu.dma_semaphore, #tpu.memory_space<semaphore_mem>>)
      %dma_wait3A = arith.constant 0 : i32
      %dma_wait3A_21 = tpu.memref_slice %arg8[%mul3A_6, %dma_wait3A] : memref<10240x128xf32, #tpu.memory_space<vmem_shared>> -> memref<640x128xf32, #tpu.memory_space<vmem_shared>>
      %dma_wait3A_22 = arith.constant 0 : i32
      %dma_wait3A_23 = tpu.memref_slice %arg4[%mul3A_4, %dma_wait3A_22] : memref<10240x128xf32, #tpu.memory_space<hbm>> -> memref<640x128xf32, #tpu.memory_space<hbm>>
      tpu.wait_dma2 semaphore(%run_scoped3A : memref<!tpu.dma_semaphore, #tpu.memory_space<semaphore_mem>>) src(%dma_wait3A_23 : memref<640x128xf32, #tpu.memory_space<hbm>>) dst(%dma_wait3A_21 : memref<640x128xf32, #tpu.memory_space<vmem_shared>>)
      tpu.yield
    }) : () -> ()
    "tpu.region"() ({
      %run_scoped3A = tpu.sem_alloc : memref<!tpu.dma_semaphore, #tpu.memory_space<semaphore_mem>>
      tpu.enqueue_dma source(%arg3 : memref<80x128xf32, #tpu.memory_space<hbm>>) target(%arg7 : memref<80x128xf32, #tpu.memory_space<vmem>>) target_semaphore(%run_scoped3A : memref<!tpu.dma_semaphore, #tpu.memory_space<semaphore_mem>>)
      tpu.wait_dma2 semaphore(%run_scoped3A : memref<!tpu.dma_semaphore, #tpu.memory_space<semaphore_mem>>) src(%arg3 : memref<80x128xf32, #tpu.memory_space<hbm>>) dst(%arg7 : memref<80x128xf32, #tpu.memory_space<vmem>>)
      tpu.yield
    }) : () -> ()
    "tpu.region"() ({
      %run_scoped3A = tpu.sem_alloc : memref<!tpu.dma_semaphore, #tpu.memory_space<semaphore_mem>>
      %dma_start3A = tpu.memref_slice %arg2[%multiple_of3A] : memref<320000xi32, #tpu.memory_space<hbm>> -> memref<10000xi32, #tpu.memory_space<hbm>>
      %dma_start3A_18 = tpu.memref_slice %arg2[%multiple_of3A] : memref<320000xi32, #tpu.memory_space<hbm>> -> memref<10000xi32, #tpu.memory_space<hbm>>
      tpu.enqueue_dma source(%dma_start3A_18 : memref<10000xi32, #tpu.memory_space<hbm>>) target(%arg6 : memref<10000xi32, #tpu.memory_space<vmem>>) target_semaphore(%run_scoped3A : memref<!tpu.dma_semaphore, #tpu.memory_space<semaphore_mem>>)
      %dma_wait3A = tpu.memref_slice %arg2[%multiple_of3A] : memref<320000xi32, #tpu.memory_space<hbm>> -> memref<10000xi32, #tpu.memory_space<hbm>>
      %dma_wait3A_19 = tpu.memref_slice %arg2[%multiple_of3A] : memref<320000xi32, #tpu.memory_space<hbm>> -> memref<10000xi32, #tpu.memory_space<hbm>>
      tpu.wait_dma2 semaphore(%run_scoped3A : memref<!tpu.dma_semaphore, #tpu.memory_space<semaphore_mem>>) src(%dma_wait3A_19 : memref<10000xi32, #tpu.memory_space<hbm>>) dst(%arg6 : memref<10000xi32, #tpu.memory_space<vmem>>)
      tpu.yield
    }) : () -> ()
    %barrier3A = arith.constant 0 : index
    tpu.barrier barrier_id(%barrier3A)
    %scan3A = arith.constant 0 : i32
    %scan3A_7 = arith.constant 0 : i32
    %scan3A_8 = arith.constant 125 : i32
    %scan3A_9 = arith.addi %scan3A_7, %scan3A_8 : i32
    %scan3A_10 = arith.constant 1 : i32
    %scan3A_11 = scf.for %scan3A_18 = %scan3A_7 to %scan3A_9 step %scan3A_10 iter_args(%scan3A_19 = %scan3A) -> (i32)  : i32 {
      %mul3A_20 = arith.constant 80 : i32
      %mul3A_21 = arith.muli %scan3A_18, %mul3A_20 : i32
      %multiple_of3A_22 = tpu.assume_multiple %mul3A_21, 80 : i32
      "tpu.region"() ({
        %run_scoped3A = tpu.sem_alloc : memref<!tpu.dma_semaphore, #tpu.memory_space<semaphore_mem>>
        %dma_start3A = tpu.memref_slice %arg6[%multiple_of3A_22] : memref<10000xi32, #tpu.memory_space<vmem>> -> memref<80xi32, #tpu.memory_space<vmem>>
        %dma_start3A_24 = arith.constant 0 : i32
        %dma_start3A_25 = arith.constant 0 : i32
        %dma_start3A_26 = tpu.memref_slice %arg8[%dma_start3A_24, %dma_start3A_25] : memref<10240x128xf32, #tpu.memory_space<vmem_shared>> -> memref<10240x128xf32, #tpu.memory_space<vmem_shared>>
        tpu.enqueue_indirect_dma source(%arg7 : memref<80x128xf32, #tpu.memory_space<vmem>>) target(%dma_start3A_26 : memref<10240x128xf32, #tpu.memory_space<vmem_shared>>) offsets(%dma_start3A : memref<80xi32, #tpu.memory_space<vmem>>) semaphore(%run_scoped3A : memref<!tpu.dma_semaphore, #tpu.memory_space<semaphore_mem>>) {add = true}
        %dma_wait3A = tpu.memref_slice %arg6[%multiple_of3A_22] : memref<10000xi32, #tpu.memory_space<vmem>> -> memref<80xi32, #tpu.memory_space<vmem>>
        %dma_wait3A_27 = arith.constant 0 : i32
        %dma_wait3A_28 = arith.constant 0 : i32
        %dma_wait3A_29 = tpu.memref_slice %arg8[%dma_wait3A_27, %dma_wait3A_28] : memref<10240x128xf32, #tpu.memory_space<vmem_shared>> -> memref<10240x128xf32, #tpu.memory_space<vmem_shared>>
        tpu.wait_indirect_dma semaphore(%run_scoped3A : memref<!tpu.dma_semaphore, #tpu.memory_space<semaphore_mem>>) src(%arg7 : memref<80x128xf32, #tpu.memory_space<vmem>>) dst(%dma_wait3A_29 : memref<10240x128xf32, #tpu.memory_space<vmem_shared>>)
        tpu.yield
      }) : () -> ()
      %scan3A_23 = arith.constant 0 : i32
      scf.yield %scan3A_23 : i32
    }
    %scan3A_12 = arith.constant 125 : i32
    %barrier3A_13 = arith.constant 0 : index
    tpu.barrier barrier_id(%barrier3A_13)
    %mul3A_14 = arith.constant 640 : i32
    %mul3A_15 = arith.muli %arg1, %mul3A_14 : i32
    %mul3A_16 = arith.constant 640 : i32
    %mul3A_17 = arith.muli %arg1, %mul3A_16 : i32
    "tpu.region"() ({
      %run_scoped3A = tpu.sem_alloc : memref<!tpu.dma_semaphore, #tpu.memory_space<semaphore_mem>>
      %dma_start3A = arith.constant 0 : i32
      %dma_start3A_18 = tpu.memref_slice %arg5[%arg0, %mul3A_17, %dma_start3A] : memref<2x10240x128xf32, #tpu.memory_space<hbm>> -> memref<1x640x128xf32, #tpu.memory_space<hbm>>
      %dma_start3A_19 = tpu.memref_squeeze %dma_start3A_18 : memref<1x640x128xf32, #tpu.memory_space<hbm>> -> memref<640x128xf32, #tpu.memory_space<hbm>>
      %dma_start3A_20 = arith.constant 0 : i32
      %dma_start3A_21 = tpu.memref_slice %arg8[%mul3A_15, %dma_start3A_20] : memref<10240x128xf32, #tpu.memory_space<vmem_shared>> -> memref<640x128xf32, #tpu.memory_space<vmem_shared>>
      tpu.enqueue_dma source(%dma_start3A_21 : memref<640x128xf32, #tpu.memory_space<vmem_shared>>) target(%dma_start3A_19 : memref<640x128xf32, #tpu.memory_space<hbm>>) target_semaphore(%run_scoped3A : memref<!tpu.dma_semaphore, #tpu.memory_space<semaphore_mem>>)
      %dma_wait3A = arith.constant 0 : i32
      %dma_wait3A_22 = tpu.memref_slice %arg5[%arg0, %mul3A_17, %dma_wait3A] : memref<2x10240x128xf32, #tpu.memory_space<hbm>> -> memref<1x640x128xf32, #tpu.memory_space<hbm>>
      %dma_wait3A_23 = tpu.memref_squeeze %dma_wait3A_22 : memref<1x640x128xf32, #tpu.memory_space<hbm>> -> memref<640x128xf32, #tpu.memory_space<hbm>>
      %dma_wait3A_24 = arith.constant 0 : i32
      %dma_wait3A_25 = tpu.memref_slice %arg8[%mul3A_15, %dma_wait3A_24] : memref<10240x128xf32, #tpu.memory_space<vmem_shared>> -> memref<640x128xf32, #tpu.memory_space<vmem_shared>>
      tpu.wait_dma2 semaphore(%run_scoped3A : memref<!tpu.dma_semaphore, #tpu.memory_space<semaphore_mem>>) src(%dma_wait3A_25 : memref<640x128xf32, #tpu.memory_space<vmem_shared>>) dst(%dma_wait3A_23 : memref<640x128xf32, #tpu.memory_space<hbm>>)
      tpu.yield
    }) : () -> ()
    return
  }
}

#map = affine_map<(d0, d1) -> (0, 0)>
#map1 = affine_map<(d0, d1) -> (0)>
module attributes {stable_mosaic.version = 14 : i64} {
  func.func @_sc_score_gather_body(%arg0: i32, %arg1: i32, %arg2: memref<10240x128xf32, #tpu.memory_space<hbm>>, %arg3: memref<20480xi32, #tpu.memory_space<hbm>>, %arg4: memref<20480xi32, #tpu.memory_space<hbm>>, %arg5: memref<20480x128xf32, #tpu.memory_space<hbm>>, %arg6: memref<20480x128xf32, #tpu.memory_space<hbm>>, %arg7: memref<640xi32, #tpu.memory_space<vmem>>, %arg8: memref<640xi32, #tpu.memory_space<vmem>>, %arg9: memref<80x128xf32, #tpu.memory_space<vmem>>, %arg10: memref<80x128xf32, #tpu.memory_space<vmem>>, %arg11: memref<80x128xf32, #tpu.memory_space<vmem>>, %arg12: memref<80x128xf32, #tpu.memory_space<vmem>>, %arg13: memref<!tpu.dma_semaphore, #tpu.memory_space<semaphore_mem>>, %arg14: memref<!tpu.dma_semaphore, #tpu.memory_space<semaphore_mem>>, %arg15: memref<!tpu.dma_semaphore, #tpu.memory_space<semaphore_mem>>, %arg16: memref<!tpu.dma_semaphore, #tpu.memory_space<semaphore_mem>>, %arg17: memref<!tpu.dma_semaphore, #tpu.memory_space<semaphore_mem>>, %arg18: memref<!tpu.dma_semaphore, #tpu.memory_space<semaphore_mem>>, %arg19: memref<!tpu.dma_semaphore, #tpu.memory_space<semaphore_mem>>, %arg20: memref<!tpu.dma_semaphore, #tpu.memory_space<semaphore_mem>>) attributes {dimension_semantics = [#tpu.dimension_semantics<core_parallel>, #tpu.dimension_semantics<subcore_parallel>], iteration_bounds = array<i64: 2, 16>, scalar_prefetch = 0 : i64, scratch_operands = 14 : i64, tpu.core_type = #tpu.core_type<sc_vector_subcore>, window_params = [{transform_indices = #map}, {transform_indices = #map1}, {transform_indices = #map1}, {transform_indices = #map}, {transform_indices = #map}]} {
    %mul3A = arith.constant 2 : i32
    %mul3A_0 = arith.muli %arg1, %mul3A : i32
    %add3A = arith.addi %mul3A_0, %arg0 : i32
    %mul3A_1 = arith.constant 640 : i32
    %mul3A_2 = arith.muli %add3A, %mul3A_1 : i32
    %multiple_of3A = tpu.assume_multiple %mul3A_2, 640 : i32
    "tpu.region"() ({
      %run_scoped3A = tpu.sem_alloc : memref<!tpu.dma_semaphore, #tpu.memory_space<semaphore_mem>>
      %dma_start3A_417 = tpu.memref_slice %arg3[%multiple_of3A] : memref<20480xi32, #tpu.memory_space<hbm>> -> memref<640xi32, #tpu.memory_space<hbm>>
      %dma_start3A_418 = tpu.memref_slice %arg3[%multiple_of3A] : memref<20480xi32, #tpu.memory_space<hbm>> -> memref<640xi32, #tpu.memory_space<hbm>>
      tpu.enqueue_dma source(%dma_start3A_418 : memref<640xi32, #tpu.memory_space<hbm>>) target(%arg7 : memref<640xi32, #tpu.memory_space<vmem>>) target_semaphore(%run_scoped3A : memref<!tpu.dma_semaphore, #tpu.memory_space<semaphore_mem>>)
      %dma_wait3A_419 = tpu.memref_slice %arg3[%multiple_of3A] : memref<20480xi32, #tpu.memory_space<hbm>> -> memref<640xi32, #tpu.memory_space<hbm>>
      %dma_wait3A_420 = tpu.memref_slice %arg3[%multiple_of3A] : memref<20480xi32, #tpu.memory_space<hbm>> -> memref<640xi32, #tpu.memory_space<hbm>>
      tpu.wait_dma2 semaphore(%run_scoped3A : memref<!tpu.dma_semaphore, #tpu.memory_space<semaphore_mem>>) src(%dma_wait3A_420 : memref<640xi32, #tpu.memory_space<hbm>>) dst(%arg7 : memref<640xi32, #tpu.memory_space<vmem>>)
      tpu.yield
    }) : () -> ()
    "tpu.region"() ({
      %run_scoped3A = tpu.sem_alloc : memref<!tpu.dma_semaphore, #tpu.memory_space<semaphore_mem>>
      %dma_start3A_417 = tpu.memref_slice %arg4[%multiple_of3A] : memref<20480xi32, #tpu.memory_space<hbm>> -> memref<640xi32, #tpu.memory_space<hbm>>
      %dma_start3A_418 = tpu.memref_slice %arg4[%multiple_of3A] : memref<20480xi32, #tpu.memory_space<hbm>> -> memref<640xi32, #tpu.memory_space<hbm>>
      tpu.enqueue_dma source(%dma_start3A_418 : memref<640xi32, #tpu.memory_space<hbm>>) target(%arg8 : memref<640xi32, #tpu.memory_space<vmem>>) target_semaphore(%run_scoped3A : memref<!tpu.dma_semaphore, #tpu.memory_space<semaphore_mem>>)
      %dma_wait3A_419 = tpu.memref_slice %arg4[%multiple_of3A] : memref<20480xi32, #tpu.memory_space<hbm>> -> memref<640xi32, #tpu.memory_space<hbm>>
      %dma_wait3A_420 = tpu.memref_slice %arg4[%multiple_of3A] : memref<20480xi32, #tpu.memory_space<hbm>> -> memref<640xi32, #tpu.memory_space<hbm>>
      tpu.wait_dma2 semaphore(%run_scoped3A : memref<!tpu.dma_semaphore, #tpu.memory_space<semaphore_mem>>) src(%dma_wait3A_420 : memref<640xi32, #tpu.memory_space<hbm>>) dst(%arg8 : memref<640xi32, #tpu.memory_space<vmem>>)
      tpu.yield
    }) : () -> ()
    %multiple_of3A_3 = arith.constant 0 : i32
    %multiple_of3A_4 = tpu.assume_multiple %multiple_of3A_3, 80 : i32
    %dma_start3A = tpu.memref_slice %arg7[%multiple_of3A_4] : memref<640xi32, #tpu.memory_space<vmem>> -> memref<80xi32, #tpu.memory_space<vmem>>
    %dma_start3A_5 = arith.constant 0 : i32
    %dma_start3A_6 = arith.constant 0 : i32
    %dma_start3A_7 = tpu.memref_slice %arg2[%dma_start3A_5, %dma_start3A_6] : memref<10240x128xf32, #tpu.memory_space<hbm>> -> memref<10240x128xf32, #tpu.memory_space<hbm>>
    tpu.enqueue_indirect_dma source(%dma_start3A_7 : memref<10240x128xf32, #tpu.memory_space<hbm>>) target(%arg9 : memref<80x128xf32, #tpu.memory_space<vmem>>) offsets(%dma_start3A : memref<80xi32, #tpu.memory_space<vmem>>) semaphore(%arg13 : memref<!tpu.dma_semaphore, #tpu.memory_space<semaphore_mem>>)
    %multiple_of3A_8 = arith.constant 0 : i32
    %multiple_of3A_9 = tpu.assume_multiple %multiple_of3A_8, 80 : i32
    %dma_start3A_10 = tpu.memref_slice %arg8[%multiple_of3A_9] : memref<640xi32, #tpu.memory_space<vmem>> -> memref<80xi32, #tpu.memory_space<vmem>>
    %dma_start3A_11 = arith.constant 0 : i32
    %dma_start3A_12 = arith.constant 0 : i32
    %dma_start3A_13 = tpu.memref_slice %arg2[%dma_start3A_11, %dma_start3A_12] : memref<10240x128xf32, #tpu.memory_space<hbm>> -> memref<10240x128xf32, #tpu.memory_space<hbm>>
    tpu.enqueue_indirect_dma source(%dma_start3A_13 : memref<10240x128xf32, #tpu.memory_space<hbm>>) target(%arg11 : memref<80x128xf32, #tpu.memory_space<vmem>>) offsets(%dma_start3A_10 : memref<80xi32, #tpu.memory_space<vmem>>) semaphore(%arg15 : memref<!tpu.dma_semaphore, #tpu.memory_space<semaphore_mem>>)
    %multiple_of3A_14 = arith.constant 80 : i32
    %multiple_of3A_15 = tpu.assume_multiple %multiple_of3A_14, 80 : i32
    %dma_start3A_16 = tpu.memref_slice %arg7[%multiple_of3A_15] : memref<640xi32, #tpu.memory_space<vmem>> -> memref<80xi32, #tpu.memory_space<vmem>>
    %dma_start3A_17 = arith.constant 0 : i32
    %dma_start3A_18 = arith.constant 0 : i32
    %dma_start3A_19 = tpu.memref_slice %arg2[%dma_start3A_17, %dma_start3A_18] : memref<10240x128xf32, #tpu.memory_space<hbm>> -> memref<10240x128xf32, #tpu.memory_space<hbm>>
    tpu.enqueue_indirect_dma source(%dma_start3A_19 : memref<10240x128xf32, #tpu.memory_space<hbm>>) target(%arg10 : memref<80x128xf32, #tpu.memory_space<vmem>>) offsets(%dma_start3A_16 : memref<80xi32, #tpu.memory_space<vmem>>) semaphore(%arg14 : memref<!tpu.dma_semaphore, #tpu.memory_space<semaphore_mem>>)
    %multiple_of3A_20 = arith.constant 80 : i32
    %multiple_of3A_21 = tpu.assume_multiple %multiple_of3A_20, 80 : i32
    %dma_start3A_22 = tpu.memref_slice %arg8[%multiple_of3A_21] : memref<640xi32, #tpu.memory_space<vmem>> -> memref<80xi32, #tpu.memory_space<vmem>>
    %dma_start3A_23 = arith.constant 0 : i32
    %dma_start3A_24 = arith.constant 0 : i32
    %dma_start3A_25 = tpu.memref_slice %arg2[%dma_start3A_23, %dma_start3A_24] : memref<10240x128xf32, #tpu.memory_space<hbm>> -> memref<10240x128xf32, #tpu.memory_space<hbm>>
    tpu.enqueue_indirect_dma source(%dma_start3A_25 : memref<10240x128xf32, #tpu.memory_space<hbm>>) target(%arg12 : memref<80x128xf32, #tpu.memory_space<vmem>>) offsets(%dma_start3A_22 : memref<80xi32, #tpu.memory_space<vmem>>) semaphore(%arg16 : memref<!tpu.dma_semaphore, #tpu.memory_space<semaphore_mem>>)
    %multiple_of3A_26 = arith.constant 0 : i32
    %multiple_of3A_27 = tpu.assume_multiple %multiple_of3A_26, 80 : i32
    %dma_wait3A = tpu.memref_slice %arg7[%multiple_of3A_27] : memref<640xi32, #tpu.memory_space<vmem>> -> memref<80xi32, #tpu.memory_space<vmem>>
    %dma_wait3A_28 = arith.constant 0 : i32
    %dma_wait3A_29 = arith.constant 0 : i32
    %dma_wait3A_30 = tpu.memref_slice %arg2[%dma_wait3A_28, %dma_wait3A_29] : memref<10240x128xf32, #tpu.memory_space<hbm>> -> memref<10240x128xf32, #tpu.memory_space<hbm>>
    tpu.wait_indirect_dma semaphore(%arg13 : memref<!tpu.dma_semaphore, #tpu.memory_space<semaphore_mem>>) src(%dma_wait3A_30 : memref<10240x128xf32, #tpu.memory_space<hbm>>) dst(%arg9 : memref<80x128xf32, #tpu.memory_space<vmem>>)
    %add3A_31 = arith.constant 0 : i32
    %add3A_32 = arith.addi %multiple_of3A, %add3A_31 : i32
    %multiple_of3A_33 = tpu.assume_multiple %add3A_32, 80 : i32
    %dma_start3A_34 = arith.constant 0 : i32
    %dma_start3A_35 = tpu.memref_slice %arg5[%multiple_of3A_33, %dma_start3A_34] : memref<20480x128xf32, #tpu.memory_space<hbm>> -> memref<80x128xf32, #tpu.memory_space<hbm>>
    %dma_start3A_36 = arith.constant 0 : i32
    %dma_start3A_37 = tpu.memref_slice %arg5[%multiple_of3A_33, %dma_start3A_36] : memref<20480x128xf32, #tpu.memory_space<hbm>> -> memref<80x128xf32, #tpu.memory_space<hbm>>
    tpu.enqueue_dma source(%arg9 : memref<80x128xf32, #tpu.memory_space<vmem>>) target(%dma_start3A_37 : memref<80x128xf32, #tpu.memory_space<hbm>>) target_semaphore(%arg17 : memref<!tpu.dma_semaphore, #tpu.memory_space<semaphore_mem>>)
    %multiple_of3A_38 = arith.constant 0 : i32
    %multiple_of3A_39 = tpu.assume_multiple %multiple_of3A_38, 80 : i32
    %dma_wait3A_40 = tpu.memref_slice %arg8[%multiple_of3A_39] : memref<640xi32, #tpu.memory_space<vmem>> -> memref<80xi32, #tpu.memory_space<vmem>>
    %dma_wait3A_41 = arith.constant 0 : i32
    %dma_wait3A_42 = arith.constant 0 : i32
    %dma_wait3A_43 = tpu.memref_slice %arg2[%dma_wait3A_41, %dma_wait3A_42] : memref<10240x128xf32, #tpu.memory_space<hbm>> -> memref<10240x128xf32, #tpu.memory_space<hbm>>
    tpu.wait_indirect_dma semaphore(%arg15 : memref<!tpu.dma_semaphore, #tpu.memory_space<semaphore_mem>>) src(%dma_wait3A_43 : memref<10240x128xf32, #tpu.memory_space<hbm>>) dst(%arg11 : memref<80x128xf32, #tpu.memory_space<vmem>>)
    %add3A_44 = arith.constant 0 : i32
    %add3A_45 = arith.addi %multiple_of3A, %add3A_44 : i32
    %multiple_of3A_46 = tpu.assume_multiple %add3A_45, 80 : i32
    %dma_start3A_47 = arith.constant 0 : i32
    %dma_start3A_48 = tpu.memref_slice %arg6[%multiple_of3A_46, %dma_start3A_47] : memref<20480x128xf32, #tpu.memory_space<hbm>> -> memref<80x128xf32, #tpu.memory_space<hbm>>
    %dma_start3A_49 = arith.constant 0 : i32
    %dma_start3A_50 = tpu.memref_slice %arg6[%multiple_of3A_46, %dma_start3A_49] : memref<20480x128xf32, #tpu.memory_space<hbm>> -> memref<80x128xf32, #tpu.memory_space<hbm>>
    tpu.enqueue_dma source(%arg11 : memref<80x128xf32, #tpu.memory_space<vmem>>) target(%dma_start3A_50 : memref<80x128xf32, #tpu.memory_space<hbm>>) target_semaphore(%arg19 : memref<!tpu.dma_semaphore, #tpu.memory_space<semaphore_mem>>)
    %add3A_51 = arith.constant 0 : i32
    %add3A_52 = arith.addi %multiple_of3A, %add3A_51 : i32
    %multiple_of3A_53 = tpu.assume_multiple %add3A_52, 80 : i32
    %dma_wait3A_54 = arith.constant 0 : i32
    %dma_wait3A_55 = tpu.memref_slice %arg5[%multiple_of3A_53, %dma_wait3A_54] : memref<20480x128xf32, #tpu.memory_space<hbm>> -> memref<80x128xf32, #tpu.memory_space<hbm>>
    %dma_wait3A_56 = arith.constant 0 : i32
    %dma_wait3A_57 = tpu.memref_slice %arg5[%multiple_of3A_53, %dma_wait3A_56] : memref<20480x128xf32, #tpu.memory_space<hbm>> -> memref<80x128xf32, #tpu.memory_space<hbm>>
    tpu.wait_dma2 semaphore(%arg17 : memref<!tpu.dma_semaphore, #tpu.memory_space<semaphore_mem>>) src(%arg9 : memref<80x128xf32, #tpu.memory_space<vmem>>) dst(%dma_wait3A_57 : memref<80x128xf32, #tpu.memory_space<hbm>>)
    %multiple_of3A_58 = arith.constant 160 : i32
    %multiple_of3A_59 = tpu.assume_multiple %multiple_of3A_58, 80 : i32
    %dma_start3A_60 = tpu.memref_slice %arg7[%multiple_of3A_59] : memref<640xi32, #tpu.memory_space<vmem>> -> memref<80xi32, #tpu.memory_space<vmem>>
    %dma_start3A_61 = arith.constant 0 : i32
    %dma_start3A_62 = arith.constant 0 : i32
    %dma_start3A_63 = tpu.memref_slice %arg2[%dma_start3A_61, %dma_start3A_62] : memref<10240x128xf32, #tpu.memory_space<hbm>> -> memref<10240x128xf32, #tpu.memory_space<hbm>>
    tpu.enqueue_indirect_dma source(%dma_start3A_63 : memref<10240x128xf32, #tpu.memory_space<hbm>>) target(%arg9 : memref<80x128xf32, #tpu.memory_space<vmem>>) offsets(%dma_start3A_60 : memref<80xi32, #tpu.memory_space<vmem>>) semaphore(%arg13 : memref<!tpu.dma_semaphore, #tpu.memory_space<semaphore_mem>>)
    %add3A_64 = arith.constant 0 : i32
    %add3A_65 = arith.addi %multiple_of3A, %add3A_64 : i32
    %multiple_of3A_66 = tpu.assume_multiple %add3A_65, 80 : i32
    %dma_wait3A_67 = arith.constant 0 : i32
    %dma_wait3A_68 = tpu.memref_slice %arg6[%multiple_of3A_66, %dma_wait3A_67] : memref<20480x128xf32, #tpu.memory_space<hbm>> -> memref<80x128xf32, #tpu.memory_space<hbm>>
    %dma_wait3A_69 = arith.constant 0 : i32
    %dma_wait3A_70 = tpu.memref_slice %arg6[%multiple_of3A_66, %dma_wait3A_69] : memref<20480x128xf32, #tpu.memory_space<hbm>> -> memref<80x128xf32, #tpu.memory_space<hbm>>
    tpu.wait_dma2 semaphore(%arg19 : memref<!tpu.dma_semaphore, #tpu.memory_space<semaphore_mem>>) src(%arg11 : memref<80x128xf32, #tpu.memory_space<vmem>>) dst(%dma_wait3A_70 : memref<80x128xf32, #tpu.memory_space<hbm>>)
    %multiple_of3A_71 = arith.constant 160 : i32
    %multiple_of3A_72 = tpu.assume_multiple %multiple_of3A_71, 80 : i32
    %dma_start3A_73 = tpu.memref_slice %arg8[%multiple_of3A_72] : memref<640xi32, #tpu.memory_space<vmem>> -> memref<80xi32, #tpu.memory_space<vmem>>
    %dma_start3A_74 = arith.constant 0 : i32
    %dma_start3A_75 = arith.constant 0 : i32
    %dma_start3A_76 = tpu.memref_slice %arg2[%dma_start3A_74, %dma_start3A_75] : memref<10240x128xf32, #tpu.memory_space<hbm>> -> memref<10240x128xf32, #tpu.memory_space<hbm>>
    tpu.enqueue_indirect_dma source(%dma_start3A_76 : memref<10240x128xf32, #tpu.memory_space<hbm>>) target(%arg11 : memref<80x128xf32, #tpu.memory_space<vmem>>) offsets(%dma_start3A_73 : memref<80xi32, #tpu.memory_space<vmem>>) semaphore(%arg15 : memref<!tpu.dma_semaphore, #tpu.memory_space<semaphore_mem>>)
    %multiple_of3A_77 = arith.constant 80 : i32
    %multiple_of3A_78 = tpu.assume_multiple %multiple_of3A_77, 80 : i32
    %dma_wait3A_79 = tpu.memref_slice %arg7[%multiple_of3A_78] : memref<640xi32, #tpu.memory_space<vmem>> -> memref<80xi32, #tpu.memory_space<vmem>>
    %dma_wait3A_80 = arith.constant 0 : i32
    %dma_wait3A_81 = arith.constant 0 : i32
    %dma_wait3A_82 = tpu.memref_slice %arg2[%dma_wait3A_80, %dma_wait3A_81] : memref<10240x128xf32, #tpu.memory_space<hbm>> -> memref<10240x128xf32, #tpu.memory_space<hbm>>
    tpu.wait_indirect_dma semaphore(%arg14 : memref<!tpu.dma_semaphore, #tpu.memory_space<semaphore_mem>>) src(%dma_wait3A_82 : memref<10240x128xf32, #tpu.memory_space<hbm>>) dst(%arg10 : memref<80x128xf32, #tpu.memory_space<vmem>>)
    %add3A_83 = arith.constant 80 : i32
    %add3A_84 = arith.addi %multiple_of3A, %add3A_83 : i32
    %multiple_of3A_85 = tpu.assume_multiple %add3A_84, 80 : i32
    %dma_start3A_86 = arith.constant 0 : i32
    %dma_start3A_87 = tpu.memref_slice %arg5[%multiple_of3A_85, %dma_start3A_86] : memref<20480x128xf32, #tpu.memory_space<hbm>> -> memref<80x128xf32, #tpu.memory_space<hbm>>
    %dma_start3A_88 = arith.constant 0 : i32
    %dma_start3A_89 = tpu.memref_slice %arg5[%multiple_of3A_85, %dma_start3A_88] : memref<20480x128xf32, #tpu.memory_space<hbm>> -> memref<80x128xf32, #tpu.memory_space<hbm>>
    tpu.enqueue_dma source(%arg10 : memref<80x128xf32, #tpu.memory_space<vmem>>) target(%dma_start3A_89 : memref<80x128xf32, #tpu.memory_space<hbm>>) target_semaphore(%arg18 : memref<!tpu.dma_semaphore, #tpu.memory_space<semaphore_mem>>)
    %multiple_of3A_90 = arith.constant 80 : i32
    %multiple_of3A_91 = tpu.assume_multiple %multiple_of3A_90, 80 : i32
    %dma_wait3A_92 = tpu.memref_slice %arg8[%multiple_of3A_91] : memref<640xi32, #tpu.memory_space<vmem>> -> memref<80xi32, #tpu.memory_space<vmem>>
    %dma_wait3A_93 = arith.constant 0 : i32
    %dma_wait3A_94 = arith.constant 0 : i32
    %dma_wait3A_95 = tpu.memref_slice %arg2[%dma_wait3A_93, %dma_wait3A_94] : memref<10240x128xf32, #tpu.memory_space<hbm>> -> memref<10240x128xf32, #tpu.memory_space<hbm>>
    tpu.wait_indirect_dma semaphore(%arg16 : memref<!tpu.dma_semaphore, #tpu.memory_space<semaphore_mem>>) src(%dma_wait3A_95 : memref<10240x128xf32, #tpu.memory_space<hbm>>) dst(%arg12 : memref<80x128xf32, #tpu.memory_space<vmem>>)
    %add3A_96 = arith.constant 80 : i32
    %add3A_97 = arith.addi %multiple_of3A, %add3A_96 : i32
    %multiple_of3A_98 = tpu.assume_multiple %add3A_97, 80 : i32
    %dma_start3A_99 = arith.constant 0 : i32
    %dma_start3A_100 = tpu.memref_slice %arg6[%multiple_of3A_98, %dma_start3A_99] : memref<20480x128xf32, #tpu.memory_space<hbm>> -> memref<80x128xf32, #tpu.memory_space<hbm>>
    %dma_start3A_101 = arith.constant 0 : i32
    %dma_start3A_102 = tpu.memref_slice %arg6[%multiple_of3A_98, %dma_start3A_101] : memref<20480x128xf32, #tpu.memory_space<hbm>> -> memref<80x128xf32, #tpu.memory_space<hbm>>
    tpu.enqueue_dma source(%arg12 : memref<80x128xf32, #tpu.memory_space<vmem>>) target(%dma_start3A_102 : memref<80x128xf32, #tpu.memory_space<hbm>>) target_semaphore(%arg20 : memref<!tpu.dma_semaphore, #tpu.memory_space<semaphore_mem>>)
    %add3A_103 = arith.constant 80 : i32
    %add3A_104 = arith.addi %multiple_of3A, %add3A_103 : i32
    %multiple_of3A_105 = tpu.assume_multiple %add3A_104, 80 : i32
    %dma_wait3A_106 = arith.constant 0 : i32
    %dma_wait3A_107 = tpu.memref_slice %arg5[%multiple_of3A_105, %dma_wait3A_106] : memref<20480x128xf32, #tpu.memory_space<hbm>> -> memref<80x128xf32, #tpu.memory_space<hbm>>
    %dma_wait3A_108 = arith.constant 0 : i32
    %dma_wait3A_109 = tpu.memref_slice %arg5[%multiple_of3A_105, %dma_wait3A_108] : memref<20480x128xf32, #tpu.memory_space<hbm>> -> memref<80x128xf32, #tpu.memory_space<hbm>>
    tpu.wait_dma2 semaphore(%arg18 : memref<!tpu.dma_semaphore, #tpu.memory_space<semaphore_mem>>) src(%arg10 : memref<80x128xf32, #tpu.memory_space<vmem>>) dst(%dma_wait3A_109 : memref<80x128xf32, #tpu.memory_space<hbm>>)
    %multiple_of3A_110 = arith.constant 240 : i32
    %multiple_of3A_111 = tpu.assume_multiple %multiple_of3A_110, 80 : i32
    %dma_start3A_112 = tpu.memref_slice %arg7[%multiple_of3A_111] : memref<640xi32, #tpu.memory_space<vmem>> -> memref<80xi32, #tpu.memory_space<vmem>>
    %dma_start3A_113 = arith.constant 0 : i32
    %dma_start3A_114 = arith.constant 0 : i32
    %dma_start3A_115 = tpu.memref_slice %arg2[%dma_start3A_113, %dma_start3A_114] : memref<10240x128xf32, #tpu.memory_space<hbm>> -> memref<10240x128xf32, #tpu.memory_space<hbm>>
    tpu.enqueue_indirect_dma source(%dma_start3A_115 : memref<10240x128xf32, #tpu.memory_space<hbm>>) target(%arg10 : memref<80x128xf32, #tpu.memory_space<vmem>>) offsets(%dma_start3A_112 : memref<80xi32, #tpu.memory_space<vmem>>) semaphore(%arg14 : memref<!tpu.dma_semaphore, #tpu.memory_space<semaphore_mem>>)
    %add3A_116 = arith.constant 80 : i32
    %add3A_117 = arith.addi %multiple_of3A, %add3A_116 : i32
    %multiple_of3A_118 = tpu.assume_multiple %add3A_117, 80 : i32
    %dma_wait3A_119 = arith.constant 0 : i32
    %dma_wait3A_120 = tpu.memref_slice %arg6[%multiple_of3A_118, %dma_wait3A_119] : memref<20480x128xf32, #tpu.memory_space<hbm>> -> memref<80x128xf32, #tpu.memory_space<hbm>>
    %dma_wait3A_121 = arith.constant 0 : i32
    %dma_wait3A_122 = tpu.memref_slice %arg6[%multiple_of3A_118, %dma_wait3A_121] : memref<20480x128xf32, #tpu.memory_space<hbm>> -> memref<80x128xf32, #tpu.memory_space<hbm>>
    tpu.wait_dma2 semaphore(%arg20 : memref<!tpu.dma_semaphore, #tpu.memory_space<semaphore_mem>>) src(%arg12 : memref<80x128xf32, #tpu.memory_space<vmem>>) dst(%dma_wait3A_122 : memref<80x128xf32, #tpu.memory_space<hbm>>)
    %multiple_of3A_123 = arith.constant 240 : i32
    %multiple_of3A_124 = tpu.assume_multiple %multiple_of3A_123, 80 : i32
    %dma_start3A_125 = tpu.memref_slice %arg8[%multiple_of3A_124] : memref<640xi32, #tpu.memory_space<vmem>> -> memref<80xi32, #tpu.memory_space<vmem>>
    %dma_start3A_126 = arith.constant 0 : i32
    %dma_start3A_127 = arith.constant 0 : i32
    %dma_start3A_128 = tpu.memref_slice %arg2[%dma_start3A_126, %dma_start3A_127] : memref<10240x128xf32, #tpu.memory_space<hbm>> -> memref<10240x128xf32, #tpu.memory_space<hbm>>
    tpu.enqueue_indirect_dma source(%dma_start3A_128 : memref<10240x128xf32, #tpu.memory_space<hbm>>) target(%arg12 : memref<80x128xf32, #tpu.memory_space<vmem>>) offsets(%dma_start3A_125 : memref<80xi32, #tpu.memory_space<vmem>>) semaphore(%arg16 : memref<!tpu.dma_semaphore, #tpu.memory_space<semaphore_mem>>)
    %multiple_of3A_129 = arith.constant 160 : i32
    %multiple_of3A_130 = tpu.assume_multiple %multiple_of3A_129, 80 : i32
    %dma_wait3A_131 = tpu.memref_slice %arg7[%multiple_of3A_130] : memref<640xi32, #tpu.memory_space<vmem>> -> memref<80xi32, #tpu.memory_space<vmem>>
    %dma_wait3A_132 = arith.constant 0 : i32
    %dma_wait3A_133 = arith.constant 0 : i32
    %dma_wait3A_134 = tpu.memref_slice %arg2[%dma_wait3A_132, %dma_wait3A_133] : memref<10240x128xf32, #tpu.memory_space<hbm>> -> memref<10240x128xf32, #tpu.memory_space<hbm>>
    tpu.wait_indirect_dma semaphore(%arg13 : memref<!tpu.dma_semaphore, #tpu.memory_space<semaphore_mem>>) src(%dma_wait3A_134 : memref<10240x128xf32, #tpu.memory_space<hbm>>) dst(%arg9 : memref<80x128xf32, #tpu.memory_space<vmem>>)
    %add3A_135 = arith.constant 160 : i32
    %add3A_136 = arith.addi %multiple_of3A, %add3A_135 : i32
    %multiple_of3A_137 = tpu.assume_multiple %add3A_136, 80 : i32
    %dma_start3A_138 = arith.constant 0 : i32
    %dma_start3A_139 = tpu.memref_slice %arg5[%multiple_of3A_137, %dma_start3A_138] : memref<20480x128xf32, #tpu.memory_space<hbm>> -> memref<80x128xf32, #tpu.memory_space<hbm>>
    %dma_start3A_140 = arith.constant 0 : i32
    %dma_start3A_141 = tpu.memref_slice %arg5[%multiple_of3A_137, %dma_start3A_140] : memref<20480x128xf32, #tpu.memory_space<hbm>> -> memref<80x128xf32, #tpu.memory_space<hbm>>
    tpu.enqueue_dma source(%arg9 : memref<80x128xf32, #tpu.memory_space<vmem>>) target(%dma_start3A_141 : memref<80x128xf32, #tpu.memory_space<hbm>>) target_semaphore(%arg17 : memref<!tpu.dma_semaphore, #tpu.memory_space<semaphore_mem>>)
    %multiple_of3A_142 = arith.constant 160 : i32
    %multiple_of3A_143 = tpu.assume_multiple %multiple_of3A_142, 80 : i32
    %dma_wait3A_144 = tpu.memref_slice %arg8[%multiple_of3A_143] : memref<640xi32, #tpu.memory_space<vmem>> -> memref<80xi32, #tpu.memory_space<vmem>>
    %dma_wait3A_145 = arith.constant 0 : i32
    %dma_wait3A_146 = arith.constant 0 : i32
    %dma_wait3A_147 = tpu.memref_slice %arg2[%dma_wait3A_145, %dma_wait3A_146] : memref<10240x128xf32, #tpu.memory_space<hbm>> -> memref<10240x128xf32, #tpu.memory_space<hbm>>
    tpu.wait_indirect_dma semaphore(%arg15 : memref<!tpu.dma_semaphore, #tpu.memory_space<semaphore_mem>>) src(%dma_wait3A_147 : memref<10240x128xf32, #tpu.memory_space<hbm>>) dst(%arg11 : memref<80x128xf32, #tpu.memory_space<vmem>>)
    %add3A_148 = arith.constant 160 : i32
    %add3A_149 = arith.addi %multiple_of3A, %add3A_148 : i32
    %multiple_of3A_150 = tpu.assume_multiple %add3A_149, 80 : i32
    %dma_start3A_151 = arith.constant 0 : i32
    %dma_start3A_152 = tpu.memref_slice %arg6[%multiple_of3A_150, %dma_start3A_151] : memref<20480x128xf32, #tpu.memory_space<hbm>> -> memref<80x128xf32, #tpu.memory_space<hbm>>
    %dma_start3A_153 = arith.constant 0 : i32
    %dma_start3A_154 = tpu.memref_slice %arg6[%multiple_of3A_150, %dma_start3A_153] : memref<20480x128xf32, #tpu.memory_space<hbm>> -> memref<80x128xf32, #tpu.memory_space<hbm>>
    tpu.enqueue_dma source(%arg11 : memref<80x128xf32, #tpu.memory_space<vmem>>) target(%dma_start3A_154 : memref<80x128xf32, #tpu.memory_space<hbm>>) target_semaphore(%arg19 : memref<!tpu.dma_semaphore, #tpu.memory_space<semaphore_mem>>)
    %add3A_155 = arith.constant 160 : i32
    %add3A_156 = arith.addi %multiple_of3A, %add3A_155 : i32
    %multiple_of3A_157 = tpu.assume_multiple %add3A_156, 80 : i32
    %dma_wait3A_158 = arith.constant 0 : i32
    %dma_wait3A_159 = tpu.memref_slice %arg5[%multiple_of3A_157, %dma_wait3A_158] : memref<20480x128xf32, #tpu.memory_space<hbm>> -> memref<80x128xf32, #tpu.memory_space<hbm>>
    %dma_wait3A_160 = arith.constant 0 : i32
    %dma_wait3A_161 = tpu.memref_slice %arg5[%multiple_of3A_157, %dma_wait3A_160] : memref<20480x128xf32, #tpu.memory_space<hbm>> -> memref<80x128xf32, #tpu.memory_space<hbm>>
    tpu.wait_dma2 semaphore(%arg17 : memref<!tpu.dma_semaphore, #tpu.memory_space<semaphore_mem>>) src(%arg9 : memref<80x128xf32, #tpu.memory_space<vmem>>) dst(%dma_wait3A_161 : memref<80x128xf32, #tpu.memory_space<hbm>>)
    %multiple_of3A_162 = arith.constant 320 : i32
    %multiple_of3A_163 = tpu.assume_multiple %multiple_of3A_162, 80 : i32
    %dma_start3A_164 = tpu.memref_slice %arg7[%multiple_of3A_163] : memref<640xi32, #tpu.memory_space<vmem>> -> memref<80xi32, #tpu.memory_space<vmem>>
    %dma_start3A_165 = arith.constant 0 : i32
    %dma_start3A_166 = arith.constant 0 : i32
    %dma_start3A_167 = tpu.memref_slice %arg2[%dma_start3A_165, %dma_start3A_166] : memref<10240x128xf32, #tpu.memory_space<hbm>> -> memref<10240x128xf32, #tpu.memory_space<hbm>>
    tpu.enqueue_indirect_dma source(%dma_start3A_167 : memref<10240x128xf32, #tpu.memory_space<hbm>>) target(%arg9 : memref<80x128xf32, #tpu.memory_space<vmem>>) offsets(%dma_start3A_164 : memref<80xi32, #tpu.memory_space<vmem>>) semaphore(%arg13 : memref<!tpu.dma_semaphore, #tpu.memory_space<semaphore_mem>>)
    %add3A_168 = arith.constant 160 : i32
    %add3A_169 = arith.addi %multiple_of3A, %add3A_168 : i32
    %multiple_of3A_170 = tpu.assume_multiple %add3A_169, 80 : i32
    %dma_wait3A_171 = arith.constant 0 : i32
    %dma_wait3A_172 = tpu.memref_slice %arg6[%multiple_of3A_170, %dma_wait3A_171] : memref<20480x128xf32, #tpu.memory_space<hbm>> -> memref<80x128xf32, #tpu.memory_space<hbm>>
    %dma_wait3A_173 = arith.constant 0 : i32
    %dma_wait3A_174 = tpu.memref_slice %arg6[%multiple_of3A_170, %dma_wait3A_173] : memref<20480x128xf32, #tpu.memory_space<hbm>> -> memref<80x128xf32, #tpu.memory_space<hbm>>
    tpu.wait_dma2 semaphore(%arg19 : memref<!tpu.dma_semaphore, #tpu.memory_space<semaphore_mem>>) src(%arg11 : memref<80x128xf32, #tpu.memory_space<vmem>>) dst(%dma_wait3A_174 : memref<80x128xf32, #tpu.memory_space<hbm>>)
    %multiple_of3A_175 = arith.constant 320 : i32
    %multiple_of3A_176 = tpu.assume_multiple %multiple_of3A_175, 80 : i32
    %dma_start3A_177 = tpu.memref_slice %arg8[%multiple_of3A_176] : memref<640xi32, #tpu.memory_space<vmem>> -> memref<80xi32, #tpu.memory_space<vmem>>
    %dma_start3A_178 = arith.constant 0 : i32
    %dma_start3A_179 = arith.constant 0 : i32
    %dma_start3A_180 = tpu.memref_slice %arg2[%dma_start3A_178, %dma_start3A_179] : memref<10240x128xf32, #tpu.memory_space<hbm>> -> memref<10240x128xf32, #tpu.memory_space<hbm>>
    tpu.enqueue_indirect_dma source(%dma_start3A_180 : memref<10240x128xf32, #tpu.memory_space<hbm>>) target(%arg11 : memref<80x128xf32, #tpu.memory_space<vmem>>) offsets(%dma_start3A_177 : memref<80xi32, #tpu.memory_space<vmem>>) semaphore(%arg15 : memref<!tpu.dma_semaphore, #tpu.memory_space<semaphore_mem>>)
    %multiple_of3A_181 = arith.constant 240 : i32
    %multiple_of3A_182 = tpu.assume_multiple %multiple_of3A_181, 80 : i32
    %dma_wait3A_183 = tpu.memref_slice %arg7[%multiple_of3A_182] : memref<640xi32, #tpu.memory_space<vmem>> -> memref<80xi32, #tpu.memory_space<vmem>>
    %dma_wait3A_184 = arith.constant 0 : i32
    %dma_wait3A_185 = arith.constant 0 : i32
    %dma_wait3A_186 = tpu.memref_slice %arg2[%dma_wait3A_184, %dma_wait3A_185] : memref<10240x128xf32, #tpu.memory_space<hbm>> -> memref<10240x128xf32, #tpu.memory_space<hbm>>
    tpu.wait_indirect_dma semaphore(%arg14 : memref<!tpu.dma_semaphore, #tpu.memory_space<semaphore_mem>>) src(%dma_wait3A_186 : memref<10240x128xf32, #tpu.memory_space<hbm>>) dst(%arg10 : memref<80x128xf32, #tpu.memory_space<vmem>>)
    %add3A_187 = arith.constant 240 : i32
    %add3A_188 = arith.addi %multiple_of3A, %add3A_187 : i32
    %multiple_of3A_189 = tpu.assume_multiple %add3A_188, 80 : i32
    %dma_start3A_190 = arith.constant 0 : i32
    %dma_start3A_191 = tpu.memref_slice %arg5[%multiple_of3A_189, %dma_start3A_190] : memref<20480x128xf32, #tpu.memory_space<hbm>> -> memref<80x128xf32, #tpu.memory_space<hbm>>
    %dma_start3A_192 = arith.constant 0 : i32
    %dma_start3A_193 = tpu.memref_slice %arg5[%multiple_of3A_189, %dma_start3A_192] : memref<20480x128xf32, #tpu.memory_space<hbm>> -> memref<80x128xf32, #tpu.memory_space<hbm>>
    tpu.enqueue_dma source(%arg10 : memref<80x128xf32, #tpu.memory_space<vmem>>) target(%dma_start3A_193 : memref<80x128xf32, #tpu.memory_space<hbm>>) target_semaphore(%arg18 : memref<!tpu.dma_semaphore, #tpu.memory_space<semaphore_mem>>)
    %multiple_of3A_194 = arith.constant 240 : i32
    %multiple_of3A_195 = tpu.assume_multiple %multiple_of3A_194, 80 : i32
    %dma_wait3A_196 = tpu.memref_slice %arg8[%multiple_of3A_195] : memref<640xi32, #tpu.memory_space<vmem>> -> memref<80xi32, #tpu.memory_space<vmem>>
    %dma_wait3A_197 = arith.constant 0 : i32
    %dma_wait3A_198 = arith.constant 0 : i32
    %dma_wait3A_199 = tpu.memref_slice %arg2[%dma_wait3A_197, %dma_wait3A_198] : memref<10240x128xf32, #tpu.memory_space<hbm>> -> memref<10240x128xf32, #tpu.memory_space<hbm>>
    tpu.wait_indirect_dma semaphore(%arg16 : memref<!tpu.dma_semaphore, #tpu.memory_space<semaphore_mem>>) src(%dma_wait3A_199 : memref<10240x128xf32, #tpu.memory_space<hbm>>) dst(%arg12 : memref<80x128xf32, #tpu.memory_space<vmem>>)
    %add3A_200 = arith.constant 240 : i32
    %add3A_201 = arith.addi %multiple_of3A, %add3A_200 : i32
    %multiple_of3A_202 = tpu.assume_multiple %add3A_201, 80 : i32
    %dma_start3A_203 = arith.constant 0 : i32
    %dma_start3A_204 = tpu.memref_slice %arg6[%multiple_of3A_202, %dma_start3A_203] : memref<20480x128xf32, #tpu.memory_space<hbm>> -> memref<80x128xf32, #tpu.memory_space<hbm>>
    %dma_start3A_205 = arith.constant 0 : i32
    %dma_start3A_206 = tpu.memref_slice %arg6[%multiple_of3A_202, %dma_start3A_205] : memref<20480x128xf32, #tpu.memory_space<hbm>> -> memref<80x128xf32, #tpu.memory_space<hbm>>
    tpu.enqueue_dma source(%arg12 : memref<80x128xf32, #tpu.memory_space<vmem>>) target(%dma_start3A_206 : memref<80x128xf32, #tpu.memory_space<hbm>>) target_semaphore(%arg20 : memref<!tpu.dma_semaphore, #tpu.memory_space<semaphore_mem>>)
    %add3A_207 = arith.constant 240 : i32
    %add3A_208 = arith.addi %multiple_of3A, %add3A_207 : i32
    %multiple_of3A_209 = tpu.assume_multiple %add3A_208, 80 : i32
    %dma_wait3A_210 = arith.constant 0 : i32
    %dma_wait3A_211 = tpu.memref_slice %arg5[%multiple_of3A_209, %dma_wait3A_210] : memref<20480x128xf32, #tpu.memory_space<hbm>> -> memref<80x128xf32, #tpu.memory_space<hbm>>
    %dma_wait3A_212 = arith.constant 0 : i32
    %dma_wait3A_213 = tpu.memref_slice %arg5[%multiple_of3A_209, %dma_wait3A_212] : memref<20480x128xf32, #tpu.memory_space<hbm>> -> memref<80x128xf32, #tpu.memory_space<hbm>>
    tpu.wait_dma2 semaphore(%arg18 : memref<!tpu.dma_semaphore, #tpu.memory_space<semaphore_mem>>) src(%arg10 : memref<80x128xf32, #tpu.memory_space<vmem>>) dst(%dma_wait3A_213 : memref<80x128xf32, #tpu.memory_space<hbm>>)
    %multiple_of3A_214 = arith.constant 400 : i32
    %multiple_of3A_215 = tpu.assume_multiple %multiple_of3A_214, 80 : i32
    %dma_start3A_216 = tpu.memref_slice %arg7[%multiple_of3A_215] : memref<640xi32, #tpu.memory_space<vmem>> -> memref<80xi32, #tpu.memory_space<vmem>>
    %dma_start3A_217 = arith.constant 0 : i32
    %dma_start3A_218 = arith.constant 0 : i32
    %dma_start3A_219 = tpu.memref_slice %arg2[%dma_start3A_217, %dma_start3A_218] : memref<10240x128xf32, #tpu.memory_space<hbm>> -> memref<10240x128xf32, #tpu.memory_space<hbm>>
    tpu.enqueue_indirect_dma source(%dma_start3A_219 : memref<10240x128xf32, #tpu.memory_space<hbm>>) target(%arg10 : memref<80x128xf32, #tpu.memory_space<vmem>>) offsets(%dma_start3A_216 : memref<80xi32, #tpu.memory_space<vmem>>) semaphore(%arg14 : memref<!tpu.dma_semaphore, #tpu.memory_space<semaphore_mem>>)
    %add3A_220 = arith.constant 240 : i32
    %add3A_221 = arith.addi %multiple_of3A, %add3A_220 : i32
    %multiple_of3A_222 = tpu.assume_multiple %add3A_221, 80 : i32
    %dma_wait3A_223 = arith.constant 0 : i32
    %dma_wait3A_224 = tpu.memref_slice %arg6[%multiple_of3A_222, %dma_wait3A_223] : memref<20480x128xf32, #tpu.memory_space<hbm>> -> memref<80x128xf32, #tpu.memory_space<hbm>>
    %dma_wait3A_225 = arith.constant 0 : i32
    %dma_wait3A_226 = tpu.memref_slice %arg6[%multiple_of3A_222, %dma_wait3A_225] : memref<20480x128xf32, #tpu.memory_space<hbm>> -> memref<80x128xf32, #tpu.memory_space<hbm>>
    tpu.wait_dma2 semaphore(%arg20 : memref<!tpu.dma_semaphore, #tpu.memory_space<semaphore_mem>>) src(%arg12 : memref<80x128xf32, #tpu.memory_space<vmem>>) dst(%dma_wait3A_226 : memref<80x128xf32, #tpu.memory_space<hbm>>)
    %multiple_of3A_227 = arith.constant 400 : i32
    %multiple_of3A_228 = tpu.assume_multiple %multiple_of3A_227, 80 : i32
    %dma_start3A_229 = tpu.memref_slice %arg8[%multiple_of3A_228] : memref<640xi32, #tpu.memory_space<vmem>> -> memref<80xi32, #tpu.memory_space<vmem>>
    %dma_start3A_230 = arith.constant 0 : i32
    %dma_start3A_231 = arith.constant 0 : i32
    %dma_start3A_232 = tpu.memref_slice %arg2[%dma_start3A_230, %dma_start3A_231] : memref<10240x128xf32, #tpu.memory_space<hbm>> -> memref<10240x128xf32, #tpu.memory_space<hbm>>
    tpu.enqueue_indirect_dma source(%dma_start3A_232 : memref<10240x128xf32, #tpu.memory_space<hbm>>) target(%arg12 : memref<80x128xf32, #tpu.memory_space<vmem>>) offsets(%dma_start3A_229 : memref<80xi32, #tpu.memory_space<vmem>>) semaphore(%arg16 : memref<!tpu.dma_semaphore, #tpu.memory_space<semaphore_mem>>)
    %multiple_of3A_233 = arith.constant 320 : i32
    %multiple_of3A_234 = tpu.assume_multiple %multiple_of3A_233, 80 : i32
    %dma_wait3A_235 = tpu.memref_slice %arg7[%multiple_of3A_234] : memref<640xi32, #tpu.memory_space<vmem>> -> memref<80xi32, #tpu.memory_space<vmem>>
    %dma_wait3A_236 = arith.constant 0 : i32
    %dma_wait3A_237 = arith.constant 0 : i32
    %dma_wait3A_238 = tpu.memref_slice %arg2[%dma_wait3A_236, %dma_wait3A_237] : memref<10240x128xf32, #tpu.memory_space<hbm>> -> memref<10240x128xf32, #tpu.memory_space<hbm>>
    tpu.wait_indirect_dma semaphore(%arg13 : memref<!tpu.dma_semaphore, #tpu.memory_space<semaphore_mem>>) src(%dma_wait3A_238 : memref<10240x128xf32, #tpu.memory_space<hbm>>) dst(%arg9 : memref<80x128xf32, #tpu.memory_space<vmem>>)
    %add3A_239 = arith.constant 320 : i32
    %add3A_240 = arith.addi %multiple_of3A, %add3A_239 : i32
    %multiple_of3A_241 = tpu.assume_multiple %add3A_240, 80 : i32
    %dma_start3A_242 = arith.constant 0 : i32
    %dma_start3A_243 = tpu.memref_slice %arg5[%multiple_of3A_241, %dma_start3A_242] : memref<20480x128xf32, #tpu.memory_space<hbm>> -> memref<80x128xf32, #tpu.memory_space<hbm>>
    %dma_start3A_244 = arith.constant 0 : i32
    %dma_start3A_245 = tpu.memref_slice %arg5[%multiple_of3A_241, %dma_start3A_244] : memref<20480x128xf32, #tpu.memory_space<hbm>> -> memref<80x128xf32, #tpu.memory_space<hbm>>
    tpu.enqueue_dma source(%arg9 : memref<80x128xf32, #tpu.memory_space<vmem>>) target(%dma_start3A_245 : memref<80x128xf32, #tpu.memory_space<hbm>>) target_semaphore(%arg17 : memref<!tpu.dma_semaphore, #tpu.memory_space<semaphore_mem>>)
    %multiple_of3A_246 = arith.constant 320 : i32
    %multiple_of3A_247 = tpu.assume_multiple %multiple_of3A_246, 80 : i32
    %dma_wait3A_248 = tpu.memref_slice %arg8[%multiple_of3A_247] : memref<640xi32, #tpu.memory_space<vmem>> -> memref<80xi32, #tpu.memory_space<vmem>>
    %dma_wait3A_249 = arith.constant 0 : i32
    %dma_wait3A_250 = arith.constant 0 : i32
    %dma_wait3A_251 = tpu.memref_slice %arg2[%dma_wait3A_249, %dma_wait3A_250] : memref<10240x128xf32, #tpu.memory_space<hbm>> -> memref<10240x128xf32, #tpu.memory_space<hbm>>
    tpu.wait_indirect_dma semaphore(%arg15 : memref<!tpu.dma_semaphore, #tpu.memory_space<semaphore_mem>>) src(%dma_wait3A_251 : memref<10240x128xf32, #tpu.memory_space<hbm>>) dst(%arg11 : memref<80x128xf32, #tpu.memory_space<vmem>>)
    %add3A_252 = arith.constant 320 : i32
    %add3A_253 = arith.addi %multiple_of3A, %add3A_252 : i32
    %multiple_of3A_254 = tpu.assume_multiple %add3A_253, 80 : i32
    %dma_start3A_255 = arith.constant 0 : i32
    %dma_start3A_256 = tpu.memref_slice %arg6[%multiple_of3A_254, %dma_start3A_255] : memref<20480x128xf32, #tpu.memory_space<hbm>> -> memref<80x128xf32, #tpu.memory_space<hbm>>
    %dma_start3A_257 = arith.constant 0 : i32
    %dma_start3A_258 = tpu.memref_slice %arg6[%multiple_of3A_254, %dma_start3A_257] : memref<20480x128xf32, #tpu.memory_space<hbm>> -> memref<80x128xf32, #tpu.memory_space<hbm>>
    tpu.enqueue_dma source(%arg11 : memref<80x128xf32, #tpu.memory_space<vmem>>) target(%dma_start3A_258 : memref<80x128xf32, #tpu.memory_space<hbm>>) target_semaphore(%arg19 : memref<!tpu.dma_semaphore, #tpu.memory_space<semaphore_mem>>)
    %add3A_259 = arith.constant 320 : i32
    %add3A_260 = arith.addi %multiple_of3A, %add3A_259 : i32
    %multiple_of3A_261 = tpu.assume_multiple %add3A_260, 80 : i32
    %dma_wait3A_262 = arith.constant 0 : i32
    %dma_wait3A_263 = tpu.memref_slice %arg5[%multiple_of3A_261, %dma_wait3A_262] : memref<20480x128xf32, #tpu.memory_space<hbm>> -> memref<80x128xf32, #tpu.memory_space<hbm>>
    %dma_wait3A_264 = arith.constant 0 : i32
    %dma_wait3A_265 = tpu.memref_slice %arg5[%multiple_of3A_261, %dma_wait3A_264] : memref<20480x128xf32, #tpu.memory_space<hbm>> -> memref<80x128xf32, #tpu.memory_space<hbm>>
    tpu.wait_dma2 semaphore(%arg17 : memref<!tpu.dma_semaphore, #tpu.memory_space<semaphore_mem>>) src(%arg9 : memref<80x128xf32, #tpu.memory_space<vmem>>) dst(%dma_wait3A_265 : memref<80x128xf32, #tpu.memory_space<hbm>>)
    %multiple_of3A_266 = arith.constant 480 : i32
    %multiple_of3A_267 = tpu.assume_multiple %multiple_of3A_266, 80 : i32
    %dma_start3A_268 = tpu.memref_slice %arg7[%multiple_of3A_267] : memref<640xi32, #tpu.memory_space<vmem>> -> memref<80xi32, #tpu.memory_space<vmem>>
    %dma_start3A_269 = arith.constant 0 : i32
    %dma_start3A_270 = arith.constant 0 : i32
    %dma_start3A_271 = tpu.memref_slice %arg2[%dma_start3A_269, %dma_start3A_270] : memref<10240x128xf32, #tpu.memory_space<hbm>> -> memref<10240x128xf32, #tpu.memory_space<hbm>>
    tpu.enqueue_indirect_dma source(%dma_start3A_271 : memref<10240x128xf32, #tpu.memory_space<hbm>>) target(%arg9 : memref<80x128xf32, #tpu.memory_space<vmem>>) offsets(%dma_start3A_268 : memref<80xi32, #tpu.memory_space<vmem>>) semaphore(%arg13 : memref<!tpu.dma_semaphore, #tpu.memory_space<semaphore_mem>>)
    %add3A_272 = arith.constant 320 : i32
    %add3A_273 = arith.addi %multiple_of3A, %add3A_272 : i32
    %multiple_of3A_274 = tpu.assume_multiple %add3A_273, 80 : i32
    %dma_wait3A_275 = arith.constant 0 : i32
    %dma_wait3A_276 = tpu.memref_slice %arg6[%multiple_of3A_274, %dma_wait3A_275] : memref<20480x128xf32, #tpu.memory_space<hbm>> -> memref<80x128xf32, #tpu.memory_space<hbm>>
    %dma_wait3A_277 = arith.constant 0 : i32
    %dma_wait3A_278 = tpu.memref_slice %arg6[%multiple_of3A_274, %dma_wait3A_277] : memref<20480x128xf32, #tpu.memory_space<hbm>> -> memref<80x128xf32, #tpu.memory_space<hbm>>
    tpu.wait_dma2 semaphore(%arg19 : memref<!tpu.dma_semaphore, #tpu.memory_space<semaphore_mem>>) src(%arg11 : memref<80x128xf32, #tpu.memory_space<vmem>>) dst(%dma_wait3A_278 : memref<80x128xf32, #tpu.memory_space<hbm>>)
    %multiple_of3A_279 = arith.constant 480 : i32
    %multiple_of3A_280 = tpu.assume_multiple %multiple_of3A_279, 80 : i32
    %dma_start3A_281 = tpu.memref_slice %arg8[%multiple_of3A_280] : memref<640xi32, #tpu.memory_space<vmem>> -> memref<80xi32, #tpu.memory_space<vmem>>
    %dma_start3A_282 = arith.constant 0 : i32
    %dma_start3A_283 = arith.constant 0 : i32
    %dma_start3A_284 = tpu.memref_slice %arg2[%dma_start3A_282, %dma_start3A_283] : memref<10240x128xf32, #tpu.memory_space<hbm>> -> memref<10240x128xf32, #tpu.memory_space<hbm>>
    tpu.enqueue_indirect_dma source(%dma_start3A_284 : memref<10240x128xf32, #tpu.memory_space<hbm>>) target(%arg11 : memref<80x128xf32, #tpu.memory_space<vmem>>) offsets(%dma_start3A_281 : memref<80xi32, #tpu.memory_space<vmem>>) semaphore(%arg15 : memref<!tpu.dma_semaphore, #tpu.memory_space<semaphore_mem>>)
    %multiple_of3A_285 = arith.constant 400 : i32
    %multiple_of3A_286 = tpu.assume_multiple %multiple_of3A_285, 80 : i32
    %dma_wait3A_287 = tpu.memref_slice %arg7[%multiple_of3A_286] : memref<640xi32, #tpu.memory_space<vmem>> -> memref<80xi32, #tpu.memory_space<vmem>>
    %dma_wait3A_288 = arith.constant 0 : i32
    %dma_wait3A_289 = arith.constant 0 : i32
    %dma_wait3A_290 = tpu.memref_slice %arg2[%dma_wait3A_288, %dma_wait3A_289] : memref<10240x128xf32, #tpu.memory_space<hbm>> -> memref<10240x128xf32, #tpu.memory_space<hbm>>
    tpu.wait_indirect_dma semaphore(%arg14 : memref<!tpu.dma_semaphore, #tpu.memory_space<semaphore_mem>>) src(%dma_wait3A_290 : memref<10240x128xf32, #tpu.memory_space<hbm>>) dst(%arg10 : memref<80x128xf32, #tpu.memory_space<vmem>>)
    %add3A_291 = arith.constant 400 : i32
    %add3A_292 = arith.addi %multiple_of3A, %add3A_291 : i32
    %multiple_of3A_293 = tpu.assume_multiple %add3A_292, 80 : i32
    %dma_start3A_294 = arith.constant 0 : i32
    %dma_start3A_295 = tpu.memref_slice %arg5[%multiple_of3A_293, %dma_start3A_294] : memref<20480x128xf32, #tpu.memory_space<hbm>> -> memref<80x128xf32, #tpu.memory_space<hbm>>
    %dma_start3A_296 = arith.constant 0 : i32
    %dma_start3A_297 = tpu.memref_slice %arg5[%multiple_of3A_293, %dma_start3A_296] : memref<20480x128xf32, #tpu.memory_space<hbm>> -> memref<80x128xf32, #tpu.memory_space<hbm>>
    tpu.enqueue_dma source(%arg10 : memref<80x128xf32, #tpu.memory_space<vmem>>) target(%dma_start3A_297 : memref<80x128xf32, #tpu.memory_space<hbm>>) target_semaphore(%arg18 : memref<!tpu.dma_semaphore, #tpu.memory_space<semaphore_mem>>)
    %multiple_of3A_298 = arith.constant 400 : i32
    %multiple_of3A_299 = tpu.assume_multiple %multiple_of3A_298, 80 : i32
    %dma_wait3A_300 = tpu.memref_slice %arg8[%multiple_of3A_299] : memref<640xi32, #tpu.memory_space<vmem>> -> memref<80xi32, #tpu.memory_space<vmem>>
    %dma_wait3A_301 = arith.constant 0 : i32
    %dma_wait3A_302 = arith.constant 0 : i32
    %dma_wait3A_303 = tpu.memref_slice %arg2[%dma_wait3A_301, %dma_wait3A_302] : memref<10240x128xf32, #tpu.memory_space<hbm>> -> memref<10240x128xf32, #tpu.memory_space<hbm>>
    tpu.wait_indirect_dma semaphore(%arg16 : memref<!tpu.dma_semaphore, #tpu.memory_space<semaphore_mem>>) src(%dma_wait3A_303 : memref<10240x128xf32, #tpu.memory_space<hbm>>) dst(%arg12 : memref<80x128xf32, #tpu.memory_space<vmem>>)
    %add3A_304 = arith.constant 400 : i32
    %add3A_305 = arith.addi %multiple_of3A, %add3A_304 : i32
    %multiple_of3A_306 = tpu.assume_multiple %add3A_305, 80 : i32
    %dma_start3A_307 = arith.constant 0 : i32
    %dma_start3A_308 = tpu.memref_slice %arg6[%multiple_of3A_306, %dma_start3A_307] : memref<20480x128xf32, #tpu.memory_space<hbm>> -> memref<80x128xf32, #tpu.memory_space<hbm>>
    %dma_start3A_309 = arith.constant 0 : i32
    %dma_start3A_310 = tpu.memref_slice %arg6[%multiple_of3A_306, %dma_start3A_309] : memref<20480x128xf32, #tpu.memory_space<hbm>> -> memref<80x128xf32, #tpu.memory_space<hbm>>
    tpu.enqueue_dma source(%arg12 : memref<80x128xf32, #tpu.memory_space<vmem>>) target(%dma_start3A_310 : memref<80x128xf32, #tpu.memory_space<hbm>>) target_semaphore(%arg20 : memref<!tpu.dma_semaphore, #tpu.memory_space<semaphore_mem>>)
    %add3A_311 = arith.constant 400 : i32
    %add3A_312 = arith.addi %multiple_of3A, %add3A_311 : i32
    %multiple_of3A_313 = tpu.assume_multiple %add3A_312, 80 : i32
    %dma_wait3A_314 = arith.constant 0 : i32
    %dma_wait3A_315 = tpu.memref_slice %arg5[%multiple_of3A_313, %dma_wait3A_314] : memref<20480x128xf32, #tpu.memory_space<hbm>> -> memref<80x128xf32, #tpu.memory_space<hbm>>
    %dma_wait3A_316 = arith.constant 0 : i32
    %dma_wait3A_317 = tpu.memref_slice %arg5[%multiple_of3A_313, %dma_wait3A_316] : memref<20480x128xf32, #tpu.memory_space<hbm>> -> memref<80x128xf32, #tpu.memory_space<hbm>>
    tpu.wait_dma2 semaphore(%arg18 : memref<!tpu.dma_semaphore, #tpu.memory_space<semaphore_mem>>) src(%arg10 : memref<80x128xf32, #tpu.memory_space<vmem>>) dst(%dma_wait3A_317 : memref<80x128xf32, #tpu.memory_space<hbm>>)
    %multiple_of3A_318 = arith.constant 560 : i32
    %multiple_of3A_319 = tpu.assume_multiple %multiple_of3A_318, 80 : i32
    %dma_start3A_320 = tpu.memref_slice %arg7[%multiple_of3A_319] : memref<640xi32, #tpu.memory_space<vmem>> -> memref<80xi32, #tpu.memory_space<vmem>>
    %dma_start3A_321 = arith.constant 0 : i32
    %dma_start3A_322 = arith.constant 0 : i32
    %dma_start3A_323 = tpu.memref_slice %arg2[%dma_start3A_321, %dma_start3A_322] : memref<10240x128xf32, #tpu.memory_space<hbm>> -> memref<10240x128xf32, #tpu.memory_space<hbm>>
    tpu.enqueue_indirect_dma source(%dma_start3A_323 : memref<10240x128xf32, #tpu.memory_space<hbm>>) target(%arg10 : memref<80x128xf32, #tpu.memory_space<vmem>>) offsets(%dma_start3A_320 : memref<80xi32, #tpu.memory_space<vmem>>) semaphore(%arg14 : memref<!tpu.dma_semaphore, #tpu.memory_space<semaphore_mem>>)
    %add3A_324 = arith.constant 400 : i32
    %add3A_325 = arith.addi %multiple_of3A, %add3A_324 : i32
    %multiple_of3A_326 = tpu.assume_multiple %add3A_325, 80 : i32
    %dma_wait3A_327 = arith.constant 0 : i32
    %dma_wait3A_328 = tpu.memref_slice %arg6[%multiple_of3A_326, %dma_wait3A_327] : memref<20480x128xf32, #tpu.memory_space<hbm>> -> memref<80x128xf32, #tpu.memory_space<hbm>>
    %dma_wait3A_329 = arith.constant 0 : i32
    %dma_wait3A_330 = tpu.memref_slice %arg6[%multiple_of3A_326, %dma_wait3A_329] : memref<20480x128xf32, #tpu.memory_space<hbm>> -> memref<80x128xf32, #tpu.memory_space<hbm>>
    tpu.wait_dma2 semaphore(%arg20 : memref<!tpu.dma_semaphore, #tpu.memory_space<semaphore_mem>>) src(%arg12 : memref<80x128xf32, #tpu.memory_space<vmem>>) dst(%dma_wait3A_330 : memref<80x128xf32, #tpu.memory_space<hbm>>)
    %multiple_of3A_331 = arith.constant 560 : i32
    %multiple_of3A_332 = tpu.assume_multiple %multiple_of3A_331, 80 : i32
    %dma_start3A_333 = tpu.memref_slice %arg8[%multiple_of3A_332] : memref<640xi32, #tpu.memory_space<vmem>> -> memref<80xi32, #tpu.memory_space<vmem>>
    %dma_start3A_334 = arith.constant 0 : i32
    %dma_start3A_335 = arith.constant 0 : i32
    %dma_start3A_336 = tpu.memref_slice %arg2[%dma_start3A_334, %dma_start3A_335] : memref<10240x128xf32, #tpu.memory_space<hbm>> -> memref<10240x128xf32, #tpu.memory_space<hbm>>
    tpu.enqueue_indirect_dma source(%dma_start3A_336 : memref<10240x128xf32, #tpu.memory_space<hbm>>) target(%arg12 : memref<80x128xf32, #tpu.memory_space<vmem>>) offsets(%dma_start3A_333 : memref<80xi32, #tpu.memory_space<vmem>>) semaphore(%arg16 : memref<!tpu.dma_semaphore, #tpu.memory_space<semaphore_mem>>)
    %multiple_of3A_337 = arith.constant 480 : i32
    %multiple_of3A_338 = tpu.assume_multiple %multiple_of3A_337, 80 : i32
    %dma_wait3A_339 = tpu.memref_slice %arg7[%multiple_of3A_338] : memref<640xi32, #tpu.memory_space<vmem>> -> memref<80xi32, #tpu.memory_space<vmem>>
    %dma_wait3A_340 = arith.constant 0 : i32
    %dma_wait3A_341 = arith.constant 0 : i32
    %dma_wait3A_342 = tpu.memref_slice %arg2[%dma_wait3A_340, %dma_wait3A_341] : memref<10240x128xf32, #tpu.memory_space<hbm>> -> memref<10240x128xf32, #tpu.memory_space<hbm>>
    tpu.wait_indirect_dma semaphore(%arg13 : memref<!tpu.dma_semaphore, #tpu.memory_space<semaphore_mem>>) src(%dma_wait3A_342 : memref<10240x128xf32, #tpu.memory_space<hbm>>) dst(%arg9 : memref<80x128xf32, #tpu.memory_space<vmem>>)
    %add3A_343 = arith.constant 480 : i32
    %add3A_344 = arith.addi %multiple_of3A, %add3A_343 : i32
    %multiple_of3A_345 = tpu.assume_multiple %add3A_344, 80 : i32
    %dma_start3A_346 = arith.constant 0 : i32
    %dma_start3A_347 = tpu.memref_slice %arg5[%multiple_of3A_345, %dma_start3A_346] : memref<20480x128xf32, #tpu.memory_space<hbm>> -> memref<80x128xf32, #tpu.memory_space<hbm>>
    %dma_start3A_348 = arith.constant 0 : i32
    %dma_start3A_349 = tpu.memref_slice %arg5[%multiple_of3A_345, %dma_start3A_348] : memref<20480x128xf32, #tpu.memory_space<hbm>> -> memref<80x128xf32, #tpu.memory_space<hbm>>
    tpu.enqueue_dma source(%arg9 : memref<80x128xf32, #tpu.memory_space<vmem>>) target(%dma_start3A_349 : memref<80x128xf32, #tpu.memory_space<hbm>>) target_semaphore(%arg17 : memref<!tpu.dma_semaphore, #tpu.memory_space<semaphore_mem>>)
    %multiple_of3A_350 = arith.constant 480 : i32
    %multiple_of3A_351 = tpu.assume_multiple %multiple_of3A_350, 80 : i32
    %dma_wait3A_352 = tpu.memref_slice %arg8[%multiple_of3A_351] : memref<640xi32, #tpu.memory_space<vmem>> -> memref<80xi32, #tpu.memory_space<vmem>>
    %dma_wait3A_353 = arith.constant 0 : i32
    %dma_wait3A_354 = arith.constant 0 : i32
    %dma_wait3A_355 = tpu.memref_slice %arg2[%dma_wait3A_353, %dma_wait3A_354] : memref<10240x128xf32, #tpu.memory_space<hbm>> -> memref<10240x128xf32, #tpu.memory_space<hbm>>
    tpu.wait_indirect_dma semaphore(%arg15 : memref<!tpu.dma_semaphore, #tpu.memory_space<semaphore_mem>>) src(%dma_wait3A_355 : memref<10240x128xf32, #tpu.memory_space<hbm>>) dst(%arg11 : memref<80x128xf32, #tpu.memory_space<vmem>>)
    %add3A_356 = arith.constant 480 : i32
    %add3A_357 = arith.addi %multiple_of3A, %add3A_356 : i32
    %multiple_of3A_358 = tpu.assume_multiple %add3A_357, 80 : i32
    %dma_start3A_359 = arith.constant 0 : i32
    %dma_start3A_360 = tpu.memref_slice %arg6[%multiple_of3A_358, %dma_start3A_359] : memref<20480x128xf32, #tpu.memory_space<hbm>> -> memref<80x128xf32, #tpu.memory_space<hbm>>
    %dma_start3A_361 = arith.constant 0 : i32
    %dma_start3A_362 = tpu.memref_slice %arg6[%multiple_of3A_358, %dma_start3A_361] : memref<20480x128xf32, #tpu.memory_space<hbm>> -> memref<80x128xf32, #tpu.memory_space<hbm>>
    tpu.enqueue_dma source(%arg11 : memref<80x128xf32, #tpu.memory_space<vmem>>) target(%dma_start3A_362 : memref<80x128xf32, #tpu.memory_space<hbm>>) target_semaphore(%arg19 : memref<!tpu.dma_semaphore, #tpu.memory_space<semaphore_mem>>)
    %multiple_of3A_363 = arith.constant 560 : i32
    %multiple_of3A_364 = tpu.assume_multiple %multiple_of3A_363, 80 : i32
    %dma_wait3A_365 = tpu.memref_slice %arg7[%multiple_of3A_364] : memref<640xi32, #tpu.memory_space<vmem>> -> memref<80xi32, #tpu.memory_space<vmem>>
    %dma_wait3A_366 = arith.constant 0 : i32
    %dma_wait3A_367 = arith.constant 0 : i32
    %dma_wait3A_368 = tpu.memref_slice %arg2[%dma_wait3A_366, %dma_wait3A_367] : memref<10240x128xf32, #tpu.memory_space<hbm>> -> memref<10240x128xf32, #tpu.memory_space<hbm>>
    tpu.wait_indirect_dma semaphore(%arg14 : memref<!tpu.dma_semaphore, #tpu.memory_space<semaphore_mem>>) src(%dma_wait3A_368 : memref<10240x128xf32, #tpu.memory_space<hbm>>) dst(%arg10 : memref<80x128xf32, #tpu.memory_space<vmem>>)
    %add3A_369 = arith.constant 560 : i32
    %add3A_370 = arith.addi %multiple_of3A, %add3A_369 : i32
    %multiple_of3A_371 = tpu.assume_multiple %add3A_370, 80 : i32
    %dma_start3A_372 = arith.constant 0 : i32
    %dma_start3A_373 = tpu.memref_slice %arg5[%multiple_of3A_371, %dma_start3A_372] : memref<20480x128xf32, #tpu.memory_space<hbm>> -> memref<80x128xf32, #tpu.memory_space<hbm>>
    %dma_start3A_374 = arith.constant 0 : i32
    %dma_start3A_375 = tpu.memref_slice %arg5[%multiple_of3A_371, %dma_start3A_374] : memref<20480x128xf32, #tpu.memory_space<hbm>> -> memref<80x128xf32, #tpu.memory_space<hbm>>
    tpu.enqueue_dma source(%arg10 : memref<80x128xf32, #tpu.memory_space<vmem>>) target(%dma_start3A_375 : memref<80x128xf32, #tpu.memory_space<hbm>>) target_semaphore(%arg18 : memref<!tpu.dma_semaphore, #tpu.memory_space<semaphore_mem>>)
    %multiple_of3A_376 = arith.constant 560 : i32
    %multiple_of3A_377 = tpu.assume_multiple %multiple_of3A_376, 80 : i32
    %dma_wait3A_378 = tpu.memref_slice %arg8[%multiple_of3A_377] : memref<640xi32, #tpu.memory_space<vmem>> -> memref<80xi32, #tpu.memory_space<vmem>>
    %dma_wait3A_379 = arith.constant 0 : i32
    %dma_wait3A_380 = arith.constant 0 : i32
    %dma_wait3A_381 = tpu.memref_slice %arg2[%dma_wait3A_379, %dma_wait3A_380] : memref<10240x128xf32, #tpu.memory_space<hbm>> -> memref<10240x128xf32, #tpu.memory_space<hbm>>
    tpu.wait_indirect_dma semaphore(%arg16 : memref<!tpu.dma_semaphore, #tpu.memory_space<semaphore_mem>>) src(%dma_wait3A_381 : memref<10240x128xf32, #tpu.memory_space<hbm>>) dst(%arg12 : memref<80x128xf32, #tpu.memory_space<vmem>>)
    %add3A_382 = arith.constant 560 : i32
    %add3A_383 = arith.addi %multiple_of3A, %add3A_382 : i32
    %multiple_of3A_384 = tpu.assume_multiple %add3A_383, 80 : i32
    %dma_start3A_385 = arith.constant 0 : i32
    %dma_start3A_386 = tpu.memref_slice %arg6[%multiple_of3A_384, %dma_start3A_385] : memref<20480x128xf32, #tpu.memory_space<hbm>> -> memref<80x128xf32, #tpu.memory_space<hbm>>
    %dma_start3A_387 = arith.constant 0 : i32
    %dma_start3A_388 = tpu.memref_slice %arg6[%multiple_of3A_384, %dma_start3A_387] : memref<20480x128xf32, #tpu.memory_space<hbm>> -> memref<80x128xf32, #tpu.memory_space<hbm>>
    tpu.enqueue_dma source(%arg12 : memref<80x128xf32, #tpu.memory_space<vmem>>) target(%dma_start3A_388 : memref<80x128xf32, #tpu.memory_space<hbm>>) target_semaphore(%arg20 : memref<!tpu.dma_semaphore, #tpu.memory_space<semaphore_mem>>)
    %add3A_389 = arith.constant 480 : i32
    %add3A_390 = arith.addi %multiple_of3A, %add3A_389 : i32
    %multiple_of3A_391 = tpu.assume_multiple %add3A_390, 80 : i32
    %dma_wait3A_392 = arith.constant 0 : i32
    %dma_wait3A_393 = tpu.memref_slice %arg5[%multiple_of3A_391, %dma_wait3A_392] : memref<20480x128xf32, #tpu.memory_space<hbm>> -> memref<80x128xf32, #tpu.memory_space<hbm>>
    %dma_wait3A_394 = arith.constant 0 : i32
    %dma_wait3A_395 = tpu.memref_slice %arg5[%multiple_of3A_391, %dma_wait3A_394] : memref<20480x128xf32, #tpu.memory_space<hbm>> -> memref<80x128xf32, #tpu.memory_space<hbm>>
    tpu.wait_dma2 semaphore(%arg17 : memref<!tpu.dma_semaphore, #tpu.memory_space<semaphore_mem>>) src(%arg9 : memref<80x128xf32, #tpu.memory_space<vmem>>) dst(%dma_wait3A_395 : memref<80x128xf32, #tpu.memory_space<hbm>>)
    %add3A_396 = arith.constant 480 : i32
    %add3A_397 = arith.addi %multiple_of3A, %add3A_396 : i32
    %multiple_of3A_398 = tpu.assume_multiple %add3A_397, 80 : i32
    %dma_wait3A_399 = arith.constant 0 : i32
    %dma_wait3A_400 = tpu.memref_slice %arg6[%multiple_of3A_398, %dma_wait3A_399] : memref<20480x128xf32, #tpu.memory_space<hbm>> -> memref<80x128xf32, #tpu.memory_space<hbm>>
    %dma_wait3A_401 = arith.constant 0 : i32
    %dma_wait3A_402 = tpu.memref_slice %arg6[%multiple_of3A_398, %dma_wait3A_401] : memref<20480x128xf32, #tpu.memory_space<hbm>> -> memref<80x128xf32, #tpu.memory_space<hbm>>
    tpu.wait_dma2 semaphore(%arg19 : memref<!tpu.dma_semaphore, #tpu.memory_space<semaphore_mem>>) src(%arg11 : memref<80x128xf32, #tpu.memory_space<vmem>>) dst(%dma_wait3A_402 : memref<80x128xf32, #tpu.memory_space<hbm>>)
    %add3A_403 = arith.constant 560 : i32
    %add3A_404 = arith.addi %multiple_of3A, %add3A_403 : i32
    %multiple_of3A_405 = tpu.assume_multiple %add3A_404, 80 : i32
    %dma_wait3A_406 = arith.constant 0 : i32
    %dma_wait3A_407 = tpu.memref_slice %arg5[%multiple_of3A_405, %dma_wait3A_406] : memref<20480x128xf32, #tpu.memory_space<hbm>> -> memref<80x128xf32, #tpu.memory_space<hbm>>
    %dma_wait3A_408 = arith.constant 0 : i32
    %dma_wait3A_409 = tpu.memref_slice %arg5[%multiple_of3A_405, %dma_wait3A_408] : memref<20480x128xf32, #tpu.memory_space<hbm>> -> memref<80x128xf32, #tpu.memory_space<hbm>>
    tpu.wait_dma2 semaphore(%arg18 : memref<!tpu.dma_semaphore, #tpu.memory_space<semaphore_mem>>) src(%arg10 : memref<80x128xf32, #tpu.memory_space<vmem>>) dst(%dma_wait3A_409 : memref<80x128xf32, #tpu.memory_space<hbm>>)
    %add3A_410 = arith.constant 560 : i32
    %add3A_411 = arith.addi %multiple_of3A, %add3A_410 : i32
    %multiple_of3A_412 = tpu.assume_multiple %add3A_411, 80 : i32
    %dma_wait3A_413 = arith.constant 0 : i32
    %dma_wait3A_414 = tpu.memref_slice %arg6[%multiple_of3A_412, %dma_wait3A_413] : memref<20480x128xf32, #tpu.memory_space<hbm>> -> memref<80x128xf32, #tpu.memory_space<hbm>>
    %dma_wait3A_415 = arith.constant 0 : i32
    %dma_wait3A_416 = tpu.memref_slice %arg6[%multiple_of3A_412, %dma_wait3A_415] : memref<20480x128xf32, #tpu.memory_space<hbm>> -> memref<80x128xf32, #tpu.memory_space<hbm>>
    tpu.wait_dma2 semaphore(%arg20 : memref<!tpu.dma_semaphore, #tpu.memory_space<semaphore_mem>>) src(%arg12 : memref<80x128xf32, #tpu.memory_space<vmem>>) dst(%dma_wait3A_416 : memref<80x128xf32, #tpu.memory_space<hbm>>)
    return
  }
}

module attributes {stable_mosaic.version = 14 : i64} {
  func.func @_tc_sage_body(%arg0: i32, %arg1: memref<1024x128xf32, #tpu.memory_space<vmem>>, %arg2: memref<1024x128xf32, #tpu.memory_space<vmem>>, %arg3: memref<1024x128xf32, #tpu.memory_space<vmem>>, %arg4: memref<1024x16xf32, #tpu.memory_space<vmem>>, %arg5: memref<1024x16xf32, #tpu.memory_space<vmem>>, %arg6: memref<128x128xf32, #tpu.memory_space<vmem>>, %arg7: memref<128x128xf32, #tpu.memory_space<vmem>>, %arg8: memref<1x128xf32, #tpu.memory_space<vmem>>, %arg9: memref<1024x128xf32, #tpu.memory_space<vmem>>) attributes {dimension_semantics = [#tpu.dimension_semantics<arbitrary>], iteration_bounds = array<i64: 10>, scalar_prefetch = 0 : i64, scratch_operands = 0 : i64, tpu.core_type = #tpu.core_type<tc>, window_params = [{transform_indices = @transform_0, window_bounds = array<i64: 1024, 128>}, {transform_indices = @transform_1, window_bounds = array<i64: 1024, 128>}, {transform_indices = @transform_2, window_bounds = array<i64: 1024, 128>}, {transform_indices = @transform_3, window_bounds = array<i64: 1024, 16>}, {transform_indices = @transform_4, window_bounds = array<i64: 1024, 16>}, {pipeline_mode = #tpu.pipeline_mode<synchronous>, transform_indices = @transform_5, window_bounds = array<i64: 128, 128>}, {pipeline_mode = #tpu.pipeline_mode<synchronous>, transform_indices = @transform_6, window_bounds = array<i64: 128, 128>}, {pipeline_mode = #tpu.pipeline_mode<synchronous>, transform_indices = @transform_7, window_bounds = array<i64: 1, 128>}, {transform_indices = @transform_8, window_bounds = array<i64: 1024, 128>}]} {
    %get3A = arith.constant 0 : index
    %get3A_0 = arith.constant 0 : index
    %get3A_1 = vector.load %arg4[%get3A, %get3A_0] : memref<1024x16xf32, #tpu.memory_space<vmem>>, vector<1024x1xf32>
    %get3A_2 = arith.constant 0 : index
    %get3A_3 = arith.constant 0 : index
    %get3A_4 = vector.load %arg5[%get3A_2, %get3A_3] : memref<1024x16xf32, #tpu.memory_space<vmem>>, vector<1024x1xf32>
    %add3A = arith.addf %get3A_1, %get3A_4 : vector<1024x1xf32>
    %max3A = arith.constant 1.000000e+00 : f32
    %max3A_5 = vector.broadcast %max3A : f32 to vector<1024x1xf32>
    %max3A_6 = arith.maximumf %add3A, %max3A_5 : vector<1024x1xf32>
    %div3A = arith.constant 1.000000e+00 : f32
    %div3A_7 = vector.broadcast %div3A : f32 to vector<1024x1xf32>
    %div3A_8 = arith.divf %div3A_7, %max3A_6 : vector<1024x1xf32>
    %get3A_9 = arith.constant 0 : index
    %get3A_10 = arith.constant 0 : index
    %get3A_11 = vector.load %arg2[%get3A_9, %get3A_10] : memref<1024x128xf32, #tpu.memory_space<vmem>>, vector<1024x128xf32>
    %get3A_12 = arith.constant 0 : index
    %get3A_13 = arith.constant 0 : index
    %get3A_14 = vector.load %arg3[%get3A_12, %get3A_13] : memref<1024x128xf32, #tpu.memory_space<vmem>>, vector<1024x128xf32>
    %add3A_15 = arith.addf %get3A_11, %get3A_14 : vector<1024x128xf32>
    %mul3A = vector.broadcast %div3A_8 : vector<1024x1xf32> to vector<1024x128xf32>
    %mul3A_16 = arith.mulf %add3A_15, %mul3A : vector<1024x128xf32>
    %get3A_17 = arith.constant 0 : index
    %get3A_18 = arith.constant 0 : index
    %get3A_19 = vector.load %arg1[%get3A_17, %get3A_18] : memref<1024x128xf32, #tpu.memory_space<vmem>>, vector<1024x128xf32>
    %get3A_20 = arith.constant 0 : index
    %get3A_21 = arith.constant 0 : index
    %get3A_22 = vector.load %arg6[%get3A_20, %get3A_21] : memref<128x128xf32, #tpu.memory_space<vmem>>, vector<128x128xf32>
    %dot_general3A = arith.constant dense<0.000000e+00> : vector<1024x128xf32>
    %dot_general3A_23 = tpu.matmul %get3A_19, %get3A_22, %dot_general3A {dimension_numbers = #tpu.dot_dimension_numbers<[1], [0], [0], [1], [0, 0, 1, 1], [], []>, transpose_lhs_hint = false} : vector<1024x128xf32>, vector<128x128xf32>, vector<1024x128xf32> -> vector<1024x128xf32>
    %get3A_24 = arith.constant 0 : index
    %get3A_25 = arith.constant 0 : index
    %get3A_26 = vector.load %arg7[%get3A_24, %get3A_25] : memref<128x128xf32, #tpu.memory_space<vmem>>, vector<128x128xf32>
    %dot_general3A_27 = arith.constant dense<0.000000e+00> : vector<1024x128xf32>
    %dot_general3A_28 = tpu.matmul %mul3A_16, %get3A_26, %dot_general3A_27 {dimension_numbers = #tpu.dot_dimension_numbers<[1], [0], [0], [1], [0, 0, 1, 1], [], []>, transpose_lhs_hint = false} : vector<1024x128xf32>, vector<128x128xf32>, vector<1024x128xf32> -> vector<1024x128xf32>
    %add3A_29 = arith.addf %dot_general3A_23, %dot_general3A_28 : vector<1024x128xf32>
    %get3A_30 = arith.constant 0 : index
    %get3A_31 = arith.constant 0 : index
    %get3A_32 = vector.load %arg8[%get3A_30, %get3A_31] : memref<1x128xf32, #tpu.memory_space<vmem>>, vector<1x128xf32>
    %add3A_33 = vector.broadcast %get3A_32 : vector<1x128xf32> to vector<1024x128xf32>
    %add3A_34 = arith.addf %add3A_29, %add3A_33 : vector<1024x128xf32>
    %max3A_35 = arith.constant 0.000000e+00 : f32
    %max3A_36 = vector.broadcast %max3A_35 : f32 to vector<1024x128xf32>
    %max3A_37 = arith.maximumf %add3A_34, %max3A_36 : vector<1024x128xf32>
    %swap3A = arith.constant 0 : index
    %swap3A_38 = arith.constant 0 : index
    %swap3A_39 = vector.load %arg9[%swap3A, %swap3A_38] : memref<1024x128xf32, #tpu.memory_space<vmem>>, vector<1024x128xf32>
    tpu.vector_store %arg9[%swap3A, %swap3A_38], %max3A_37 {strides = array<i32>} : memref<1024x128xf32, #tpu.memory_space<vmem>>, vector<1024x128xf32>,
    return
  }
  func.func @transform_0(%arg0: i32) -> (i32, i32) {
    %c0_i32 = arith.constant 0 : i32
    %c0_i32_0 = arith.constant 0 : i32
    return %arg0, %c0_i32 : i32, i32
  }
  func.func @transform_1(%arg0: i32) -> (i32, i32) {
    %c0_i32 = arith.constant 0 : i32
    %c0_i32_0 = arith.constant 0 : i32
    return %arg0, %c0_i32 : i32, i32
  }
  func.func @transform_2(%arg0: i32) -> (i32, i32) {
    %c0_i32 = arith.constant 0 : i32
    %c0_i32_0 = arith.constant 0 : i32
    return %arg0, %c0_i32 : i32, i32
  }
  func.func @transform_3(%arg0: i32) -> (i32, i32) {
    %c0_i32 = arith.constant 0 : i32
    %c0_i32_0 = arith.constant 0 : i32
    return %arg0, %c0_i32 : i32, i32
  }
  func.func @transform_4(%arg0: i32) -> (i32, i32) {
    %c0_i32 = arith.constant 0 : i32
    %c0_i32_0 = arith.constant 0 : i32
    return %arg0, %c0_i32 : i32, i32
  }
  func.func @transform_5(%arg0: i32) -> (i32, i32) {
    %c0_i32 = arith.constant 0 : i32
    %c0_i32_0 = arith.constant 0 : i32
    %c0_i32_1 = arith.constant 0 : i32
    return %c0_i32, %c0_i32_0 : i32, i32
  }
  func.func @transform_6(%arg0: i32) -> (i32, i32) {
    %c0_i32 = arith.constant 0 : i32
    %c0_i32_0 = arith.constant 0 : i32
    %c0_i32_1 = arith.constant 0 : i32
    return %c0_i32, %c0_i32_0 : i32, i32
  }
  func.func @transform_7(%arg0: i32) -> (i32, i32) {
    %c0_i32 = arith.constant 0 : i32
    %c0_i32_0 = arith.constant 0 : i32
    %c0_i32_1 = arith.constant 0 : i32
    return %c0_i32, %c0_i32_0 : i32, i32
  }
  func.func @transform_8(%arg0: i32) -> (i32, i32) {
    %c0_i32 = arith.constant 0 : i32
    %c0_i32_0 = arith.constant 0 : i32
    return %arg0, %c0_i32 : i32, i32
  }
}

module attributes {stable_mosaic.version = 14 : i64} {
  func.func @_tc_sage_body(%arg0: i32, %arg1: memref<1024x128xf32, #tpu.memory_space<vmem>>, %arg2: memref<1024x128xf32, #tpu.memory_space<vmem>>, %arg3: memref<1024x128xf32, #tpu.memory_space<vmem>>, %arg4: memref<1024x16xf32, #tpu.memory_space<vmem>>, %arg5: memref<1024x16xf32, #tpu.memory_space<vmem>>, %arg6: memref<128x128xf32, #tpu.memory_space<vmem>>, %arg7: memref<128x128xf32, #tpu.memory_space<vmem>>, %arg8: memref<1x128xf32, #tpu.memory_space<vmem>>, %arg9: memref<1024x128xf32, #tpu.memory_space<vmem>>) attributes {dimension_semantics = [#tpu.dimension_semantics<arbitrary>], iteration_bounds = array<i64: 10>, scalar_prefetch = 0 : i64, scratch_operands = 0 : i64, tpu.core_type = #tpu.core_type<tc>, window_params = [{transform_indices = @transform_0, window_bounds = array<i64: 1024, 128>}, {transform_indices = @transform_1, window_bounds = array<i64: 1024, 128>}, {transform_indices = @transform_2, window_bounds = array<i64: 1024, 128>}, {transform_indices = @transform_3, window_bounds = array<i64: 1024, 16>}, {transform_indices = @transform_4, window_bounds = array<i64: 1024, 16>}, {pipeline_mode = #tpu.pipeline_mode<synchronous>, transform_indices = @transform_5, window_bounds = array<i64: 128, 128>}, {pipeline_mode = #tpu.pipeline_mode<synchronous>, transform_indices = @transform_6, window_bounds = array<i64: 128, 128>}, {pipeline_mode = #tpu.pipeline_mode<synchronous>, transform_indices = @transform_7, window_bounds = array<i64: 1, 128>}, {transform_indices = @transform_8, window_bounds = array<i64: 1024, 128>}]} {
    %get3A = arith.constant 0 : index
    %get3A_0 = arith.constant 0 : index
    %get3A_1 = vector.load %arg4[%get3A, %get3A_0] : memref<1024x16xf32, #tpu.memory_space<vmem>>, vector<1024x1xf32>
    %get3A_2 = arith.constant 0 : index
    %get3A_3 = arith.constant 0 : index
    %get3A_4 = vector.load %arg5[%get3A_2, %get3A_3] : memref<1024x16xf32, #tpu.memory_space<vmem>>, vector<1024x1xf32>
    %add3A = arith.addf %get3A_1, %get3A_4 : vector<1024x1xf32>
    %max3A = arith.constant 1.000000e+00 : f32
    %max3A_5 = vector.broadcast %max3A : f32 to vector<1024x1xf32>
    %max3A_6 = arith.maximumf %add3A, %max3A_5 : vector<1024x1xf32>
    %div3A = arith.constant 1.000000e+00 : f32
    %div3A_7 = vector.broadcast %div3A : f32 to vector<1024x1xf32>
    %div3A_8 = arith.divf %div3A_7, %max3A_6 : vector<1024x1xf32>
    %get3A_9 = arith.constant 0 : index
    %get3A_10 = arith.constant 0 : index
    %get3A_11 = vector.load %arg2[%get3A_9, %get3A_10] : memref<1024x128xf32, #tpu.memory_space<vmem>>, vector<1024x128xf32>
    %get3A_12 = arith.constant 0 : index
    %get3A_13 = arith.constant 0 : index
    %get3A_14 = vector.load %arg3[%get3A_12, %get3A_13] : memref<1024x128xf32, #tpu.memory_space<vmem>>, vector<1024x128xf32>
    %add3A_15 = arith.addf %get3A_11, %get3A_14 : vector<1024x128xf32>
    %mul3A = vector.broadcast %div3A_8 : vector<1024x1xf32> to vector<1024x128xf32>
    %mul3A_16 = arith.mulf %add3A_15, %mul3A : vector<1024x128xf32>
    %get3A_17 = arith.constant 0 : index
    %get3A_18 = arith.constant 0 : index
    %get3A_19 = vector.load %arg1[%get3A_17, %get3A_18] : memref<1024x128xf32, #tpu.memory_space<vmem>>, vector<1024x128xf32>
    %get3A_20 = arith.constant 0 : index
    %get3A_21 = arith.constant 0 : index
    %get3A_22 = vector.load %arg6[%get3A_20, %get3A_21] : memref<128x128xf32, #tpu.memory_space<vmem>>, vector<128x128xf32>
    %dot_general3A = arith.constant dense<0.000000e+00> : vector<1024x128xf32>
    %dot_general3A_23 = tpu.matmul %get3A_19, %get3A_22, %dot_general3A {dimension_numbers = #tpu.dot_dimension_numbers<[1], [0], [0], [1], [0, 0, 1, 1], [], []>, transpose_lhs_hint = false} : vector<1024x128xf32>, vector<128x128xf32>, vector<1024x128xf32> -> vector<1024x128xf32>
    %get3A_24 = arith.constant 0 : index
    %get3A_25 = arith.constant 0 : index
    %get3A_26 = vector.load %arg7[%get3A_24, %get3A_25] : memref<128x128xf32, #tpu.memory_space<vmem>>, vector<128x128xf32>
    %dot_general3A_27 = arith.constant dense<0.000000e+00> : vector<1024x128xf32>
    %dot_general3A_28 = tpu.matmul %mul3A_16, %get3A_26, %dot_general3A_27 {dimension_numbers = #tpu.dot_dimension_numbers<[1], [0], [0], [1], [0, 0, 1, 1], [], []>, transpose_lhs_hint = false} : vector<1024x128xf32>, vector<128x128xf32>, vector<1024x128xf32> -> vector<1024x128xf32>
    %add3A_29 = arith.addf %dot_general3A_23, %dot_general3A_28 : vector<1024x128xf32>
    %get3A_30 = arith.constant 0 : index
    %get3A_31 = arith.constant 0 : index
    %get3A_32 = vector.load %arg8[%get3A_30, %get3A_31] : memref<1x128xf32, #tpu.memory_space<vmem>>, vector<1x128xf32>
    %add3A_33 = vector.broadcast %get3A_32 : vector<1x128xf32> to vector<1024x128xf32>
    %add3A_34 = arith.addf %add3A_29, %add3A_33 : vector<1024x128xf32>
    %swap3A = arith.constant 0 : index
    %swap3A_35 = arith.constant 0 : index
    %swap3A_36 = vector.load %arg9[%swap3A, %swap3A_35] : memref<1024x128xf32, #tpu.memory_space<vmem>>, vector<1024x128xf32>
    tpu.vector_store %arg9[%swap3A, %swap3A_35], %add3A_34 {strides = array<i32>} : memref<1024x128xf32, #tpu.memory_space<vmem>>, vector<1024x128xf32>,
    return
  }
  func.func @transform_0(%arg0: i32) -> (i32, i32) {
    %c0_i32 = arith.constant 0 : i32
    %c0_i32_0 = arith.constant 0 : i32
    return %arg0, %c0_i32 : i32, i32
  }
  func.func @transform_1(%arg0: i32) -> (i32, i32) {
    %c0_i32 = arith.constant 0 : i32
    %c0_i32_0 = arith.constant 0 : i32
    return %arg0, %c0_i32 : i32, i32
  }
  func.func @transform_2(%arg0: i32) -> (i32, i32) {
    %c0_i32 = arith.constant 0 : i32
    %c0_i32_0 = arith.constant 0 : i32
    return %arg0, %c0_i32 : i32, i32
  }
  func.func @transform_3(%arg0: i32) -> (i32, i32) {
    %c0_i32 = arith.constant 0 : i32
    %c0_i32_0 = arith.constant 0 : i32
    return %arg0, %c0_i32 : i32, i32
  }
  func.func @transform_4(%arg0: i32) -> (i32, i32) {
    %c0_i32 = arith.constant 0 : i32
    %c0_i32_0 = arith.constant 0 : i32
    return %arg0, %c0_i32 : i32, i32
  }
  func.func @transform_5(%arg0: i32) -> (i32, i32) {
    %c0_i32 = arith.constant 0 : i32
    %c0_i32_0 = arith.constant 0 : i32
    %c0_i32_1 = arith.constant 0 : i32
    return %c0_i32, %c0_i32_0 : i32, i32
  }
  func.func @transform_6(%arg0: i32) -> (i32, i32) {
    %c0_i32 = arith.constant 0 : i32
    %c0_i32_0 = arith.constant 0 : i32
    %c0_i32_1 = arith.constant 0 : i32
    return %c0_i32, %c0_i32_0 : i32, i32
  }
  func.func @transform_7(%arg0: i32) -> (i32, i32) {
    %c0_i32 = arith.constant 0 : i32
    %c0_i32_0 = arith.constant 0 : i32
    %c0_i32_1 = arith.constant 0 : i32
    return %c0_i32, %c0_i32_0 : i32, i32
  }
  func.func @transform_8(%arg0: i32) -> (i32, i32) {
    %c0_i32 = arith.constant 0 : i32
    %c0_i32_0 = arith.constant 0 : i32
    return %arg0, %c0_i32 : i32, i32
  }
}

module attributes {stable_mosaic.version = 14 : i64} {
  func.func @_tc_dot_body(%arg0: i32, %arg1: memref<2048x128xf32, #tpu.memory_space<vmem>>, %arg2: memref<2048x128xf32, #tpu.memory_space<vmem>>, %arg3: memref<2048x1xf32, #tpu.memory_space<vmem>>) attributes {dimension_semantics = [#tpu.dimension_semantics<arbitrary>], iteration_bounds = array<i64: 10>, scalar_prefetch = 0 : i64, scratch_operands = 0 : i64, tpu.core_type = #tpu.core_type<tc>, window_params = [{transform_indices = @transform_0, window_bounds = array<i64: 2048, 128>}, {transform_indices = @transform_1, window_bounds = array<i64: 2048, 128>}, {transform_indices = @transform_2, window_bounds = array<i64: 2048, 1>}]} {
    %get3A = arith.constant 0 : index
    %get3A_0 = arith.constant 0 : index
    %get3A_1 = vector.load %arg1[%get3A, %get3A_0] : memref<2048x128xf32, #tpu.memory_space<vmem>>, vector<2048x128xf32>
    %get3A_2 = arith.constant 0 : index
    %get3A_3 = arith.constant 0 : index
    %get3A_4 = vector.load %arg2[%get3A_2, %get3A_3] : memref<2048x128xf32, #tpu.memory_space<vmem>>, vector<2048x128xf32>
    %mul3A = arith.mulf %get3A_1, %get3A_4 : vector<2048x128xf32>
    %reduce_sum3A = arith.constant dense<0.000000e+00> : vector<2048xf32>
    %reduce_sum3A_5 = vector.multi_reduction <add>, %mul3A, %reduce_sum3A [1] : vector<2048x128xf32> to vector<2048xf32>
    %broadcast_in_dim3A = vector.shape_cast %reduce_sum3A_5 : vector<2048xf32> to vector<2048x1xf32>
    %swap3A = arith.constant 0 : index
    %swap3A_6 = arith.constant 0 : index
    %swap3A_7 = vector.load %arg3[%swap3A, %swap3A_6] : memref<2048x1xf32, #tpu.memory_space<vmem>>, vector<2048x1xf32>
    tpu.vector_store %arg3[%swap3A, %swap3A_6], %broadcast_in_dim3A {strides = array<i32>} : memref<2048x1xf32, #tpu.memory_space<vmem>>, vector<2048x1xf32>,
    return
  }
  func.func @transform_0(%arg0: i32) -> (i32, i32) {
    %c0_i32 = arith.constant 0 : i32
    %c0_i32_0 = arith.constant 0 : i32
    return %arg0, %c0_i32 : i32, i32
  }
  func.func @transform_1(%arg0: i32) -> (i32, i32) {
    %c0_i32 = arith.constant 0 : i32
    %c0_i32_0 = arith.constant 0 : i32
    return %arg0, %c0_i32 : i32, i32
  }
  func.func @transform_2(%arg0: i32) -> (i32, i32) {
    %c0_i32 = arith.constant 0 : i32
    %c0_i32_0 = arith.constant 0 : i32
    return %arg0, %c0_i32 : i32, i32
  }
}

</mosaic_0001>

<sc_bundles>
// kernel: kernel.11.cloned.1.call-start
scs
__scs_entry_jumppad:
0x0: {  	(pc) =	sbr.rel $0x88, $3  }
0x1: {  	(tag) =	ssettag $0x0;
	lr =	simm.s32 $0x1  }
0x2: {  	[smem:$0x3F94] =	sst lr;
	_ =	strace $0xD0000000  }
0x3: {  	_ = 	snop  }
0x4: {  	_ = 	snop  }
0x5: {  	_ = 	snop  }
0x6: {  	_ = 	snop  }
0x7: {  	_ = 	snop  }
__scs_overlays_trampoline_lowered:
0x8: {  	[smem:$0x3FA3] =	sst s0  }
0x9: {  	[smem:$0x3FA4] =	sst s1  }
0xa: {  	[smem:$0x3FA5] =	sst s2  }
0xb: {  	[smem:$0x3FA6] =	sst s3  }
0xc: {  	[smem:$0x3FA7] =	sst s4  }
0xd: {  	[smem:$0x3FA8] =	sst s5  }
0xe: {  	[smem:$0x3FA9] =	sst s6  }
0xf: {  	[smem:$0x3FAA] =	sst s7  }
0x10: {  	[smem:$0x3FAB] =	sst s8  }
0x11: {  	[smem:$0x3FAC] =	sst s9;
	s0 =	simm.s32 @!p0 $0x0  }
0x12: {  	s1 =	sld [smem:$0x3F92];
	s0 =	simm.s32 @p0 $0x1  }
0x13: {  	[smem:$0x3FAD] =	sst s0;
	s0 =	simm.s32 @!p1 $0x0  }
0x14: {  	s2 =	sld [smem:$0x3F91];
	s0 =	simm.s32 @p1 $0x1  }
0x15: {  	[smem:$0x3FAE] =	sst s0;
	s0 =	simm.s32 @!p2 $0x0  }
0x16: {  	s3 =	sld [smem:$0x3FDB];
	s0 =	simm.s32 @p2 $0x1  }
0x17: {  	s4 =	simm.s32 $0x1BF5;
	[smem:$0x3FB0] =	sst s0  }
0x18: {  	s0 =	sld [smem:$0x3F93];
	_ =	swait.ge [sflag:s4], $0x0  }
0x19: {  	s7 =	sld [smem:$0x3F94]  }
0x1a: {  	s8 =	sadd.s32 $0xFFFFE003, lr  }
0x1b: {  	s9 =	sadd.s32 $0xFFFFFEF7, lr;
	s5 =	simm.s32 $0xFFFFFFFF;
	p2 =	slt.u32 s8, $0xFFFFF086  }
0x1c: {  	p1 =	slt.u32 s9, $0xF7A;
	s5 =	simm.s32 @!p2 $0x0  }
0x1d: {  	s5 =	simm.s32 @p1 $0x1;
	p0 =	seq.s32 s7, s2  }
0x1e: {  	s7 =	smul.u32 @!p0 $0xF7A, s2;
	p2 =	seq.s32 @!p0 s5, $0x0  }
0x1f: {  	s9 =	smul.u32 $0xF7A, s1;
	s8 =	simm.s32 @!p0 $0x1BF5;
	p2 =	por !p2, p0  }
0x20: {  	[sflag:s8] =	ssyncset.s32 @!p0 $0xFFFFF086;
	s6 =	sadd.s32 @!p0 s3, s7;
	s7 =	simm.s32 @!p0 $0x108  }
0x21: {  	s3 =	sadd.s32 s3, s9;
	s6 =	sadd.s32 @!p0 $0x88, s6;
	s7 =	simm.s32 @p2 $0x1082  }
0x22: {  	[simem:s7], [sflag:s8] =	dma.local @!p0 [hbm:s6], $0xF7A  }
0x23: {  	s9 =	sor.u32 $0xD0000000, s2;
	s6 =	simm.s32 $0x108;
	_ =	swait.ge @!p0 [sflag:s8], $0x0  }
0x24: {  	s3 =	sadd.s32 $0x88, s3;
	s6 =	simm.s32 @!p1 $0x1082;
	[sflag:s4] =	ssyncset.s32 $0xFFFFF086  }
0x25: {  	[simem:s6], [sflag:s4] =	dma.local [hbm:s3], $0xF7A  }
0x26: {  	[smem:$0x3F94] =	sst s1;
	(tag) =	ssettag s2;
	_ =	strace s9  }
0x27: {  	s1 =	sld [smem:$0x3FA4]  }
0x28: {  	s2 =	sld [smem:$0x3FA5]  }
0x29: {  	s4 =	sld [smem:$0x3FA7]  }
0x2a: {  	p0 =	seq.s32 s5, $0x0;
	s5 =	sld [smem:$0x3FA8]  }
0x2b: {  	s6 =	sld [smem:$0x3FA9]  }
0x2c: {  	s7 =	sld [smem:$0x3FAA]  }
0x2d: {  	s3 =	simm.s32 $0x108;
	s8 =	sld [smem:$0x3FAB]  }
0x2e: {  	s3 =	simm.s32 @!p0 $0x1082;
	s9 =	sld [smem:$0x3FAC]  }
0x2f: {  	lr =	sadd.s32 s0, s3;
	s0 =	sld [smem:$0x3FA3]  }
0x30: {  	s3 =	sld [smem:$0x3FA6]  }
0x31: {  	[smem:$0x3FAF] =	sst s10  }
0x32: {  	s10 =	sld [smem:$0x3FAD];
	_ =	sdelay $0x3  }
0x33: {  	p0 =	seq.s32 s10, $0x1;
	s10 =	sld [smem:$0x3FAF];
	_ =	sdelay $0x3  }
0x34: {  	[smem:$0x3FAF] =	sst s10  }
0x35: {  	s10 =	sld [smem:$0x3FAE];
	_ =	sdelay $0x3  }
0x36: {  	p1 =	seq.s32 s10, $0x1;
	s10 =	sld [smem:$0x3FAF];
	_ =	sdelay $0x3  }
0x37: {  	[smem:$0x3FAF] =	sst s10  }
0x38: {  	s10 =	sld [smem:$0x3FB0]  }
0x39: {  	_ = 	snop;
	(pc) =	sbr.ind lr, $3  }
0x3a: {  	_ = 	snop  }
0x3b: {  	_ = 	snop  }
0x3c: {  	p2 =	seq.s32 s10, $0x1;
	s10 =	sld [smem:$0x3FAF]  }
0x3d: {  	_ =	shalt  }
0x3e: {  	_ =	shalt  }
0x3f: {  	_ =	shalt  }
0x40: {  	_ =	shalt  }
0x41: {  	_ =	shalt  }
0x42: {  	_ =	shalt  }
0x43: {  	_ =	shalt  }
0x44: {  	_ =	shalt  }
0x45: {  	_ =	shalt  }
0x46: {  	_ =	shalt  }
0x47: {  	_ =	shalt  }
0x48: {  	_ =	shalt  }
0x49: {  	_ =	shalt  }
0x4a: {  	_ =	shalt  }
0x4b: {  	_ =	shalt  }
0x4c: {  	_ =	shalt  }
0x4d: {  	_ =	shalt  }
0x4e: {  	_ =	shalt  }
0x4f: {  	_ =	shalt  }
0x50: {  	_ =	shalt  }
0x51: {  	_ =	shalt  }
0x52: {  	_ =	shalt  }
0x53: {  	_ =	shalt  }
0x54: {  	_ =	shalt  }
0x55: {  	_ =	shalt  }
0x56: {  	_ =	shalt  }
0x57: {  	_ =	shalt  }
0x58: {  	_ =	shalt  }
0x59: {  	_ =	shalt  }
0x5a: {  	_ =	shalt  }
0x5b: {  	_ =	shalt  }
0x5c: {  	_ =	shalt  }
0x5d: {  	_ =	shalt  }
0x5e: {  	_ =	shalt  }
0x5f: {  	_ =	shalt  }
0x60: {  	_ =	shalt  }
0x61: {  	_ =	shalt  }
0x62: {  	_ =	shalt  }
0x63: {  	_ =	shalt  }
0x64: {  	_ =	shalt  }
0x65: {  	_ =	shalt  }
0x66: {  	_ =	shalt  }
0x67: {  	_ =	shalt  }
0x68: {  	_ =	shalt  }
0x69: {  	_ =	shalt  }
0x6a: {  	_ =	shalt  }
0x6b: {  	_ =	shalt  }
0x6c: {  	_ =	shalt  }
0x6d: {  	_ =	shalt  }
0x6e: {  	_ =	shalt  }
0x6f: {  	_ =	shalt  }
0x70: {  	_ =	shalt  }
0x71: {  	_ =	shalt  }
0x72: {  	_ =	shalt  }
0x73: {  	_ =	shalt  }
0x74: {  	_ =	shalt  }
0x75: {  	_ =	shalt  }
0x76: {  	_ =	shalt  }
0x77: {  	_ =	shalt  }
0x78: {  	_ =	shalt  }
0x79: {  	_ =	shalt  }
0x7a: {  	_ =	shalt  }
0x7b: {  	_ =	shalt  }
0x7c: {  	_ =	shalt  }
0x7d: {  	_ =	shalt  }
0x7e: {  	_ =	shalt  }
0x7f: {  	_ =	shalt  }
0x80: {  	_ =	shalt  }
0x81: {  	_ =	shalt  }
0x82: {  	_ =	shalt  }
0x83: {  	_ =	shalt  }
0x84: {  	_ =	shalt  }
0x85: {  	_ =	shalt  }
0x86: {  	_ =	shalt  }
0x87: {  	_ =	shalt  }
.Lfunc_end0:
.L_simem_size_0:
called_computation_lowered:
.L_overlay_start_0:
0x88: {  	s2 =	sld [smem:$0x3FD9]  }
0x89: {  	s3 =	sld [smem:$0x3FFE];
	_ =	sdelay $0x1  }
0x8a: {  	s1 =	srdreg.scid  }
0x8b: {  	s0 =	sand.u32 $0x1, s1  }
0x8c: {  	s17 =	sshll.u32 s0, $0xA;
	s2 =	sadd.s32 s3, s2  }
0x8d: {  	s2 =	sadd.s32 s2, s17  }
0x8e: {  	[smem:$0x3FBB] =	sst s2  }
0x8f: {  	_ = 	snop  }
0x90: {  	(tm) =	ssettm $0x1  }
0x91: {  	s18 =	sld [smem:$0x3FFB];
	_ =	sdelay $0x3  }
0x92: {  	_ =	strace s18  }
0x93: {  	s2 =	sld [smem:$0x3FFC];
	_ =	sdelay $0x3  }
0x94: {  	_ =	strace s2  }
0x95: {  	s2 =	sld [smem:$0x3FFD];
	_ =	sdelay $0x3  }
0x96: {  	_ =	strace s2  }
0x97: {  	_ =	strace $0x8FFFFFFF  }
0x98: {  	s19 =	sld [smem:$0x3FDB];
	_ =	sdelay $0x1  }
0x99: {  	s20 =	simm.s32 $_scs_section_size  }
0x9a: {  	s4 =	simm.s32 $_size__tile_overlayer_lowered;
	s5 =	simm.s32 $_tile_overlayer_lowered  }
0x9b: {  	s6 =	simm.s32 $0x1BFF;
	s21 =	sshll.u32 s5, $0x1;
	s3 =	sadd.s32 s20, s19  }
0x9c: {  	s22 =	simm.s32 $0x0;
	s4 =	sshll.u32 s4, $0x1;
	s5 =	sadd.s32 s21, s3  }
0x9d: {  	[timem:s22], [sflag:s6] =	dma.local [hbm:s5], s4  }
0x9e: {  	_ =	swait.ge [sflag:s6], s4  }
0x9f: {  	s4 =	ssub.s32 $0x0, s4;
	[sflag:s6] =	ssyncset.done $0x0  }
0xa0: {  	[sflag:s6] =	ssyncadd.s32 s4;
	_ =	sdelay $0x1  }
0xa1: {  	s23 =	simm.s32 $0x1B8B  }
0xa2: {  	_ =	swait.ge [sflag:s23], $0x1  }
0xa3: {  	[sflag:s23] =	ssyncset.done $0x0  }
0xa4: {  	[sflag:s23] =	ssyncadd.s32 $0xFFFFFFFF  }
0xa5: {  	s4 =	sld [smem:$0x0]  }
0xa6: {  	s5 =	sand.u32 $0xFFFFFFFE, s1  }
0xa7: {  	p0 =	sne.s32 s1, s5  }
0xa8: {  	s5 =	sshll.u32 @p0 s5, $0xE  }
0xa9: {  	s5 =	sadd.s32 @p0 $0x11B8D, s5;
	s6 =	sshll.u32 @p0 s4, $0x11  }
0xaa: {  	s5 =	sor.u32 @p0 s6, s5  }
0xab: {  	[sflag:s5] =	ssyncadd.remote.s32 @p0 $0x1;
	_ =	sdelay $0x1  }
0xac: {  	s5 =	simm.s32 @p0 $0x1B8D  }
0xad: {  	_ =	swait.eq @p0 [sflag:s5], $0x1  }
0xae: {  	[sflag:s5] =	ssyncadd.s32 @p0 $0xFFFFFFFF  }
0xaf: {  	s6 =	sshll.u32 @!p0 s1, $0xE  }
0xb0: {  	s6 =	sor.u32 @!p0 $0x4000, s6;
	s5 =	simm.s32 @!p0 $0x1B8D  }
0xb1: {  	s4 =	sshll.u32 @!p0 s4, $0x11;
	s6 =	sadd.s32 @!p0 $0x11B8D, s6;
	_ =	swait.eq @!p0 [sflag:s5], $0x1  }
0xb2: {  	s4 =	sor.u32 @!p0 s4, s6;
	[sflag:s5] =	ssyncadd.s32 @!p0 $0xFFFFFFFF  }
0xb3: {  	s25 =	simm.s32 $0x1B8E;
	s24 =	sld [smem:$0x3FFE];
	[sflag:s4] =	ssyncadd.remote.s32 @!p0 $0x1  }
0xb4: {  	s26 =	simm.s32 $execute0_lowered;
	[smem:$0x3FD2] =	sst s25  }
0xb5: {  	s5 =	sshll.u32 s26, $0x1;
	_ =	strace $0x80000049;
	[dreg:$0x1] =	wrdreg $0xFFFFFFFF  }
0xb6: {  	s28 =	simm.s32 $_size_execute0_lowered;
	s3 =	sadd.s32 s3, s5;
	[dreg:$0x0] =	wrdreg $0x0  }
0xb7: {  	s5 =	sshll.u32 s28, $0x1;
	[dreg:$0x2] =	wrdreg s3  }
0xb8: {  	[dreg:$0x3] =	wrdreg s5  }
0xb9: {  	[dreg:$0x4] =	wrdreg $0xC0  }
0xba: {  	_ =	task [dreg:s22], $0x5FFFF  }
0xbb: {  	[dreg:$0x1] =	wrdreg $0xFFFFFFFF  }
0xbc: {  	[dreg:$0x0] =	wrdreg $0x60  }
0xbd: {  	[dreg:$0x2] =	wrdreg s24  }
0xbe: {  	[dreg:$0x3] =	wrdreg $0x4F800  }
0xbf: {  	[dreg:$0x4] =	wrdreg $0x9  }
0xc0: {  	_ =	task.clear_ibuf [dreg:s22], $0x5FFFF;
	_ =	strace $0x90000049  }
0xc1: {  	s29 =	simm.s32 $0x9;
	_ =	strace $0x8000004B  }
0xc2: {  	_ =	swait.ge [sflag:s29], $0x1  }
0xc3: {  	[sflag:s29] =	ssyncadd.s32 $0xFFFFFFFF  }
0xc4: {  	_ =	strace $0x9000004B  }
0xc5: {  	_ =	sfence  }
0xc6: {  	s30 =	sld [smem:$0x0];
	_ =	sdelay $0x2  }
0xc7: {  	s31 =	sshll.u32 s1, $0xD;
	s1 =	sshrl.u32 s1, $0x2  }
0xc8: {  	s4 =	sand.u32 $0x4000, s31;
	s1 =	sadd.s32 s1, s30  }
0xc9: {  	s0 =	sor.u32 s4, s0;
	s1 =	sshll.u32 s1, $0x11  }
0xca: {  	s0 =	sor.u32 s1, s0  }
0xcb: {  	s0 =	sadd.s32 $0x8F2B, s0  }
0xcc: {  	[sflag:s0] =	ssyncadd.remote.s32 $0x1  }
0xcd: {  	_ =	sfence.sel $0xFFFF  }
0xce: {  	[dreg:$0x0] =	wrdreg $0xFFFFFFFF;
	(pc) =	sbr.abs _section_cstart, $3  }
0xcf: {  	[dreg:$0x1] =	wrdreg $0xFFFFFFFF  }
0xd0: {  	_ =	task.clear_ibuf [dreg:s22], $0x2FFFF;
	_ =	strace $0x9FFFFFFF  }
0xd1: {  	(tm) =	ssettm $0x7FFFFFFF  }
tec
execute0_lowered:
.L_overlay_start_1:
0x0: {  	(tag) =	ssettag $0x1  }
0x1: {  	s1 =	srdreg.scid;
	s5 =	rddreg [dreg:$0x0]  }
0x2: {  	s0 =	stileid.u32;
	s2 =	rddreg [dreg:$0x1];
	s3 =	simm.s32 $0x0  }
0x3: {  	s14 =	simm.s32 $0x0;
	s6 =	sand.u32 $0x1, s1;
	s1 =	rddreg [dreg:$0x2]  }
0x4: {  	s28 =	sshll.u32 s0, $0x1;
	[smem:$0x7FF] =	sst s3;
	s7 =	smul.u32 $0x14000, s0  }
0x5: {  	s29 =	smul.u32 $0x50000, s0;
	s31 =	sshll.u32 s0, $0x6;
	s4 =	sor.u32 s6, s28  }
0x6: {  	_ =	strace $0x8000004A;
	s8 =	smul.u32 $0x140000, s6;
	s6 =	ssub.s32 $0x2, s6  }
0x7: {  	s4 =	smul.u32 $0x4E2, s4;
	s10 =	sshrl.u32 s7, $0x3;
	s11 =	sshrl.u32 s6, $0x1  }
0x8: {  	s30 =	sshrl.u32 s29, $0x2;
	s7 =	sadd.s32 s7, s8;
	s10 =	sadd.s32 s10, s5  }
0x9: {  	s11 =	ssub.s32 s6, s11;
	s13 =	sadd.s32 s30, s2;
	s6 =	sor.u32 $0x1C01, s31  }
0xa: {  	s9 =	sadd.s32 s4, s5;
	s4 =	sadd.s32 $0xB7800, s5;
	s7 =	sshrl.u32 s7, $0x3  }
0xb: {  	s12 =	sadd.s32 s7, s5;
	s5 =	sadd.s32 $0x3F800, s10;
	s7 =	sadd.s32 $0x3C00, s9  }
0xc: {  	s9 =	smax.u32 s11, $0x1;
	s10 =	sshrl.u32 s13, $0x3;
	s11 =	simm.s32 $0x1  }
0xd: {  	s13 =	simm.s32 $0x50;
	s8 =	sadd.s32 $0xB7E00, s12;
	s12 =	simm.s32 $0x2780  }
.LBB2_1:
0xe: {  	[spmem:s10], [sflag:s6] =	dma.local [hbm:s5], $0x2800  }
0xf: {  	_ =	swait.ge [sflag:s11], $0x2800  }
0x10: {  	[sflag:s11] =	ssyncset.done $0x0  }
0x11: {  	[sflag:s11] =	ssyncadd.s32 $0xFFFFD800  }
0x12: {  	[tilespmem:s12], [sflag:$0x1] =	stream.linear.gather [hbm4b:s4+s3], $0x2800, $0x38;
	[tilespmem:$0x18F80] =	vst v63  }
0x13: {  	_ =	swait.ge [sflag:s11], $0x2800  }
0x14: {  	[sflag:s11] =	ssyncset.done $0x0  }
0x15: {  	[sflag:s11] =	ssyncadd.s32 $0xFFFFD800  }
0x16: {  	[tilespmem:s3], [sflag:$0x1] =	stream.linear.gather [hbm4b:s7+s3], $0x2710, $0x38;
	[tilespmem:$0x18F80] =	vst v63  }
0x17: {  	_ =	swait.ge [sflag:s11], $0x2710  }
0x18: {  	[sflag:s11] =	ssyncset.done $0x0  }
0x19: {  	[sflag:s11] =	ssyncadd.s32 $0xFFFFD8F0  }
0x1a: {  	s15 =	simm.s32 $0x0;
	[bflag:$0x0] =	sbarrier.arrive $0xFFFF  }
0x1b: {  	[spmem:s2] =	stream.indirect.scatter.add.f32 [tilespmem:s12], [sflag:$0x1], $0x80, s15, s13, $0xb8;
	[tilespmem:$0x18F80] =	vst v63  }
0x1c: {  	_ =	swait.ge [sflag:s11], $0x2800  }
0x1d: {  	s15 =	simm.s32 $0x140;
	[sflag:s11] =	ssyncset.done $0x0  }
.LBB2_2:
0x1e: {  	s16 =	sshra.s32 s15, $0x2;
	[sflag:s11] =	ssyncadd.s32 $0xFFFFD800;
	p0 =	sne.s32 s15, $0x9B00  }
0x1f: {  	[spmem:s2] =	stream.indirect.scatter.add.f32 [tilespmem:s12], [sflag:$0x1], $0x80, s16, s13, $0xb8;
	[tilespmem:$0x18F80] =	vst v63  }
.Ltmp0:
0x20: {  	_ = 	snop;
	(pc) =	sbr.rel @p0 .LBB2_2-.Ltmp0, $4  }
0x21: {  	_ = 	snop  }
0x22: {  	s15 =	sadd.s32 $0x140, s15  }
0x23: {  	_ =	swait.ge [sflag:s11], $0x2800  }
0x24: {  	[sflag:s11] =	ssyncset.done $0x0  }
0x25: {  	s14 =	sadd.s32 $0x1, s14  }
0x26: {  	[sflag:s11] =	ssyncadd.s32 $0xFFFFD800;
	p0 =	sne.s32 s14, s9  }
.Ltmp1:
0x27: {  	[bflag:$0x0] =	sbarrier.arrive $0xFFFF;
	(pc) =	sbr.rel @p0 .LBB2_1-.Ltmp1, $4  }
0x28: {  	[hbm:s8], [sflag:s6] =	dma.local [spmem:s10], $0x2800  }
0x29: {  	_ =	swait.ge [sflag:s11], $0x2800  }
0x2a: {  	[sflag:s11] =	ssyncset.done $0x0  }
0x2b: {  	[sflag:s11] =	ssyncadd.s32 $0xFFFFD800  }
0x2c: {  	_ =	sfence.sel $0x180000  }
0x2d: {  	[bflag:$0x0] =	sbarrier.arrive $0xFFFF  }
0x2e: {  	p0 =	sne.s32 s0, $0x0;
	_ =	strace $0x9000004A  }
0x2f: {  	s0 =	sadd.s32 @!p0 $0x100000, s1;
	[bflag:$0x2] =	sbarrier.arrive $0xFFFF  }
0x30: {  	[sflag:s0] =	ssyncadd.tile.s32 @!p0 $0x1;
	_ =	shalt  }
.Lfunc_end2:
_tile_overlayer_lowered:
.L_overlay_start_2:
0x31: {  	(tag) =	ssettag $0x2  }
0x32: {  	s0 =	rddreg [dreg:$0x0];
	s2 =	stileid.u32  }
0x33: {  	s1 =	rddreg [dreg:$0x1];
	p0 =	sne.s32 s2, $0x0  }
0x34: {  	s3 =	rddreg [dreg:$0x2];
	[bflag:$0x3] =	sbarrier.arrive $0xFFFF;
	s2 =	simm.s32 @!p0 $0x1C01  }
0x35: {  	[timem:s3], [sflag:s2] =	dma.local @!p0 [hbm:s0], s1  }
0x36: {  	s0 =	simm.s32 @!p0 $0x1  }
0x37: {  	_ =	swait.ge @!p0 [sflag:s0], s1  }
0x38: {  	s1 =	ssub.s32 @!p0 $0x0, s1;
	[sflag:s0] =	ssyncset.done @!p0 $0x0  }
0x39: {  	[sflag:s0] =	ssyncadd.s32 @!p0 s1  }
0x3a: {  	[bflag:$0x3] =	sbarrier.arrive $0xFFFF  }
0x3b: {  	_ =	shalt  }

// kernel: kernel.14.cloned.1.call-start
scs
__scs_entry_jumppad:
0x0: {  	(pc) =	sbr.rel $0x88, $3  }
0x1: {  	(tag) =	ssettag $0x0;
	lr =	simm.s32 $0x1  }
0x2: {  	[smem:$0x3F94] =	sst lr;
	_ =	strace $0xD0000000  }
0x3: {  	_ = 	snop  }
0x4: {  	_ = 	snop  }
0x5: {  	_ = 	snop  }
0x6: {  	_ = 	snop  }
0x7: {  	_ = 	snop  }
__scs_overlays_trampoline_lowered:
0x8: {  	[smem:$0x3FA3] =	sst s0  }
0x9: {  	[smem:$0x3FA4] =	sst s1  }
0xa: {  	[smem:$0x3FA5] =	sst s2  }
0xb: {  	[smem:$0x3FA6] =	sst s3  }
0xc: {  	[smem:$0x3FA7] =	sst s4  }
0xd: {  	[smem:$0x3FA8] =	sst s5  }
0xe: {  	[smem:$0x3FA9] =	sst s6  }
0xf: {  	[smem:$0x3FAA] =	sst s7  }
0x10: {  	[smem:$0x3FAB] =	sst s8  }
0x11: {  	[smem:$0x3FAC] =	sst s9;
	s0 =	simm.s32 @!p0 $0x0  }
0x12: {  	s1 =	sld [smem:$0x3F92];
	s0 =	simm.s32 @p0 $0x1  }
0x13: {  	[smem:$0x3FAD] =	sst s0;
	s0 =	simm.s32 @!p1 $0x0  }
0x14: {  	s2 =	sld [smem:$0x3F91];
	s0 =	simm.s32 @p1 $0x1  }
0x15: {  	[smem:$0x3FAE] =	sst s0;
	s0 =	simm.s32 @!p2 $0x0  }
0x16: {  	s3 =	sld [smem:$0x3FDB];
	s0 =	simm.s32 @p2 $0x1  }
0x17: {  	s4 =	simm.s32 $0x1BF5;
	[smem:$0x3FB0] =	sst s0  }
0x18: {  	s0 =	sld [smem:$0x3F93];
	_ =	swait.ge [sflag:s4], $0x0  }
0x19: {  	s7 =	sld [smem:$0x3F94]  }
0x1a: {  	s8 =	sadd.s32 $0xFFFFE003, lr  }
0x1b: {  	s9 =	sadd.s32 $0xFFFFFEF7, lr;
	s5 =	simm.s32 $0xFFFFFFFF;
	p2 =	slt.u32 s8, $0xFFFFF086  }
0x1c: {  	p1 =	slt.u32 s9, $0xF7A;
	s5 =	simm.s32 @!p2 $0x0  }
0x1d: {  	s5 =	simm.s32 @p1 $0x1;
	p0 =	seq.s32 s7, s2  }
0x1e: {  	s7 =	smul.u32 @!p0 $0xF7A, s2;
	p2 =	seq.s32 @!p0 s5, $0x0  }
0x1f: {  	s9 =	smul.u32 $0xF7A, s1;
	s8 =	simm.s32 @!p0 $0x1BF5;
	p2 =	por !p2, p0  }
0x20: {  	[sflag:s8] =	ssyncset.s32 @!p0 $0xFFFFF086;
	s6 =	sadd.s32 @!p0 s3, s7;
	s7 =	simm.s32 @!p0 $0x108  }
0x21: {  	s3 =	sadd.s32 s3, s9;
	s6 =	sadd.s32 @!p0 $0x88, s6;
	s7 =	simm.s32 @p2 $0x1082  }
0x22: {  	[simem:s7], [sflag:s8] =	dma.local @!p0 [hbm:s6], $0xF7A  }
0x23: {  	s9 =	sor.u32 $0xD0000000, s2;
	s6 =	simm.s32 $0x108;
	_ =	swait.ge @!p0 [sflag:s8], $0x0  }
0x24: {  	s3 =	sadd.s32 $0x88, s3;
	s6 =	simm.s32 @!p1 $0x1082;
	[sflag:s4] =	ssyncset.s32 $0xFFFFF086  }
0x25: {  	[simem:s6], [sflag:s4] =	dma.local [hbm:s3], $0xF7A  }
0x26: {  	[smem:$0x3F94] =	sst s1;
	(tag) =	ssettag s2;
	_ =	strace s9  }
0x27: {  	s1 =	sld [smem:$0x3FA4]  }
0x28: {  	s2 =	sld [smem:$0x3FA5]  }
0x29: {  	s4 =	sld [smem:$0x3FA7]  }
0x2a: {  	p0 =	seq.s32 s5, $0x0;
	s5 =	sld [smem:$0x3FA8]  }
0x2b: {  	s6 =	sld [smem:$0x3FA9]  }
0x2c: {  	s7 =	sld [smem:$0x3FAA]  }
0x2d: {  	s3 =	simm.s32 $0x108;
	s8 =	sld [smem:$0x3FAB]  }
0x2e: {  	s3 =	simm.s32 @!p0 $0x1082;
	s9 =	sld [smem:$0x3FAC]  }
0x2f: {  	lr =	sadd.s32 s0, s3;
	s0 =	sld [smem:$0x3FA3]  }
0x30: {  	s3 =	sld [smem:$0x3FA6]  }
0x31: {  	[smem:$0x3FAF] =	sst s10  }
0x32: {  	s10 =	sld [smem:$0x3FAD];
	_ =	sdelay $0x3  }
0x33: {  	p0 =	seq.s32 s10, $0x1;
	s10 =	sld [smem:$0x3FAF];
	_ =	sdelay $0x3  }
0x34: {  	[smem:$0x3FAF] =	sst s10  }
0x35: {  	s10 =	sld [smem:$0x3FAE];
	_ =	sdelay $0x3  }
0x36: {  	p1 =	seq.s32 s10, $0x1;
	s10 =	sld [smem:$0x3FAF];
	_ =	sdelay $0x3  }
0x37: {  	[smem:$0x3FAF] =	sst s10  }
0x38: {  	s10 =	sld [smem:$0x3FB0]  }
0x39: {  	_ = 	snop;
	(pc) =	sbr.ind lr, $3  }
0x3a: {  	_ = 	snop  }
0x3b: {  	_ = 	snop  }
0x3c: {  	p2 =	seq.s32 s10, $0x1;
	s10 =	sld [smem:$0x3FAF]  }
0x3d: {  	_ =	shalt  }
0x3e: {  	_ =	shalt  }
0x3f: {  	_ =	shalt  }
0x40: {  	_ =	shalt  }
0x41: {  	_ =	shalt  }
0x42: {  	_ =	shalt  }
0x43: {  	_ =	shalt  }
0x44: {  	_ =	shalt  }
0x45: {  	_ =	shalt  }
0x46: {  	_ =	shalt  }
0x47: {  	_ =	shalt  }
0x48: {  	_ =	shalt  }
0x49: {  	_ =	shalt  }
0x4a: {  	_ =	shalt  }
0x4b: {  	_ =	shalt  }
0x4c: {  	_ =	shalt  }
0x4d: {  	_ =	shalt  }
0x4e: {  	_ =	shalt  }
0x4f: {  	_ =	shalt  }
0x50: {  	_ =	shalt  }
0x51: {  	_ =	shalt  }
0x52: {  	_ =	shalt  }
0x53: {  	_ =	shalt  }
0x54: {  	_ =	shalt  }
0x55: {  	_ =	shalt  }
0x56: {  	_ =	shalt  }
0x57: {  	_ =	shalt  }
0x58: {  	_ =	shalt  }
0x59: {  	_ =	shalt  }
0x5a: {  	_ =	shalt  }
0x5b: {  	_ =	shalt  }
0x5c: {  	_ =	shalt  }
0x5d: {  	_ =	shalt  }
0x5e: {  	_ =	shalt  }
0x5f: {  	_ =	shalt  }
0x60: {  	_ =	shalt  }
0x61: {  	_ =	shalt  }
0x62: {  	_ =	shalt  }
0x63: {  	_ =	shalt  }
0x64: {  	_ =	shalt  }
0x65: {  	_ =	shalt  }
0x66: {  	_ =	shalt  }
0x67: {  	_ =	shalt  }
0x68: {  	_ =	shalt  }
0x69: {  	_ =	shalt  }
0x6a: {  	_ =	shalt  }
0x6b: {  	_ =	shalt  }
0x6c: {  	_ =	shalt  }
0x6d: {  	_ =	shalt  }
0x6e: {  	_ =	shalt  }
0x6f: {  	_ =	shalt  }
0x70: {  	_ =	shalt  }
0x71: {  	_ =	shalt  }
0x72: {  	_ =	shalt  }
0x73: {  	_ =	shalt  }
0x74: {  	_ =	shalt  }
0x75: {  	_ =	shalt  }
0x76: {  	_ =	shalt  }
0x77: {  	_ =	shalt  }
0x78: {  	_ =	shalt  }
0x79: {  	_ =	shalt  }
0x7a: {  	_ =	shalt  }
0x7b: {  	_ =	shalt  }
0x7c: {  	_ =	shalt  }
0x7d: {  	_ =	shalt  }
0x7e: {  	_ =	shalt  }
0x7f: {  	_ =	shalt  }
0x80: {  	_ =	shalt  }
0x81: {  	_ =	shalt  }
0x82: {  	_ =	shalt  }
0x83: {  	_ =	shalt  }
0x84: {  	_ =	shalt  }
0x85: {  	_ =	shalt  }
0x86: {  	_ =	shalt  }
0x87: {  	_ =	shalt  }
.Lfunc_end0:
.L_simem_size_0:
called_computation.1_lowered:
.L_overlay_start_0:
0x88: {  	s2 =	sld [smem:$0x3FD9]  }
0x89: {  	s3 =	sld [smem:$0x3FFE];
	_ =	sdelay $0x1  }
0x8a: {  	s1 =	srdreg.scid  }
0x8b: {  	s0 =	sand.u32 $0x1, s1  }
0x8c: {  	s16 =	sshll.u32 s0, $0xA;
	s2 =	sadd.s32 s3, s2  }
0x8d: {  	s2 =	sadd.s32 s2, s16  }
0x8e: {  	[smem:$0x3FBB] =	sst s2  }
0x8f: {  	_ = 	snop  }
0x90: {  	(tm) =	ssettm $0x1  }
0x91: {  	s17 =	sld [smem:$0x3FFB];
	_ =	sdelay $0x3  }
0x92: {  	_ =	strace s17  }
0x93: {  	s2 =	sld [smem:$0x3FFC];
	_ =	sdelay $0x3  }
0x94: {  	_ =	strace s2  }
0x95: {  	s2 =	sld [smem:$0x3FFD];
	_ =	sdelay $0x3  }
0x96: {  	_ =	strace s2  }
0x97: {  	_ =	strace $0x8FFFFFFF  }
0x98: {  	s18 =	sld [smem:$0x3FDB];
	_ =	sdelay $0x1  }
0x99: {  	s19 =	simm.s32 $_scs_section_size  }
0x9a: {  	s4 =	simm.s32 $_size__tile_overlayer_lowered;
	s5 =	simm.s32 $_tile_overlayer_lowered  }
0x9b: {  	s22 =	simm.s32 $0x1BFF;
	s21 =	sshll.u32 s5, $0x1;
	s2 =	sadd.s32 s19, s18  }
0x9c: {  	s6 =	simm.s32 $0x0;
	s20 =	sshll.u32 s4, $0x1;
	s4 =	sadd.s32 s21, s2  }
0x9d: {  	[timem:s6], [sflag:s22] =	dma.local [hbm:s4], s20  }
0x9e: {  	_ =	swait.ge [sflag:s22], s20  }
0x9f: {  	s3 =	ssub.s32 $0x0, s20;
	[sflag:s22] =	ssyncset.done $0x0  }
0xa0: {  	[sflag:s22] =	ssyncadd.s32 s3;
	_ =	sdelay $0x1  }
0xa1: {  	s23 =	simm.s32 $0x1B8B  }
0xa2: {  	_ =	swait.ge [sflag:s23], $0x1  }
0xa3: {  	[sflag:s23] =	ssyncset.done $0x0  }
0xa4: {  	s25 =	simm.s32 $0x1B8E;
	s24 =	sld [smem:$0x3FFE];
	[sflag:s23] =	ssyncadd.s32 $0xFFFFFFFF  }
0xa5: {  	s26 =	simm.s32 $execute0_lowered;
	[smem:$0x3FD2] =	sst s25  }
0xa6: {  	s4 =	sshll.u32 s26, $0x1;
	_ =	strace $0x80000046;
	[dreg:$0x1] =	wrdreg $0xFFFFFFFF  }
0xa7: {  	s28 =	simm.s32 $_size_execute0_lowered;
	s2 =	sadd.s32 s2, s4;
	[dreg:$0x0] =	wrdreg $0x0  }
0xa8: {  	s4 =	sshll.u32 s28, $0x1;
	[dreg:$0x2] =	wrdreg s2  }
0xa9: {  	[dreg:$0x3] =	wrdreg s4  }
0xaa: {  	[dreg:$0x4] =	wrdreg $0xC0  }
0xab: {  	_ =	task [dreg:s6], $0x5FFFF  }
0xac: {  	[dreg:$0x1] =	wrdreg $0xFFFFFFFF  }
0xad: {  	[dreg:$0x0] =	wrdreg $0x60  }
0xae: {  	[dreg:$0x2] =	wrdreg s24  }
0xaf: {  	[dreg:$0x3] =	wrdreg $0x9F000  }
0xb0: {  	[dreg:$0x4] =	wrdreg $0xA  }
0xb1: {  	_ =	task.clear_ibuf [dreg:s6], $0x5FFFF;
	_ =	strace $0x90000046  }
0xb2: {  	s29 =	simm.s32 $0xA;
	_ =	strace $0x80000048  }
0xb3: {  	_ =	swait.ge [sflag:s29], $0x1  }
0xb4: {  	[sflag:s29] =	ssyncadd.s32 $0xFFFFFFFF  }
0xb5: {  	_ =	strace $0x90000048  }
0xb6: {  	_ =	sfence  }
0xb7: {  	s30 =	sld [smem:$0x0];
	_ =	sdelay $0x2  }
0xb8: {  	s31 =	sshll.u32 s1, $0xD;
	s1 =	sshrl.u32 s1, $0x2  }
0xb9: {  	s3 =	sand.u32 $0x4000, s31;
	s1 =	sadd.s32 s1, s30  }
0xba: {  	s0 =	sor.u32 s3, s0;
	s1 =	sshll.u32 s1, $0x11  }
0xbb: {  	s0 =	sor.u32 s1, s0  }
0xbc: {  	s0 =	sadd.s32 $0x8F2B, s0  }
0xbd: {  	[sflag:s0] =	ssyncadd.remote.s32 $0x1  }
0xbe: {  	_ =	sfence.sel $0xFFFF  }
0xbf: {  	[dreg:$0x0] =	wrdreg $0xFFFFFFFF;
	(pc) =	sbr.abs _section_cstart, $3  }
0xc0: {  	[dreg:$0x1] =	wrdreg $0xFFFFFFFF  }
0xc1: {  	_ =	task.clear_ibuf [dreg:s6], $0x2FFFF;
	_ =	strace $0x9FFFFFFF  }
0xc2: {  	(tm) =	ssettm $0x7FFFFFFF  }
0xc3: {  	_ =	shalt  }
tec
execute0_lowered:
.L_overlay_start_1:
0x0: {  	(tag) =	ssettag $0x1  }
0x1: {  	s1 =	srdreg.scid;
	s6 =	rddreg [dreg:$0x0]  }
0x2: {  	s0 =	stileid.u32;
	s2 =	rddreg [dreg:$0x1]  }
0x3: {  	s3 =	simm.s32 $0x0;
	s14 =	simm.s32 $0x50;
	s15 =	simm.s32 $0x4F00  }
0x4: {  	s16 =	simm.s32 $0x7700;
	s17 =	simm.s32 $0x1;
	s18 =	simm.s32 $0x3  }
0x5: {  	s19 =	simm.s32 $0x2;
	s20 =	simm.s32 $0x4;
	s21 =	simm.s32 $0x4DA0  }
0x6: {  	s22 =	simm.s32 $0x4DF0;
	s23 =	simm.s32 $0x26C0;
	s24 =	simm.s32 $0x4E40  }
0x7: {  	s5 =	sand.u32 $0x1, s1;
	s25 =	sshll.u32 s0, $0x1;
	s8 =	smul.u32 $0x14000, s0  }
0x8: {  	[smem:$0x7FF] =	sst s3;
	s4 =	sadd.s32 $0x17800, s6;
	s28 =	smul.u32 $0x50000, s0  }
0x9: {  	s31 =	sshll.u32 s0, $0x6;
	s1 =	sor.u32 s5, s25;
	s9 =	smul.u32 $0x140000, s5  }
0xa: {  	s5 =	ssub.s32 $0x2, s5;
	s25 =	simm.s32 $0x0;
	s7 =	smul.u32 $0x4E2, s1  }
0xb: {  	s1 =	rddreg [dreg:$0x2];
	_ =	strace $0x80000047;
	s26 =	sshrl.u32 s8, $0x3  }
0xc: {  	s29 =	sshrl.u32 s5, $0x1;
	s30 =	sshrl.u32 s28, $0x2;
	s8 =	sadd.s32 s8, s9  }
0xd: {  	s12 =	ssub.s32 s5, s29;
	s13 =	sadd.s32 s30, s2;
	s8 =	sshrl.u32 s8, $0x3  }
0xe: {  	s10 =	sadd.s32 s7, s6;
	s7 =	sadd.s32 s26, s6;
	s11 =	sadd.s32 s8, s6  }
0xf: {  	s5 =	sadd.s32 $0x3F800, s7;
	s6 =	sor.u32 $0x1C05, s31;
	s7 =	sadd.s32 $0xDA00, s10  }
0x10: {  	s8 =	sadd.s32 $0x3C00, s10;
	s10 =	smax.u32 s12, $0x1;
	s12 =	simm.s32 $0x5  }
0x11: {  	s9 =	sadd.s32 $0x67800, s11;
	s11 =	sshrl.u32 s13, $0x3;
	s13 =	simm.s32 $0x2780  }
.LBB2_1:
0x12: {  	[spmem:s11], [sflag:s6] =	dma.local [hbm:s5], $0x2800  }
0x13: {  	_ =	swait.ge [sflag:s12], $0x2800  }
0x14: {  	[sflag:s12] =	ssyncset.done $0x0  }
0x15: {  	[sflag:s12] =	ssyncadd.s32 $0xFFFFD800  }
0x16: {  	[tilespmem:s3], [sflag:$0x5] =	stream.linear.gather [hbm4b:s7+s3], $0x2710, $0x38;
	[tilespmem:$0x1DF00] =	vst v63  }
0x17: {  	_ =	swait.ge [sflag:s12], $0x2710  }
0x18: {  	[sflag:s12] =	ssyncset.done $0x0  }
0x19: {  	[sflag:s12] =	ssyncadd.s32 $0xFFFFD8F0  }
0x1a: {  	[tilespmem:s13], [sflag:$0x5] =	stream.linear.gather [hbm4b:s8+s3], $0x2710, $0x38;
	[tilespmem:$0x1DF00] =	vst v63  }
0x1b: {  	_ =	swait.ge [sflag:s12], $0x2710  }
0x1c: {  	[sflag:s12] =	ssyncset.done $0x0  }
0x1d: {  	[sflag:s12] =	ssyncadd.s32 $0xFFFFD8F0  }
0x1e: {  	[bflag:$0x0] =	sbarrier.arrive $0xFFFF  }
0x1f: {  	[tilespmem:s15], [sflag:$0x1] =	stream.indirect.gather [hbm4b:s4+s14], $0x80, s3, s14, $0xb8;
	[tilespmem:$0x1DF00] =	vst v63  }
0x20: {  	_ = 	snop  }
0x21: {  	[tilespmem:s16], [sflag:$0x2] =	stream.indirect.gather [hbm4b:s4+s14], $0x80, s14, s14, $0xb8;
	[tilespmem:$0x1DF00] =	vst v63  }
0x22: {  	_ =	swait.ge [sflag:s17], $0x2800  }
0x23: {  	[sflag:s17] =	ssyncset.done $0x0  }
0x24: {  	s26 =	simm.s32 $0x2780;
	[sflag:s17] =	ssyncadd.s32 $0xFFFFD800  }
0x25: {  	[spmem:s2] =	stream.indirect.scatter.add.f32 [tilespmem:s15], [sflag:$0x3], $0x80, s26, s14, $0xb8;
	[tilespmem:$0x1DF00] =	vst v63  }
0x26: {  	_ =	swait.ge [sflag:s18], $0x2800  }
0x27: {  	[sflag:s18] =	ssyncset.done $0x0  }
0x28: {  	s30 =	simm.s32 $0xA0;
	[sflag:s18] =	ssyncadd.s32 $0xFFFFD800  }
0x29: {  	[tilespmem:s15], [sflag:$0x1] =	stream.indirect.gather [hbm4b:s4+s14], $0x80, s30, s14, $0xb8;
	[tilespmem:$0x1DF00] =	vst v63  }
0x2a: {  	_ =	swait.ge [sflag:s19], $0x2800  }
0x2b: {  	[sflag:s19] =	ssyncset.done $0x0  }
0x2c: {  	s31 =	simm.s32 $0x27D0;
	[sflag:s19] =	ssyncadd.s32 $0xFFFFD800  }
0x2d: {  	[spmem:s2] =	stream.indirect.scatter.add.f32 [tilespmem:s16], [sflag:$0x4], $0x80, s31, s14, $0xb8;
	[tilespmem:$0x1DF00] =	vst v63  }
0x2e: {  	_ =	swait.ge [sflag:s20], $0x2800  }
0x2f: {  	[sflag:s20] =	ssyncset.done $0x0  }
0x30: {  	s28 =	simm.s32 $0xF0;
	s26 =	simm.s32 $0x280;
	[sflag:s20] =	ssyncadd.s32 $0xFFFFD800  }
.LBB2_2:
0x31: {  	[tilespmem:s16], [sflag:$0x2] =	stream.indirect.gather [hbm4b:s4+s14], $0x80, s28, s14, $0xb8;
	[tilespmem:$0x1DF00] =	vst v63  }
0x32: {  	s28 =	smov.u32 s26  }
0x33: {  	p0 =	sne.s32 s26, $0x9600;
	s26 =	sadd.s32 $0x280, s26;
	_ =	swait.ge [sflag:s17], $0x2800  }
0x34: {  	s28 =	sshra.s32 s28, $0x2;
	[sflag:s17] =	ssyncset.done $0x0  }
0x35: {  	s29 =	sadd.s32 $0x2780, s28;
	[sflag:s17] =	ssyncadd.s32 $0xFFFFD800  }
0x36: {  	[spmem:s2] =	stream.indirect.scatter.add.f32 [tilespmem:s15], [sflag:$0x3], $0x80, s29, s14, $0xb8;
	[tilespmem:$0x1DF00] =	vst v63  }
0x37: {  	_ =	swait.ge [sflag:s18], $0x2800  }
0x38: {  	[sflag:s18] =	ssyncset.done $0x0  }
0x39: {  	s29 =	sadd.s32 $0xA0, s28;
	[sflag:s18] =	ssyncadd.s32 $0xFFFFD800  }
0x3a: {  	[tilespmem:s15], [sflag:$0x1] =	stream.indirect.gather [hbm4b:s4+s14], $0x80, s29, s14, $0xb8;
	[tilespmem:$0x1DF00] =	vst v63  }
0x3b: {  	_ =	swait.ge [sflag:s19], $0x2800  }
0x3c: {  	[sflag:s19] =	ssyncset.done $0x0  }
.Ltmp0:
0x3d: {  	s29 =	sadd.s32 $0x27D0, s28;
	[sflag:s19] =	ssyncadd.s32 $0xFFFFD800;
	(pc) =	sbr.rel @p0 .LBB2_2-.Ltmp0, $4  }
0x3e: {  	[spmem:s2] =	stream.indirect.scatter.add.f32 [tilespmem:s16], [sflag:$0x4], $0x80, s29, s14, $0xb8;
	[tilespmem:$0x1DF00] =	vst v63  }
0x3f: {  	_ =	swait.ge [sflag:s20], $0x2800  }
0x40: {  	[sflag:s20] =	ssyncset.done $0x0  }
0x41: {  	s28 =	sadd.s32 $0xF0, s28;
	[sflag:s20] =	ssyncadd.s32 $0xFFFFD800  }
0x42: {  	[tilespmem:s16], [sflag:$0x2] =	stream.indirect.gather [hbm4b:s4+s14], $0x80, s28, s14, $0xb8;
	[tilespmem:$0x1DF00] =	vst v63  }
0x43: {  	_ =	swait.ge [sflag:s17], $0x2800  }
0x44: {  	[sflag:s17] =	ssyncset.done $0x0  }
0x45: {  	[sflag:s17] =	ssyncadd.s32 $0xFFFFD800  }
0x46: {  	[spmem:s2] =	stream.indirect.scatter.add.f32 [tilespmem:s15], [sflag:$0x5], $0x80, s21, s14, $0xb8;
	[tilespmem:$0x1DF00] =	vst v63  }
0x47: {  	_ =	swait.ge [sflag:s12], $0x2800  }
0x48: {  	[sflag:s12] =	ssyncset.done $0x0  }
0x49: {  	[sflag:s12] =	ssyncadd.s32 $0xFFFFD800  }
0x4a: {  	_ =	swait.ge [sflag:s19], $0x2800  }
0x4b: {  	[sflag:s19] =	ssyncset.done $0x0  }
0x4c: {  	[sflag:s19] =	ssyncadd.s32 $0xFFFFD800  }
0x4d: {  	[spmem:s2] =	stream.indirect.scatter.add.f32 [tilespmem:s16], [sflag:$0x5], $0x80, s22, s14, $0xb8;
	[tilespmem:$0x1DF00] =	vst v63  }
0x4e: {  	_ =	swait.ge [sflag:s12], $0x2800  }
0x4f: {  	[sflag:s12] =	ssyncset.done $0x0  }
0x50: {  	[sflag:s12] =	ssyncadd.s32 $0xFFFFD800  }
0x51: {  	[tilespmem:s15], [sflag:$0x1] =	stream.indirect.gather [hbm4b:s4+s14], $0x80, s23, s14, $0xb8;
	[tilespmem:$0x1DF00] =	vst v63  }
0x52: {  	_ =	swait.ge [sflag:s17], $0x2800  }
0x53: {  	[sflag:s17] =	ssyncset.done $0x0  }
0x54: {  	[sflag:s17] =	ssyncadd.s32 $0xFFFFD800  }
0x55: {  	[spmem:s2] =	stream.indirect.scatter.add.f32 [tilespmem:s15], [sflag:$0x5], $0x80, s24, s14, $0xb8;
	[tilespmem:$0x1DF00] =	vst v63  }
0x56: {  	_ =	swait.ge [sflag:s12], $0x2800  }
0x57: {  	s25 =	sadd.s32 $0x1, s25;
	[sflag:s12] =	ssyncset.done $0x0  }
0x58: {  	p0 =	sne.s32 s25, s10;
	[sflag:s12] =	ssyncadd.s32 $0xFFFFD800  }
.Ltmp1:
0x59: {  	[bflag:$0x0] =	sbarrier.arrive $0xFFFF;
	(pc) =	sbr.rel @p0 .LBB2_1-.Ltmp1, $4  }
0x5a: {  	[hbm:s9], [sflag:s6] =	dma.local [spmem:s11], $0x2800  }
0x5b: {  	_ =	swait.ge [sflag:s12], $0x2800  }
0x5c: {  	[sflag:s12] =	ssyncset.done $0x0  }
0x5d: {  	[sflag:s12] =	ssyncadd.s32 $0xFFFFD800  }
0x5e: {  	_ =	sfence.sel $0x180000  }
0x5f: {  	[bflag:$0x0] =	sbarrier.arrive $0xFFFF  }
0x60: {  	p0 =	sne.s32 s0, $0x0;
	_ =	strace $0x90000047  }
0x61: {  	s0 =	sadd.s32 @!p0 $0x100000, s1;
	[bflag:$0x2] =	sbarrier.arrive $0xFFFF  }
0x62: {  	[sflag:s0] =	ssyncadd.tile.s32 @!p0 $0x1;
	_ =	shalt  }
.Lfunc_end2:
_tile_overlayer_lowered:
.L_overlay_start_2:
0x63: {  	(tag) =	ssettag $0x2  }
0x64: {  	s0 =	rddreg [dreg:$0x0];
	s2 =	stileid.u32  }
0x65: {  	s1 =	rddreg [dreg:$0x1];
	p0 =	sne.s32 s2, $0x0  }
0x66: {  	s3 =	rddreg [dreg:$0x2];
	[bflag:$0x3] =	sbarrier.arrive $0xFFFF;
	s2 =	simm.s32 @!p0 $0x1C05  }
0x67: {  	[timem:s3], [sflag:s2] =	dma.local @!p0 [hbm:s0], s1  }
0x68: {  	s0 =	simm.s32 @!p0 $0x5  }
0x69: {  	_ =	swait.ge @!p0 [sflag:s0], s1  }
0x6a: {  	s1 =	ssub.s32 @!p0 $0x0, s1;
	[sflag:s0] =	ssyncset.done @!p0 $0x0  }
0x6b: {  	[sflag:s0] =	ssyncadd.s32 @!p0 s1  }
0x6c: {  	[bflag:$0x3] =	sbarrier.arrive $0xFFFF  }
0x6d: {  	_ =	shalt  }

// kernel: kernel.17.cloned.1.call-start
scs
__scs_entry_jumppad:
0x0: {  	(pc) =	sbr.rel $0x88, $3  }
0x1: {  	(tag) =	ssettag $0x0;
	lr =	simm.s32 $0x1  }
0x2: {  	[smem:$0x3F94] =	sst lr;
	_ =	strace $0xD0000000  }
0x3: {  	_ = 	snop  }
0x4: {  	_ = 	snop  }
0x5: {  	_ = 	snop  }
0x6: {  	_ = 	snop  }
0x7: {  	_ = 	snop  }
__scs_overlays_trampoline_lowered:
0x8: {  	[smem:$0x3FA3] =	sst s0  }
0x9: {  	[smem:$0x3FA4] =	sst s1  }
0xa: {  	[smem:$0x3FA5] =	sst s2  }
0xb: {  	[smem:$0x3FA6] =	sst s3  }
0xc: {  	[smem:$0x3FA7] =	sst s4  }
0xd: {  	[smem:$0x3FA8] =	sst s5  }
0xe: {  	[smem:$0x3FA9] =	sst s6  }
0xf: {  	[smem:$0x3FAA] =	sst s7  }
0x10: {  	[smem:$0x3FAB] =	sst s8  }
0x11: {  	[smem:$0x3FAC] =	sst s9;
	s0 =	simm.s32 @!p0 $0x0  }
0x12: {  	s1 =	sld [smem:$0x3F92];
	s0 =	simm.s32 @p0 $0x1  }
0x13: {  	[smem:$0x3FAD] =	sst s0;
	s0 =	simm.s32 @!p1 $0x0  }
0x14: {  	s2 =	sld [smem:$0x3F91];
	s0 =	simm.s32 @p1 $0x1  }
0x15: {  	[smem:$0x3FAE] =	sst s0;
	s0 =	simm.s32 @!p2 $0x0  }
0x16: {  	s3 =	sld [smem:$0x3FDB];
	s0 =	simm.s32 @p2 $0x1  }
0x17: {  	s4 =	simm.s32 $0x1BF5;
	[smem:$0x3FB0] =	sst s0  }
0x18: {  	s0 =	sld [smem:$0x3F93];
	_ =	swait.ge [sflag:s4], $0x0  }
0x19: {  	s7 =	sld [smem:$0x3F94]  }
0x1a: {  	s8 =	sadd.s32 $0xFFFFE003, lr  }
0x1b: {  	s9 =	sadd.s32 $0xFFFFFEF7, lr;
	s5 =	simm.s32 $0xFFFFFFFF;
	p2 =	slt.u32 s8, $0xFFFFF086  }
0x1c: {  	p1 =	slt.u32 s9, $0xF7A;
	s5 =	simm.s32 @!p2 $0x0  }
0x1d: {  	s5 =	simm.s32 @p1 $0x1;
	p0 =	seq.s32 s7, s2  }
0x1e: {  	s7 =	smul.u32 @!p0 $0xF7A, s2;
	p2 =	seq.s32 @!p0 s5, $0x0  }
0x1f: {  	s9 =	smul.u32 $0xF7A, s1;
	s8 =	simm.s32 @!p0 $0x1BF5;
	p2 =	por !p2, p0  }
0x20: {  	[sflag:s8] =	ssyncset.s32 @!p0 $0xFFFFF086;
	s6 =	sadd.s32 @!p0 s3, s7;
	s7 =	simm.s32 @!p0 $0x108  }
0x21: {  	s3 =	sadd.s32 s3, s9;
	s6 =	sadd.s32 @!p0 $0x88, s6;
	s7 =	simm.s32 @p2 $0x1082  }
0x22: {  	[simem:s7], [sflag:s8] =	dma.local @!p0 [hbm:s6], $0xF7A  }
0x23: {  	s9 =	sor.u32 $0xD0000000, s2;
	s6 =	simm.s32 $0x108;
	_ =	swait.ge @!p0 [sflag:s8], $0x0  }
0x24: {  	s3 =	sadd.s32 $0x88, s3;
	s6 =	simm.s32 @!p1 $0x1082;
	[sflag:s4] =	ssyncset.s32 $0xFFFFF086  }
0x25: {  	[simem:s6], [sflag:s4] =	dma.local [hbm:s3], $0xF7A  }
0x26: {  	[smem:$0x3F94] =	sst s1;
	(tag) =	ssettag s2;
	_ =	strace s9  }
0x27: {  	s1 =	sld [smem:$0x3FA4]  }
0x28: {  	s2 =	sld [smem:$0x3FA5]  }
0x29: {  	s4 =	sld [smem:$0x3FA7]  }
0x2a: {  	p0 =	seq.s32 s5, $0x0;
	s5 =	sld [smem:$0x3FA8]  }
0x2b: {  	s6 =	sld [smem:$0x3FA9]  }
0x2c: {  	s7 =	sld [smem:$0x3FAA]  }
0x2d: {  	s3 =	simm.s32 $0x108;
	s8 =	sld [smem:$0x3FAB]  }
0x2e: {  	s3 =	simm.s32 @!p0 $0x1082;
	s9 =	sld [smem:$0x3FAC]  }
0x2f: {  	lr =	sadd.s32 s0, s3;
	s0 =	sld [smem:$0x3FA3]  }
0x30: {  	s3 =	sld [smem:$0x3FA6]  }
0x31: {  	[smem:$0x3FAF] =	sst s10  }
0x32: {  	s10 =	sld [smem:$0x3FAD];
	_ =	sdelay $0x3  }
0x33: {  	p0 =	seq.s32 s10, $0x1;
	s10 =	sld [smem:$0x3FAF];
	_ =	sdelay $0x3  }
0x34: {  	[smem:$0x3FAF] =	sst s10  }
0x35: {  	s10 =	sld [smem:$0x3FAE];
	_ =	sdelay $0x3  }
0x36: {  	p1 =	seq.s32 s10, $0x1;
	s10 =	sld [smem:$0x3FAF];
	_ =	sdelay $0x3  }
0x37: {  	[smem:$0x3FAF] =	sst s10  }
0x38: {  	s10 =	sld [smem:$0x3FB0]  }
0x39: {  	_ = 	snop;
	(pc) =	sbr.ind lr, $3  }
0x3a: {  	_ = 	snop  }
0x3b: {  	_ = 	snop  }
0x3c: {  	p2 =	seq.s32 s10, $0x1;
	s10 =	sld [smem:$0x3FAF]  }
0x3d: {  	_ =	shalt  }
0x3e: {  	_ =	shalt  }
0x3f: {  	_ =	shalt  }
0x40: {  	_ =	shalt  }
0x41: {  	_ =	shalt  }
0x42: {  	_ =	shalt  }
0x43: {  	_ =	shalt  }
0x44: {  	_ =	shalt  }
0x45: {  	_ =	shalt  }
0x46: {  	_ =	shalt  }
0x47: {  	_ =	shalt  }
0x48: {  	_ =	shalt  }
0x49: {  	_ =	shalt  }
0x4a: {  	_ =	shalt  }
0x4b: {  	_ =	shalt  }
0x4c: {  	_ =	shalt  }
0x4d: {  	_ =	shalt  }
0x4e: {  	_ =	shalt  }
0x4f: {  	_ =	shalt  }
0x50: {  	_ =	shalt  }
0x51: {  	_ =	shalt  }
0x52: {  	_ =	shalt  }
0x53: {  	_ =	shalt  }
0x54: {  	_ =	shalt  }
0x55: {  	_ =	shalt  }
0x56: {  	_ =	shalt  }
0x57: {  	_ =	shalt  }
0x58: {  	_ =	shalt  }
0x59: {  	_ =	shalt  }
0x5a: {  	_ =	shalt  }
0x5b: {  	_ =	shalt  }
0x5c: {  	_ =	shalt  }
0x5d: {  	_ =	shalt  }
0x5e: {  	_ =	shalt  }
0x5f: {  	_ =	shalt  }
0x60: {  	_ =	shalt  }
0x61: {  	_ =	shalt  }
0x62: {  	_ =	shalt  }
0x63: {  	_ =	shalt  }
0x64: {  	_ =	shalt  }
0x65: {  	_ =	shalt  }
0x66: {  	_ =	shalt  }
0x67: {  	_ =	shalt  }
0x68: {  	_ =	shalt  }
0x69: {  	_ =	shalt  }
0x6a: {  	_ =	shalt  }
0x6b: {  	_ =	shalt  }
0x6c: {  	_ =	shalt  }
0x6d: {  	_ =	shalt  }
0x6e: {  	_ =	shalt  }
0x6f: {  	_ =	shalt  }
0x70: {  	_ =	shalt  }
0x71: {  	_ =	shalt  }
0x72: {  	_ =	shalt  }
0x73: {  	_ =	shalt  }
0x74: {  	_ =	shalt  }
0x75: {  	_ =	shalt  }
0x76: {  	_ =	shalt  }
0x77: {  	_ =	shalt  }
0x78: {  	_ =	shalt  }
0x79: {  	_ =	shalt  }
0x7a: {  	_ =	shalt  }
0x7b: {  	_ =	shalt  }
0x7c: {  	_ =	shalt  }
0x7d: {  	_ =	shalt  }
0x7e: {  	_ =	shalt  }
0x7f: {  	_ =	shalt  }
0x80: {  	_ =	shalt  }
0x81: {  	_ =	shalt  }
0x82: {  	_ =	shalt  }
0x83: {  	_ =	shalt  }
0x84: {  	_ =	shalt  }
0x85: {  	_ =	shalt  }
0x86: {  	_ =	shalt  }
0x87: {  	_ =	shalt  }
.Lfunc_end0:
.L_simem_size_0:
called_computation.2_lowered:
.L_overlay_start_0:
0x88: {  	s2 =	sld [smem:$0x3FD9]  }
0x89: {  	s3 =	sld [smem:$0x3FFE];
	_ =	sdelay $0x1  }
0x8a: {  	s1 =	srdreg.scid  }
0x8b: {  	s0 =	sand.u32 $0x1, s1  }
0x8c: {  	s16 =	sshll.u32 s0, $0xA;
	s2 =	sadd.s32 s3, s2  }
0x8d: {  	s2 =	sadd.s32 s2, s16  }
0x8e: {  	[smem:$0x3FBB] =	sst s2  }
0x8f: {  	_ = 	snop  }
0x90: {  	(tm) =	ssettm $0x1  }
0x91: {  	s17 =	sld [smem:$0x3FFB];
	_ =	sdelay $0x3  }
0x92: {  	_ =	strace s17  }
0x93: {  	s2 =	sld [smem:$0x3FFC];
	_ =	sdelay $0x3  }
0x94: {  	_ =	strace s2  }
0x95: {  	s2 =	sld [smem:$0x3FFD];
	_ =	sdelay $0x3  }
0x96: {  	_ =	strace s2  }
0x97: {  	_ =	strace $0x8FFFFFFF  }
0x98: {  	s18 =	sld [smem:$0x3FDB];
	_ =	sdelay $0x1  }
0x99: {  	s19 =	simm.s32 $_scs_section_size  }
0x9a: {  	s4 =	simm.s32 $_size__tile_overlayer_lowered;
	s5 =	simm.s32 $_tile_overlayer_lowered  }
0x9b: {  	s22 =	simm.s32 $0x1BFF;
	s21 =	sshll.u32 s5, $0x1;
	s2 =	sadd.s32 s19, s18  }
0x9c: {  	s6 =	simm.s32 $0x0;
	s20 =	sshll.u32 s4, $0x1;
	s4 =	sadd.s32 s21, s2  }
0x9d: {  	[timem:s6], [sflag:s22] =	dma.local [hbm:s4], s20  }
0x9e: {  	_ =	swait.ge [sflag:s22], s20  }
0x9f: {  	s3 =	ssub.s32 $0x0, s20;
	[sflag:s22] =	ssyncset.done $0x0  }
0xa0: {  	[sflag:s22] =	ssyncadd.s32 s3;
	_ =	sdelay $0x1  }
0xa1: {  	s23 =	simm.s32 $0x1B8B  }
0xa2: {  	_ =	swait.ge [sflag:s23], $0x1  }
0xa3: {  	[sflag:s23] =	ssyncset.done $0x0  }
0xa4: {  	s25 =	simm.s32 $0x1B8E;
	s24 =	sld [smem:$0x3FFE];
	[sflag:s23] =	ssyncadd.s32 $0xFFFFFFFF  }
0xa5: {  	s26 =	simm.s32 $execute0_lowered;
	[smem:$0x3FD2] =	sst s25  }
0xa6: {  	s4 =	sshll.u32 s26, $0x1;
	_ =	strace $0x8000004C;
	[dreg:$0x1] =	wrdreg $0xFFFFFFFF  }
0xa7: {  	s28 =	simm.s32 $_size_execute0_lowered;
	s2 =	sadd.s32 s2, s4;
	[dreg:$0x0] =	wrdreg $0x0  }
0xa8: {  	s4 =	sshll.u32 s28, $0x1;
	[dreg:$0x2] =	wrdreg s2  }
0xa9: {  	[dreg:$0x3] =	wrdreg s4  }
0xaa: {  	[dreg:$0x4] =	wrdreg $0xC0  }
0xab: {  	_ =	task [dreg:s6], $0x5FFFF  }
0xac: {  	[dreg:$0x1] =	wrdreg $0xFFFFFFFF  }
0xad: {  	[dreg:$0x0] =	wrdreg $0x60  }
0xae: {  	[dreg:$0x2] =	wrdreg s24  }
0xaf: {  	[dreg:$0x3] =	wrdreg $0x9F000  }
0xb0: {  	[dreg:$0x4] =	wrdreg $0x9  }
0xb1: {  	_ =	task.clear_ibuf [dreg:s6], $0x5FFFF;
	_ =	strace $0x9000004C  }
0xb2: {  	s29 =	simm.s32 $0x9;
	_ =	strace $0x8000004E  }
0xb3: {  	_ =	swait.ge [sflag:s29], $0x1  }
0xb4: {  	[sflag:s29] =	ssyncadd.s32 $0xFFFFFFFF  }
0xb5: {  	_ =	strace $0x9000004E  }
0xb6: {  	_ =	sfence  }
0xb7: {  	s30 =	sld [smem:$0x0];
	_ =	sdelay $0x2  }
0xb8: {  	s31 =	sshll.u32 s1, $0xD;
	s1 =	sshrl.u32 s1, $0x2  }
0xb9: {  	s3 =	sand.u32 $0x4000, s31;
	s1 =	sadd.s32 s1, s30  }
0xba: {  	s0 =	sor.u32 s3, s0;
	s1 =	sshll.u32 s1, $0x11  }
0xbb: {  	s0 =	sor.u32 s1, s0  }
0xbc: {  	s0 =	sadd.s32 $0x8F2B, s0  }
0xbd: {  	[sflag:s0] =	ssyncadd.remote.s32 $0x1  }
0xbe: {  	_ =	sfence.sel $0xFFFF  }
0xbf: {  	[dreg:$0x0] =	wrdreg $0xFFFFFFFF;
	(pc) =	sbr.abs _section_cstart, $3  }
0xc0: {  	[dreg:$0x1] =	wrdreg $0xFFFFFFFF  }
0xc1: {  	_ =	task.clear_ibuf [dreg:s6], $0x2FFFF;
	_ =	strace $0x9FFFFFFF  }
0xc2: {  	(tm) =	ssettm $0x7FFFFFFF  }
0xc3: {  	_ =	shalt  }
tec
execute0_lowered:
.L_overlay_start_1:
0x0: {  	(tag) =	ssettag $0x1  }
0x1: {  	s1 =	srdreg.scid;
	s6 =	rddreg [dreg:$0x0]  }
0x2: {  	s0 =	stileid.u32;
	s2 =	rddreg [dreg:$0x1]  }
0x3: {  	s3 =	simm.s32 $0x0;
	s14 =	simm.s32 $0x50;
	s15 =	simm.s32 $0x4F00  }
0x4: {  	s16 =	simm.s32 $0x7700;
	s17 =	simm.s32 $0x1;
	s18 =	simm.s32 $0x3  }
0x5: {  	s19 =	simm.s32 $0x2;
	s20 =	simm.s32 $0x4;
	s21 =	simm.s32 $0x4DA0  }
0x6: {  	s22 =	simm.s32 $0x4DF0;
	s23 =	simm.s32 $0x26C0;
	s24 =	simm.s32 $0x4E40  }
0x7: {  	s5 =	sand.u32 $0x1, s1;
	s25 =	sshll.u32 s0, $0x1;
	s8 =	smul.u32 $0x14000, s0  }
0x8: {  	[smem:$0x7FF] =	sst s3;
	s4 =	sadd.s32 $0x17800, s6;
	s28 =	smul.u32 $0x50000, s0  }
0x9: {  	s31 =	sshll.u32 s0, $0x6;
	s1 =	sor.u32 s5, s25;
	s9 =	smul.u32 $0x140000, s5  }
0xa: {  	s5 =	ssub.s32 $0x2, s5;
	s25 =	simm.s32 $0x0;
	s7 =	smul.u32 $0x4E2, s1  }
0xb: {  	s1 =	rddreg [dreg:$0x2];
	_ =	strace $0x8000004D;
	s26 =	sshrl.u32 s8, $0x3  }
0xc: {  	s29 =	sshrl.u32 s5, $0x1;
	s30 =	sshrl.u32 s28, $0x2;
	s8 =	sadd.s32 s8, s9  }
0xd: {  	s12 =	ssub.s32 s5, s29;
	s13 =	sadd.s32 s30, s2;
	s8 =	sshrl.u32 s8, $0x3  }
0xe: {  	s10 =	sadd.s32 s7, s6;
	s7 =	sadd.s32 s26, s6;
	s11 =	sadd.s32 s8, s6  }
0xf: {  	s5 =	sadd.s32 $0x3F800, s7;
	s6 =	sor.u32 $0x1C05, s31;
	s7 =	sadd.s32 $0xDA00, s10  }
0x10: {  	s8 =	sadd.s32 $0x3C00, s10;
	s10 =	smax.u32 s12, $0x1;
	s12 =	simm.s32 $0x5  }
0x11: {  	s9 =	sadd.s32 $0xB7800, s11;
	s11 =	sshrl.u32 s13, $0x3;
	s13 =	simm.s32 $0x2780  }
.LBB2_1:
0x12: {  	[spmem:s11], [sflag:s6] =	dma.local [hbm:s5], $0x2800  }
0x13: {  	_ =	swait.ge [sflag:s12], $0x2800  }
0x14: {  	[sflag:s12] =	ssyncset.done $0x0  }
0x15: {  	[sflag:s12] =	ssyncadd.s32 $0xFFFFD800  }
0x16: {  	[tilespmem:s3], [sflag:$0x5] =	stream.linear.gather [hbm4b:s7+s3], $0x2710, $0x38;
	[tilespmem:$0x1DF00] =	vst v63  }
0x17: {  	_ =	swait.ge [sflag:s12], $0x2710  }
0x18: {  	[sflag:s12] =	ssyncset.done $0x0  }
0x19: {  	[sflag:s12] =	ssyncadd.s32 $0xFFFFD8F0  }
0x1a: {  	[tilespmem:s13], [sflag:$0x5] =	stream.linear.gather [hbm4b:s8+s3], $0x2710, $0x38;
	[tilespmem:$0x1DF00] =	vst v63  }
0x1b: {  	_ =	swait.ge [sflag:s12], $0x2710  }
0x1c: {  	[sflag:s12] =	ssyncset.done $0x0  }
0x1d: {  	[sflag:s12] =	ssyncadd.s32 $0xFFFFD8F0  }
0x1e: {  	[bflag:$0x0] =	sbarrier.arrive $0xFFFF  }
0x1f: {  	[tilespmem:s15], [sflag:$0x1] =	stream.indirect.gather [hbm4b:s4+s14], $0x80, s3, s14, $0xb8;
	[tilespmem:$0x1DF00] =	vst v63  }
0x20: {  	_ = 	snop  }
0x21: {  	[tilespmem:s16], [sflag:$0x2] =	stream.indirect.gather [hbm4b:s4+s14], $0x80, s14, s14, $0xb8;
	[tilespmem:$0x1DF00] =	vst v63  }
0x22: {  	_ =	swait.ge [sflag:s17], $0x2800  }
0x23: {  	[sflag:s17] =	ssyncset.done $0x0  }
0x24: {  	s26 =	simm.s32 $0x2780;
	[sflag:s17] =	ssyncadd.s32 $0xFFFFD800  }
0x25: {  	[spmem:s2] =	stream.indirect.scatter.add.f32 [tilespmem:s15], [sflag:$0x3], $0x80, s26, s14, $0xb8;
	[tilespmem:$0x1DF00] =	vst v63  }
0x26: {  	_ =	swait.ge [sflag:s18], $0x2800  }
0x27: {  	[sflag:s18] =	ssyncset.done $0x0  }
0x28: {  	s30 =	simm.s32 $0xA0;
	[sflag:s18] =	ssyncadd.s32 $0xFFFFD800  }
0x29: {  	[tilespmem:s15], [sflag:$0x1] =	stream.indirect.gather [hbm4b:s4+s14], $0x80, s30, s14, $0xb8;
	[tilespmem:$0x1DF00] =	vst v63  }
0x2a: {  	_ =	swait.ge [sflag:s19], $0x2800  }
0x2b: {  	[sflag:s19] =	ssyncset.done $0x0  }
0x2c: {  	s31 =	simm.s32 $0x27D0;
	[sflag:s19] =	ssyncadd.s32 $0xFFFFD800  }
0x2d: {  	[spmem:s2] =	stream.indirect.scatter.add.f32 [tilespmem:s16], [sflag:$0x4], $0x80, s31, s14, $0xb8;
	[tilespmem:$0x1DF00] =	vst v63  }
0x2e: {  	_ =	swait.ge [sflag:s20], $0x2800  }
0x2f: {  	[sflag:s20] =	ssyncset.done $0x0  }
0x30: {  	s28 =	simm.s32 $0xF0;
	s26 =	simm.s32 $0x280;
	[sflag:s20] =	ssyncadd.s32 $0xFFFFD800  }
.LBB2_2:
0x31: {  	[tilespmem:s16], [sflag:$0x2] =	stream.indirect.gather [hbm4b:s4+s14], $0x80, s28, s14, $0xb8;
	[tilespmem:$0x1DF00] =	vst v63  }
0x32: {  	s28 =	smov.u32 s26  }
0x33: {  	p0 =	sne.s32 s26, $0x9600;
	s26 =	sadd.s32 $0x280, s26;
	_ =	swait.ge [sflag:s17], $0x2800  }
0x34: {  	s28 =	sshra.s32 s28, $0x2;
	[sflag:s17] =	ssyncset.done $0x0  }
0x35: {  	s29 =	sadd.s32 $0x2780, s28;
	[sflag:s17] =	ssyncadd.s32 $0xFFFFD800  }
0x36: {  	[spmem:s2] =	stream.indirect.scatter.add.f32 [tilespmem:s15], [sflag:$0x3], $0x80, s29, s14, $0xb8;
	[tilespmem:$0x1DF00] =	vst v63  }
0x37: {  	_ =	swait.ge [sflag:s18], $0x2800  }
0x38: {  	[sflag:s18] =	ssyncset.done $0x0  }
0x39: {  	s29 =	sadd.s32 $0xA0, s28;
	[sflag:s18] =	ssyncadd.s32 $0xFFFFD800  }
0x3a: {  	[tilespmem:s15], [sflag:$0x1] =	stream.indirect.gather [hbm4b:s4+s14], $0x80, s29, s14, $0xb8;
	[tilespmem:$0x1DF00] =	vst v63  }
0x3b: {  	_ =	swait.ge [sflag:s19], $0x2800  }
0x3c: {  	[sflag:s19] =	ssyncset.done $0x0  }
.Ltmp0:
0x3d: {  	s29 =	sadd.s32 $0x27D0, s28;
	[sflag:s19] =	ssyncadd.s32 $0xFFFFD800;
	(pc) =	sbr.rel @p0 .LBB2_2-.Ltmp0, $4  }
0x3e: {  	[spmem:s2] =	stream.indirect.scatter.add.f32 [tilespmem:s16], [sflag:$0x4], $0x80, s29, s14, $0xb8;
	[tilespmem:$0x1DF00] =	vst v63  }
0x3f: {  	_ =	swait.ge [sflag:s20], $0x2800  }
0x40: {  	[sflag:s20] =	ssyncset.done $0x0  }
0x41: {  	s28 =	sadd.s32 $0xF0, s28;
	[sflag:s20] =	ssyncadd.s32 $0xFFFFD800  }
0x42: {  	[tilespmem:s16], [sflag:$0x2] =	stream.indirect.gather [hbm4b:s4+s14], $0x80, s28, s14, $0xb8;
	[tilespmem:$0x1DF00] =	vst v63  }
0x43: {  	_ =	swait.ge [sflag:s17], $0x2800  }
0x44: {  	[sflag:s17] =	ssyncset.done $0x0  }
0x45: {  	[sflag:s17] =	ssyncadd.s32 $0xFFFFD800  }
0x46: {  	[spmem:s2] =	stream.indirect.scatter.add.f32 [tilespmem:s15], [sflag:$0x5], $0x80, s21, s14, $0xb8;
	[tilespmem:$0x1DF00] =	vst v63  }
0x47: {  	_ =	swait.ge [sflag:s12], $0x2800  }
0x48: {  	[sflag:s12] =	ssyncset.done $0x0  }
0x49: {  	[sflag:s12] =	ssyncadd.s32 $0xFFFFD800  }
0x4a: {  	_ =	swait.ge [sflag:s19], $0x2800  }
0x4b: {  	[sflag:s19] =	ssyncset.done $0x0  }
0x4c: {  	[sflag:s19] =	ssyncadd.s32 $0xFFFFD800  }
0x4d: {  	[spmem:s2] =	stream.indirect.scatter.add.f32 [tilespmem:s16], [sflag:$0x5], $0x80, s22, s14, $0xb8;
	[tilespmem:$0x1DF00] =	vst v63  }
0x4e: {  	_ =	swait.ge [sflag:s12], $0x2800  }
0x4f: {  	[sflag:s12] =	ssyncset.done $0x0  }
0x50: {  	[sflag:s12] =	ssyncadd.s32 $0xFFFFD800  }
0x51: {  	[tilespmem:s15], [sflag:$0x1] =	stream.indirect.gather [hbm4b:s4+s14], $0x80, s23, s14, $0xb8;
	[tilespmem:$0x1DF00] =	vst v63  }
0x52: {  	_ =	swait.ge [sflag:s17], $0x2800  }
0x53: {  	[sflag:s17] =	ssyncset.done $0x0  }
0x54: {  	[sflag:s17] =	ssyncadd.s32 $0xFFFFD800  }
0x55: {  	[spmem:s2] =	stream.indirect.scatter.add.f32 [tilespmem:s15], [sflag:$0x5], $0x80, s24, s14, $0xb8;
	[tilespmem:$0x1DF00] =	vst v63  }
0x56: {  	_ =	swait.ge [sflag:s12], $0x2800  }
0x57: {  	s25 =	sadd.s32 $0x1, s25;
	[sflag:s12] =	ssyncset.done $0x0  }
0x58: {  	p0 =	sne.s32 s25, s10;
	[sflag:s12] =	ssyncadd.s32 $0xFFFFD800  }
.Ltmp1:
0x59: {  	[bflag:$0x0] =	sbarrier.arrive $0xFFFF;
	(pc) =	sbr.rel @p0 .LBB2_1-.Ltmp1, $4  }
0x5a: {  	[hbm:s9], [sflag:s6] =	dma.local [spmem:s11], $0x2800  }
0x5b: {  	_ =	swait.ge [sflag:s12], $0x2800  }
0x5c: {  	[sflag:s12] =	ssyncset.done $0x0  }
0x5d: {  	[sflag:s12] =	ssyncadd.s32 $0xFFFFD800  }
0x5e: {  	_ =	sfence.sel $0x180000  }
0x5f: {  	[bflag:$0x0] =	sbarrier.arrive $0xFFFF  }
0x60: {  	p0 =	sne.s32 s0, $0x0;
	_ =	strace $0x9000004D  }
0x61: {  	s0 =	sadd.s32 @!p0 $0x100000, s1;
	[bflag:$0x2] =	sbarrier.arrive $0xFFFF  }
0x62: {  	[sflag:s0] =	ssyncadd.tile.s32 @!p0 $0x1;
	_ =	shalt  }
.Lfunc_end2:
_tile_overlayer_lowered:
.L_overlay_start_2:
0x63: {  	(tag) =	ssettag $0x2  }
0x64: {  	s0 =	rddreg [dreg:$0x0];
	s2 =	stileid.u32  }
0x65: {  	s1 =	rddreg [dreg:$0x1];
	p0 =	sne.s32 s2, $0x0  }
0x66: {  	s3 =	rddreg [dreg:$0x2];
	[bflag:$0x3] =	sbarrier.arrive $0xFFFF;
	s2 =	simm.s32 @!p0 $0x1C05  }
0x67: {  	[timem:s3], [sflag:s2] =	dma.local @!p0 [hbm:s0], s1  }
0x68: {  	s0 =	simm.s32 @!p0 $0x5  }
0x69: {  	_ =	swait.ge @!p0 [sflag:s0], s1  }
0x6a: {  	s1 =	ssub.s32 @!p0 $0x0, s1;
	[sflag:s0] =	ssyncset.done @!p0 $0x0  }
0x6b: {  	[sflag:s0] =	ssyncadd.s32 @!p0 s1  }
0x6c: {  	[bflag:$0x3] =	sbarrier.arrive $0xFFFF  }
0x6d: {  	_ =	shalt  }

// kernel: kernel.20.cloned.1.call-start
scs
__scs_entry_jumppad:
0x0: {  	(pc) =	sbr.rel $0x88, $3  }
0x1: {  	(tag) =	ssettag $0x0;
	lr =	simm.s32 $0x1  }
0x2: {  	[smem:$0x3F94] =	sst lr;
	_ =	strace $0xD0000000  }
0x3: {  	_ = 	snop  }
0x4: {  	_ = 	snop  }
0x5: {  	_ = 	snop  }
0x6: {  	_ = 	snop  }
0x7: {  	_ = 	snop  }
__scs_overlays_trampoline_lowered:
0x8: {  	[smem:$0x3FA3] =	sst s0  }
0x9: {  	[smem:$0x3FA4] =	sst s1  }
0xa: {  	[smem:$0x3FA5] =	sst s2  }
0xb: {  	[smem:$0x3FA6] =	sst s3  }
0xc: {  	[smem:$0x3FA7] =	sst s4  }
0xd: {  	[smem:$0x3FA8] =	sst s5  }
0xe: {  	[smem:$0x3FA9] =	sst s6  }
0xf: {  	[smem:$0x3FAA] =	sst s7  }
0x10: {  	[smem:$0x3FAB] =	sst s8  }
0x11: {  	[smem:$0x3FAC] =	sst s9;
	s0 =	simm.s32 @!p0 $0x0  }
0x12: {  	s1 =	sld [smem:$0x3F92];
	s0 =	simm.s32 @p0 $0x1  }
0x13: {  	[smem:$0x3FAD] =	sst s0;
	s0 =	simm.s32 @!p1 $0x0  }
0x14: {  	s2 =	sld [smem:$0x3F91];
	s0 =	simm.s32 @p1 $0x1  }
0x15: {  	[smem:$0x3FAE] =	sst s0;
	s0 =	simm.s32 @!p2 $0x0  }
0x16: {  	s3 =	sld [smem:$0x3FDB];
	s0 =	simm.s32 @p2 $0x1  }
0x17: {  	s4 =	simm.s32 $0x1BF5;
	[smem:$0x3FB0] =	sst s0  }
0x18: {  	s0 =	sld [smem:$0x3F93];
	_ =	swait.ge [sflag:s4], $0x0  }
0x19: {  	s7 =	sld [smem:$0x3F94]  }
0x1a: {  	s8 =	sadd.s32 $0xFFFFE003, lr  }
0x1b: {  	s9 =	sadd.s32 $0xFFFFFEF7, lr;
	s5 =	simm.s32 $0xFFFFFFFF;
	p2 =	slt.u32 s8, $0xFFFFF086  }
0x1c: {  	p1 =	slt.u32 s9, $0xF7A;
	s5 =	simm.s32 @!p2 $0x0  }
0x1d: {  	s5 =	simm.s32 @p1 $0x1;
	p0 =	seq.s32 s7, s2  }
0x1e: {  	s7 =	smul.u32 @!p0 $0xF7A, s2;
	p2 =	seq.s32 @!p0 s5, $0x0  }
0x1f: {  	s9 =	smul.u32 $0xF7A, s1;
	s8 =	simm.s32 @!p0 $0x1BF5;
	p2 =	por !p2, p0  }
0x20: {  	[sflag:s8] =	ssyncset.s32 @!p0 $0xFFFFF086;
	s6 =	sadd.s32 @!p0 s3, s7;
	s7 =	simm.s32 @!p0 $0x108  }
0x21: {  	s3 =	sadd.s32 s3, s9;
	s6 =	sadd.s32 @!p0 $0x88, s6;
	s7 =	simm.s32 @p2 $0x1082  }
0x22: {  	[simem:s7], [sflag:s8] =	dma.local @!p0 [hbm:s6], $0xF7A  }
0x23: {  	s9 =	sor.u32 $0xD0000000, s2;
	s6 =	simm.s32 $0x108;
	_ =	swait.ge @!p0 [sflag:s8], $0x0  }
0x24: {  	s3 =	sadd.s32 $0x88, s3;
	s6 =	simm.s32 @!p1 $0x1082;
	[sflag:s4] =	ssyncset.s32 $0xFFFFF086  }
0x25: {  	[simem:s6], [sflag:s4] =	dma.local [hbm:s3], $0xF7A  }
0x26: {  	[smem:$0x3F94] =	sst s1;
	(tag) =	ssettag s2;
	_ =	strace s9  }
0x27: {  	s1 =	sld [smem:$0x3FA4]  }
0x28: {  	s2 =	sld [smem:$0x3FA5]  }
0x29: {  	s4 =	sld [smem:$0x3FA7]  }
0x2a: {  	p0 =	seq.s32 s5, $0x0;
	s5 =	sld [smem:$0x3FA8]  }
0x2b: {  	s6 =	sld [smem:$0x3FA9]  }
0x2c: {  	s7 =	sld [smem:$0x3FAA]  }
0x2d: {  	s3 =	simm.s32 $0x108;
	s8 =	sld [smem:$0x3FAB]  }
0x2e: {  	s3 =	simm.s32 @!p0 $0x1082;
	s9 =	sld [smem:$0x3FAC]  }
0x2f: {  	lr =	sadd.s32 s0, s3;
	s0 =	sld [smem:$0x3FA3]  }
0x30: {  	s3 =	sld [smem:$0x3FA6]  }
0x31: {  	[smem:$0x3FAF] =	sst s10  }
0x32: {  	s10 =	sld [smem:$0x3FAD];
	_ =	sdelay $0x3  }
0x33: {  	p0 =	seq.s32 s10, $0x1;
	s10 =	sld [smem:$0x3FAF];
	_ =	sdelay $0x3  }
0x34: {  	[smem:$0x3FAF] =	sst s10  }
0x35: {  	s10 =	sld [smem:$0x3FAE];
	_ =	sdelay $0x3  }
0x36: {  	p1 =	seq.s32 s10, $0x1;
	s10 =	sld [smem:$0x3FAF];
	_ =	sdelay $0x3  }
0x37: {  	[smem:$0x3FAF] =	sst s10  }
0x38: {  	s10 =	sld [smem:$0x3FB0]  }
0x39: {  	_ = 	snop;
	(pc) =	sbr.ind lr, $3  }
0x3a: {  	_ = 	snop  }
0x3b: {  	_ = 	snop  }
0x3c: {  	p2 =	seq.s32 s10, $0x1;
	s10 =	sld [smem:$0x3FAF]  }
0x3d: {  	_ =	shalt  }
0x3e: {  	_ =	shalt  }
0x3f: {  	_ =	shalt  }
0x40: {  	_ =	shalt  }
0x41: {  	_ =	shalt  }
0x42: {  	_ =	shalt  }
0x43: {  	_ =	shalt  }
0x44: {  	_ =	shalt  }
0x45: {  	_ =	shalt  }
0x46: {  	_ =	shalt  }
0x47: {  	_ =	shalt  }
0x48: {  	_ =	shalt  }
0x49: {  	_ =	shalt  }
0x4a: {  	_ =	shalt  }
0x4b: {  	_ =	shalt  }
0x4c: {  	_ =	shalt  }
0x4d: {  	_ =	shalt  }
0x4e: {  	_ =	shalt  }
0x4f: {  	_ =	shalt  }
0x50: {  	_ =	shalt  }
0x51: {  	_ =	shalt  }
0x52: {  	_ =	shalt  }
0x53: {  	_ =	shalt  }
0x54: {  	_ =	shalt  }
0x55: {  	_ =	shalt  }
0x56: {  	_ =	shalt  }
0x57: {  	_ =	shalt  }
0x58: {  	_ =	shalt  }
0x59: {  	_ =	shalt  }
0x5a: {  	_ =	shalt  }
0x5b: {  	_ =	shalt  }
0x5c: {  	_ =	shalt  }
0x5d: {  	_ =	shalt  }
0x5e: {  	_ =	shalt  }
0x5f: {  	_ =	shalt  }
0x60: {  	_ =	shalt  }
0x61: {  	_ =	shalt  }
0x62: {  	_ =	shalt  }
0x63: {  	_ =	shalt  }
0x64: {  	_ =	shalt  }
0x65: {  	_ =	shalt  }
0x66: {  	_ =	shalt  }
0x67: {  	_ =	shalt  }
0x68: {  	_ =	shalt  }
0x69: {  	_ =	shalt  }
0x6a: {  	_ =	shalt  }
0x6b: {  	_ =	shalt  }
0x6c: {  	_ =	shalt  }
0x6d: {  	_ =	shalt  }
0x6e: {  	_ =	shalt  }
0x6f: {  	_ =	shalt  }
0x70: {  	_ =	shalt  }
0x71: {  	_ =	shalt  }
0x72: {  	_ =	shalt  }
0x73: {  	_ =	shalt  }
0x74: {  	_ =	shalt  }
0x75: {  	_ =	shalt  }
0x76: {  	_ =	shalt  }
0x77: {  	_ =	shalt  }
0x78: {  	_ =	shalt  }
0x79: {  	_ =	shalt  }
0x7a: {  	_ =	shalt  }
0x7b: {  	_ =	shalt  }
0x7c: {  	_ =	shalt  }
0x7d: {  	_ =	shalt  }
0x7e: {  	_ =	shalt  }
0x7f: {  	_ =	shalt  }
0x80: {  	_ =	shalt  }
0x81: {  	_ =	shalt  }
0x82: {  	_ =	shalt  }
0x83: {  	_ =	shalt  }
0x84: {  	_ =	shalt  }
0x85: {  	_ =	shalt  }
0x86: {  	_ =	shalt  }
0x87: {  	_ =	shalt  }
.Lfunc_end0:
.L_simem_size_0:
called_computation.3_lowered:
.L_overlay_start_0:
0x88: {  	s2 =	sld [smem:$0x3FD9]  }
0x89: {  	s3 =	sld [smem:$0x3FFE];
	_ =	sdelay $0x1  }
0x8a: {  	s1 =	srdreg.scid  }
0x8b: {  	s0 =	sand.u32 $0x1, s1  }
0x8c: {  	s16 =	sshll.u32 s0, $0xA;
	s2 =	sadd.s32 s3, s2  }
0x8d: {  	s2 =	sadd.s32 s2, s16  }
0x8e: {  	[smem:$0x3FBB] =	sst s2  }
0x8f: {  	_ = 	snop  }
0x90: {  	(tm) =	ssettm $0x1  }
0x91: {  	s17 =	sld [smem:$0x3FFB];
	_ =	sdelay $0x3  }
0x92: {  	_ =	strace s17  }
0x93: {  	s2 =	sld [smem:$0x3FFC];
	_ =	sdelay $0x3  }
0x94: {  	_ =	strace s2  }
0x95: {  	s2 =	sld [smem:$0x3FFD];
	_ =	sdelay $0x3  }
0x96: {  	_ =	strace s2  }
0x97: {  	_ =	strace $0x8FFFFFFF  }
0x98: {  	s18 =	sld [smem:$0x3FDB];
	_ =	sdelay $0x1  }
0x99: {  	s19 =	simm.s32 $_scs_section_size  }
0x9a: {  	s4 =	simm.s32 $_size__tile_overlayer_lowered;
	s5 =	simm.s32 $_tile_overlayer_lowered  }
0x9b: {  	s22 =	simm.s32 $0x1BFF;
	s21 =	sshll.u32 s5, $0x1;
	s2 =	sadd.s32 s19, s18  }
0x9c: {  	s6 =	simm.s32 $0x0;
	s20 =	sshll.u32 s4, $0x1;
	s4 =	sadd.s32 s21, s2  }
0x9d: {  	[timem:s6], [sflag:s22] =	dma.local [hbm:s4], s20  }
0x9e: {  	_ =	swait.ge [sflag:s22], s20  }
0x9f: {  	s3 =	ssub.s32 $0x0, s20;
	[sflag:s22] =	ssyncset.done $0x0  }
0xa0: {  	[sflag:s22] =	ssyncadd.s32 s3;
	_ =	sdelay $0x1  }
0xa1: {  	s23 =	simm.s32 $0x1B8B  }
0xa2: {  	_ =	swait.ge [sflag:s23], $0x1  }
0xa3: {  	[sflag:s23] =	ssyncset.done $0x0  }
0xa4: {  	s25 =	simm.s32 $0x1B8E;
	s24 =	sld [smem:$0x3FFE];
	[sflag:s23] =	ssyncadd.s32 $0xFFFFFFFF  }
0xa5: {  	s26 =	simm.s32 $execute0_lowered;
	[smem:$0x3FD2] =	sst s25  }
0xa6: {  	s4 =	sshll.u32 s26, $0x1;
	_ =	strace $0x8000004F;
	[dreg:$0x1] =	wrdreg $0xFFFFFFFF  }
0xa7: {  	s28 =	simm.s32 $_size_execute0_lowered;
	s2 =	sadd.s32 s2, s4;
	[dreg:$0x0] =	wrdreg $0x0  }
0xa8: {  	s4 =	sshll.u32 s28, $0x1;
	[dreg:$0x2] =	wrdreg s2  }
0xa9: {  	[dreg:$0x3] =	wrdreg s4  }
0xaa: {  	[dreg:$0x4] =	wrdreg $0xC0  }
0xab: {  	_ =	task [dreg:s6], $0x5FFFF  }
0xac: {  	[dreg:$0x1] =	wrdreg $0xFFFFFFFF  }
0xad: {  	[dreg:$0x0] =	wrdreg $0x60  }
0xae: {  	[dreg:$0x2] =	wrdreg s24  }
0xaf: {  	[dreg:$0x3] =	wrdreg $0x9F000  }
0xb0: {  	[dreg:$0x4] =	wrdreg $0x9  }
0xb1: {  	_ =	task.clear_ibuf [dreg:s6], $0x5FFFF;
	_ =	strace $0x9000004F  }
0xb2: {  	s29 =	simm.s32 $0x9;
	_ =	strace $0x80000051  }
0xb3: {  	_ =	swait.ge [sflag:s29], $0x1  }
0xb4: {  	[sflag:s29] =	ssyncadd.s32 $0xFFFFFFFF  }
0xb5: {  	_ =	strace $0x90000051  }
0xb6: {  	_ =	sfence  }
0xb7: {  	s30 =	sld [smem:$0x0];
	_ =	sdelay $0x2  }
0xb8: {  	s31 =	sshll.u32 s1, $0xD;
	s1 =	sshrl.u32 s1, $0x2  }
0xb9: {  	s3 =	sand.u32 $0x4000, s31;
	s1 =	sadd.s32 s1, s30  }
0xba: {  	s0 =	sor.u32 s3, s0;
	s1 =	sshll.u32 s1, $0x11  }
0xbb: {  	s0 =	sor.u32 s1, s0  }
0xbc: {  	s0 =	sadd.s32 $0x8F2B, s0  }
0xbd: {  	[sflag:s0] =	ssyncadd.remote.s32 $0x1  }
0xbe: {  	_ =	sfence.sel $0xFFFF  }
0xbf: {  	[dreg:$0x0] =	wrdreg $0xFFFFFFFF;
	(pc) =	sbr.abs _section_cstart, $3  }
0xc0: {  	[dreg:$0x1] =	wrdreg $0xFFFFFFFF  }
0xc1: {  	_ =	task.clear_ibuf [dreg:s6], $0x2FFFF;
	_ =	strace $0x9FFFFFFF  }
0xc2: {  	(tm) =	ssettm $0x7FFFFFFF  }
0xc3: {  	_ =	shalt  }
tec
execute0_lowered:
.L_overlay_start_1:
0x0: {  	(tag) =	ssettag $0x1  }
0x1: {  	s1 =	srdreg.scid;
	s6 =	rddreg [dreg:$0x0]  }
0x2: {  	s0 =	stileid.u32;
	s2 =	rddreg [dreg:$0x1]  }
0x3: {  	s3 =	simm.s32 $0x0;
	s14 =	simm.s32 $0x50;
	s15 =	simm.s32 $0x4F00  }
0x4: {  	s16 =	simm.s32 $0x7700;
	s17 =	simm.s32 $0x1;
	s18 =	simm.s32 $0x3  }
0x5: {  	s19 =	simm.s32 $0x2;
	s20 =	simm.s32 $0x4;
	s21 =	simm.s32 $0x4DA0  }
0x6: {  	s22 =	simm.s32 $0x4DF0;
	s23 =	simm.s32 $0x26C0;
	s24 =	simm.s32 $0x4E40  }
0x7: {  	s5 =	sand.u32 $0x1, s1;
	s25 =	sshll.u32 s0, $0x1;
	s8 =	smul.u32 $0x14000, s0  }
0x8: {  	[smem:$0x7FF] =	sst s3;
	s4 =	sadd.s32 $0x17800, s6;
	s28 =	smul.u32 $0x50000, s0  }
0x9: {  	s31 =	sshll.u32 s0, $0x6;
	s1 =	sor.u32 s5, s25;
	s9 =	smul.u32 $0x140000, s5  }
0xa: {  	s5 =	ssub.s32 $0x2, s5;
	s25 =	simm.s32 $0x0;
	s7 =	smul.u32 $0x4E2, s1  }
0xb: {  	s1 =	rddreg [dreg:$0x2];
	_ =	strace $0x80000050;
	s26 =	sshrl.u32 s8, $0x3  }
0xc: {  	s29 =	sshrl.u32 s5, $0x1;
	s30 =	sshrl.u32 s28, $0x2;
	s8 =	sadd.s32 s8, s9  }
0xd: {  	s12 =	ssub.s32 s5, s29;
	s13 =	sadd.s32 s30, s2;
	s8 =	sshrl.u32 s8, $0x3  }
0xe: {  	s10 =	sadd.s32 s7, s6;
	s7 =	sadd.s32 s26, s6;
	s11 =	sadd.s32 s8, s6  }
0xf: {  	s5 =	sadd.s32 $0x3F800, s7;
	s6 =	sor.u32 $0x1C05, s31;
	s7 =	sadd.s32 $0xDA00, s10  }
0x10: {  	s8 =	sadd.s32 $0x3C00, s10;
	s10 =	smax.u32 s12, $0x1;
	s12 =	simm.s32 $0x5  }
0x11: {  	s9 =	sadd.s32 $0xB7800, s11;
	s11 =	sshrl.u32 s13, $0x3;
	s13 =	simm.s32 $0x2780  }
.LBB2_1:
0x12: {  	[spmem:s11], [sflag:s6] =	dma.local [hbm:s5], $0x2800  }
0x13: {  	_ =	swait.ge [sflag:s12], $0x2800  }
0x14: {  	[sflag:s12] =	ssyncset.done $0x0  }
0x15: {  	[sflag:s12] =	ssyncadd.s32 $0xFFFFD800  }
0x16: {  	[tilespmem:s3], [sflag:$0x5] =	stream.linear.gather [hbm4b:s7+s3], $0x2710, $0x38;
	[tilespmem:$0x1DF00] =	vst v63  }
0x17: {  	_ =	swait.ge [sflag:s12], $0x2710  }
0x18: {  	[sflag:s12] =	ssyncset.done $0x0  }
0x19: {  	[sflag:s12] =	ssyncadd.s32 $0xFFFFD8F0  }
0x1a: {  	[tilespmem:s13], [sflag:$0x5] =	stream.linear.gather [hbm4b:s8+s3], $0x2710, $0x38;
	[tilespmem:$0x1DF00] =	vst v63  }
0x1b: {  	_ =	swait.ge [sflag:s12], $0x2710  }
0x1c: {  	[sflag:s12] =	ssyncset.done $0x0  }
0x1d: {  	[sflag:s12] =	ssyncadd.s32 $0xFFFFD8F0  }
0x1e: {  	[bflag:$0x0] =	sbarrier.arrive $0xFFFF  }
0x1f: {  	[tilespmem:s15], [sflag:$0x1] =	stream.indirect.gather [hbm4b:s4+s14], $0x80, s3, s14, $0xb8;
	[tilespmem:$0x1DF00] =	vst v63  }
0x20: {  	_ = 	snop  }
0x21: {  	[tilespmem:s16], [sflag:$0x2] =	stream.indirect.gather [hbm4b:s4+s14], $0x80, s14, s14, $0xb8;
	[tilespmem:$0x1DF00] =	vst v63  }
0x22: {  	_ =	swait.ge [sflag:s17], $0x2800  }
0x23: {  	[sflag:s17] =	ssyncset.done $0x0  }
0x24: {  	s26 =	simm.s32 $0x2780;
	[sflag:s17] =	ssyncadd.s32 $0xFFFFD800  }
0x25: {  	[spmem:s2] =	stream.indirect.scatter.add.f32 [tilespmem:s15], [sflag:$0x3], $0x80, s26, s14, $0xb8;
	[tilespmem:$0x1DF00] =	vst v63  }
0x26: {  	_ =	swait.ge [sflag:s18], $0x2800  }
0x27: {  	[sflag:s18] =	ssyncset.done $0x0  }
0x28: {  	s30 =	simm.s32 $0xA0;
	[sflag:s18] =	ssyncadd.s32 $0xFFFFD800  }
0x29: {  	[tilespmem:s15], [sflag:$0x1] =	stream.indirect.gather [hbm4b:s4+s14], $0x80, s30, s14, $0xb8;
	[tilespmem:$0x1DF00] =	vst v63  }
0x2a: {  	_ =	swait.ge [sflag:s19], $0x2800  }
0x2b: {  	[sflag:s19] =	ssyncset.done $0x0  }
0x2c: {  	s31 =	simm.s32 $0x27D0;
	[sflag:s19] =	ssyncadd.s32 $0xFFFFD800  }
0x2d: {  	[spmem:s2] =	stream.indirect.scatter.add.f32 [tilespmem:s16], [sflag:$0x4], $0x80, s31, s14, $0xb8;
	[tilespmem:$0x1DF00] =	vst v63  }
0x2e: {  	_ =	swait.ge [sflag:s20], $0x2800  }
0x2f: {  	[sflag:s20] =	ssyncset.done $0x0  }
0x30: {  	s28 =	simm.s32 $0xF0;
	s26 =	simm.s32 $0x280;
	[sflag:s20] =	ssyncadd.s32 $0xFFFFD800  }
.LBB2_2:
0x31: {  	[tilespmem:s16], [sflag:$0x2] =	stream.indirect.gather [hbm4b:s4+s14], $0x80, s28, s14, $0xb8;
	[tilespmem:$0x1DF00] =	vst v63  }
0x32: {  	s28 =	smov.u32 s26  }
0x33: {  	p0 =	sne.s32 s26, $0x9600;
	s26 =	sadd.s32 $0x280, s26;
	_ =	swait.ge [sflag:s17], $0x2800  }
0x34: {  	s28 =	sshra.s32 s28, $0x2;
	[sflag:s17] =	ssyncset.done $0x0  }
0x35: {  	s29 =	sadd.s32 $0x2780, s28;
	[sflag:s17] =	ssyncadd.s32 $0xFFFFD800  }
0x36: {  	[spmem:s2] =	stream.indirect.scatter.add.f32 [tilespmem:s15], [sflag:$0x3], $0x80, s29, s14, $0xb8;
	[tilespmem:$0x1DF00] =	vst v63  }
0x37: {  	_ =	swait.ge [sflag:s18], $0x2800  }
0x38: {  	[sflag:s18] =	ssyncset.done $0x0  }
0x39: {  	s29 =	sadd.s32 $0xA0, s28;
	[sflag:s18] =	ssyncadd.s32 $0xFFFFD800  }
0x3a: {  	[tilespmem:s15], [sflag:$0x1] =	stream.indirect.gather [hbm4b:s4+s14], $0x80, s29, s14, $0xb8;
	[tilespmem:$0x1DF00] =	vst v63  }
0x3b: {  	_ =	swait.ge [sflag:s19], $0x2800  }
0x3c: {  	[sflag:s19] =	ssyncset.done $0x0  }
.Ltmp0:
0x3d: {  	s29 =	sadd.s32 $0x27D0, s28;
	[sflag:s19] =	ssyncadd.s32 $0xFFFFD800;
	(pc) =	sbr.rel @p0 .LBB2_2-.Ltmp0, $4  }
0x3e: {  	[spmem:s2] =	stream.indirect.scatter.add.f32 [tilespmem:s16], [sflag:$0x4], $0x80, s29, s14, $0xb8;
	[tilespmem:$0x1DF00] =	vst v63  }
0x3f: {  	_ =	swait.ge [sflag:s20], $0x2800  }
0x40: {  	[sflag:s20] =	ssyncset.done $0x0  }
0x41: {  	s28 =	sadd.s32 $0xF0, s28;
	[sflag:s20] =	ssyncadd.s32 $0xFFFFD800  }
0x42: {  	[tilespmem:s16], [sflag:$0x2] =	stream.indirect.gather [hbm4b:s4+s14], $0x80, s28, s14, $0xb8;
	[tilespmem:$0x1DF00] =	vst v63  }
0x43: {  	_ =	swait.ge [sflag:s17], $0x2800  }
0x44: {  	[sflag:s17] =	ssyncset.done $0x0  }
0x45: {  	[sflag:s17] =	ssyncadd.s32 $0xFFFFD800  }
0x46: {  	[spmem:s2] =	stream.indirect.scatter.add.f32 [tilespmem:s15], [sflag:$0x5], $0x80, s21, s14, $0xb8;
	[tilespmem:$0x1DF00] =	vst v63  }
0x47: {  	_ =	swait.ge [sflag:s12], $0x2800  }
0x48: {  	[sflag:s12] =	ssyncset.done $0x0  }
0x49: {  	[sflag:s12] =	ssyncadd.s32 $0xFFFFD800  }
0x4a: {  	_ =	swait.ge [sflag:s19], $0x2800  }
0x4b: {  	[sflag:s19] =	ssyncset.done $0x0  }
0x4c: {  	[sflag:s19] =	ssyncadd.s32 $0xFFFFD800  }
0x4d: {  	[spmem:s2] =	stream.indirect.scatter.add.f32 [tilespmem:s16], [sflag:$0x5], $0x80, s22, s14, $0xb8;
	[tilespmem:$0x1DF00] =	vst v63  }
0x4e: {  	_ =	swait.ge [sflag:s12], $0x2800  }
0x4f: {  	[sflag:s12] =	ssyncset.done $0x0  }
0x50: {  	[sflag:s12] =	ssyncadd.s32 $0xFFFFD800  }
0x51: {  	[tilespmem:s15], [sflag:$0x1] =	stream.indirect.gather [hbm4b:s4+s14], $0x80, s23, s14, $0xb8;
	[tilespmem:$0x1DF00] =	vst v63  }
0x52: {  	_ =	swait.ge [sflag:s17], $0x2800  }
0x53: {  	[sflag:s17] =	ssyncset.done $0x0  }
0x54: {  	[sflag:s17] =	ssyncadd.s32 $0xFFFFD800  }
0x55: {  	[spmem:s2] =	stream.indirect.scatter.add.f32 [tilespmem:s15], [sflag:$0x5], $0x80, s24, s14, $0xb8;
	[tilespmem:$0x1DF00] =	vst v63  }
0x56: {  	_ =	swait.ge [sflag:s12], $0x2800  }
0x57: {  	s25 =	sadd.s32 $0x1, s25;
	[sflag:s12] =	ssyncset.done $0x0  }
0x58: {  	p0 =	sne.s32 s25, s10;
	[sflag:s12] =	ssyncadd.s32 $0xFFFFD800  }
.Ltmp1:
0x59: {  	[bflag:$0x0] =	sbarrier.arrive $0xFFFF;
	(pc) =	sbr.rel @p0 .LBB2_1-.Ltmp1, $4  }
0x5a: {  	[hbm:s9], [sflag:s6] =	dma.local [spmem:s11], $0x2800  }
0x5b: {  	_ =	swait.ge [sflag:s12], $0x2800  }
0x5c: {  	[sflag:s12] =	ssyncset.done $0x0  }
0x5d: {  	[sflag:s12] =	ssyncadd.s32 $0xFFFFD800  }
0x5e: {  	_ =	sfence.sel $0x180000  }
0x5f: {  	[bflag:$0x0] =	sbarrier.arrive $0xFFFF  }
0x60: {  	p0 =	sne.s32 s0, $0x0;
	_ =	strace $0x90000050  }
0x61: {  	s0 =	sadd.s32 @!p0 $0x100000, s1;
	[bflag:$0x2] =	sbarrier.arrive $0xFFFF  }
0x62: {  	[sflag:s0] =	ssyncadd.tile.s32 @!p0 $0x1;
	_ =	shalt  }
.Lfunc_end2:
_tile_overlayer_lowered:
.L_overlay_start_2:
0x63: {  	(tag) =	ssettag $0x2  }
0x64: {  	s0 =	rddreg [dreg:$0x0];
	s2 =	stileid.u32  }
0x65: {  	s1 =	rddreg [dreg:$0x1];
	p0 =	sne.s32 s2, $0x0  }
0x66: {  	s3 =	rddreg [dreg:$0x2];
	[bflag:$0x3] =	sbarrier.arrive $0xFFFF;
	s2 =	simm.s32 @!p0 $0x1C05  }
0x67: {  	[timem:s3], [sflag:s2] =	dma.local @!p0 [hbm:s0], s1  }
0x68: {  	s0 =	simm.s32 @!p0 $0x5  }
0x69: {  	_ =	swait.ge @!p0 [sflag:s0], s1  }
0x6a: {  	s1 =	ssub.s32 @!p0 $0x0, s1;
	[sflag:s0] =	ssyncset.done @!p0 $0x0  }
0x6b: {  	[sflag:s0] =	ssyncadd.s32 @!p0 s1  }
0x6c: {  	[bflag:$0x3] =	sbarrier.arrive $0xFFFF  }
0x6d: {  	_ =	shalt  }

// kernel: kernel.23.cloned.1.call-start
scs
__scs_entry_jumppad:
0x0: {  	(pc) =	sbr.rel $0x88, $3  }
0x1: {  	(tag) =	ssettag $0x0;
	lr =	simm.s32 $0x1  }
0x2: {  	[smem:$0x3F94] =	sst lr;
	_ =	strace $0xD0000000  }
0x3: {  	_ = 	snop  }
0x4: {  	_ = 	snop  }
0x5: {  	_ = 	snop  }
0x6: {  	_ = 	snop  }
0x7: {  	_ = 	snop  }
__scs_overlays_trampoline_lowered:
0x8: {  	[smem:$0x3FA3] =	sst s0  }
0x9: {  	[smem:$0x3FA4] =	sst s1  }
0xa: {  	[smem:$0x3FA5] =	sst s2  }
0xb: {  	[smem:$0x3FA6] =	sst s3  }
0xc: {  	[smem:$0x3FA7] =	sst s4  }
0xd: {  	[smem:$0x3FA8] =	sst s5  }
0xe: {  	[smem:$0x3FA9] =	sst s6  }
0xf: {  	[smem:$0x3FAA] =	sst s7  }
0x10: {  	[smem:$0x3FAB] =	sst s8  }
0x11: {  	[smem:$0x3FAC] =	sst s9;
	s0 =	simm.s32 @!p0 $0x0  }
0x12: {  	s1 =	sld [smem:$0x3F92];
	s0 =	simm.s32 @p0 $0x1  }
0x13: {  	[smem:$0x3FAD] =	sst s0;
	s0 =	simm.s32 @!p1 $0x0  }
0x14: {  	s2 =	sld [smem:$0x3F91];
	s0 =	simm.s32 @p1 $0x1  }
0x15: {  	[smem:$0x3FAE] =	sst s0;
	s0 =	simm.s32 @!p2 $0x0  }
0x16: {  	s3 =	sld [smem:$0x3FDB];
	s0 =	simm.s32 @p2 $0x1  }
0x17: {  	s4 =	simm.s32 $0x1BF5;
	[smem:$0x3FB0] =	sst s0  }
0x18: {  	s0 =	sld [smem:$0x3F93];
	_ =	swait.ge [sflag:s4], $0x0  }
0x19: {  	s7 =	sld [smem:$0x3F94]  }
0x1a: {  	s8 =	sadd.s32 $0xFFFFE003, lr  }
0x1b: {  	s9 =	sadd.s32 $0xFFFFFEF7, lr;
	s5 =	simm.s32 $0xFFFFFFFF;
	p2 =	slt.u32 s8, $0xFFFFF086  }
0x1c: {  	p1 =	slt.u32 s9, $0xF7A;
	s5 =	simm.s32 @!p2 $0x0  }
0x1d: {  	s5 =	simm.s32 @p1 $0x1;
	p0 =	seq.s32 s7, s2  }
0x1e: {  	s7 =	smul.u32 @!p0 $0xF7A, s2;
	p2 =	seq.s32 @!p0 s5, $0x0  }
0x1f: {  	s9 =	smul.u32 $0xF7A, s1;
	s8 =	simm.s32 @!p0 $0x1BF5;
	p2 =	por !p2, p0  }
0x20: {  	[sflag:s8] =	ssyncset.s32 @!p0 $0xFFFFF086;
	s6 =	sadd.s32 @!p0 s3, s7;
	s7 =	simm.s32 @!p0 $0x108  }
0x21: {  	s3 =	sadd.s32 s3, s9;
	s6 =	sadd.s32 @!p0 $0x88, s6;
	s7 =	simm.s32 @p2 $0x1082  }
0x22: {  	[simem:s7], [sflag:s8] =	dma.local @!p0 [hbm:s6], $0xF7A  }
0x23: {  	s9 =	sor.u32 $0xD0000000, s2;
	s6 =	simm.s32 $0x108;
	_ =	swait.ge @!p0 [sflag:s8], $0x0  }
0x24: {  	s3 =	sadd.s32 $0x88, s3;
	s6 =	simm.s32 @!p1 $0x1082;
	[sflag:s4] =	ssyncset.s32 $0xFFFFF086  }
0x25: {  	[simem:s6], [sflag:s4] =	dma.local [hbm:s3], $0xF7A  }
0x26: {  	[smem:$0x3F94] =	sst s1;
	(tag) =	ssettag s2;
	_ =	strace s9  }
0x27: {  	s1 =	sld [smem:$0x3FA4]  }
0x28: {  	s2 =	sld [smem:$0x3FA5]  }
0x29: {  	s4 =	sld [smem:$0x3FA7]  }
0x2a: {  	p0 =	seq.s32 s5, $0x0;
	s5 =	sld [smem:$0x3FA8]  }
0x2b: {  	s6 =	sld [smem:$0x3FA9]  }
0x2c: {  	s7 =	sld [smem:$0x3FAA]  }
0x2d: {  	s3 =	simm.s32 $0x108;
	s8 =	sld [smem:$0x3FAB]  }
0x2e: {  	s3 =	simm.s32 @!p0 $0x1082;
	s9 =	sld [smem:$0x3FAC]  }
0x2f: {  	lr =	sadd.s32 s0, s3;
	s0 =	sld [smem:$0x3FA3]  }
0x30: {  	s3 =	sld [smem:$0x3FA6]  }
0x31: {  	[smem:$0x3FAF] =	sst s10  }
0x32: {  	s10 =	sld [smem:$0x3FAD];
	_ =	sdelay $0x3  }
0x33: {  	p0 =	seq.s32 s10, $0x1;
	s10 =	sld [smem:$0x3FAF];
	_ =	sdelay $0x3  }
0x34: {  	[smem:$0x3FAF] =	sst s10  }
0x35: {  	s10 =	sld [smem:$0x3FAE];
	_ =	sdelay $0x3  }
0x36: {  	p1 =	seq.s32 s10, $0x1;
	s10 =	sld [smem:$0x3FAF];
	_ =	sdelay $0x3  }
0x37: {  	[smem:$0x3FAF] =	sst s10  }
0x38: {  	s10 =	sld [smem:$0x3FB0]  }
0x39: {  	_ = 	snop;
	(pc) =	sbr.ind lr, $3  }
0x3a: {  	_ = 	snop  }
0x3b: {  	_ = 	snop  }
0x3c: {  	p2 =	seq.s32 s10, $0x1;
	s10 =	sld [smem:$0x3FAF]  }
0x3d: {  	_ =	shalt  }
0x3e: {  	_ =	shalt  }
0x3f: {  	_ =	shalt  }
0x40: {  	_ =	shalt  }
0x41: {  	_ =	shalt  }
0x42: {  	_ =	shalt  }
0x43: {  	_ =	shalt  }
0x44: {  	_ =	shalt  }
0x45: {  	_ =	shalt  }
0x46: {  	_ =	shalt  }
0x47: {  	_ =	shalt  }
0x48: {  	_ =	shalt  }
0x49: {  	_ =	shalt  }
0x4a: {  	_ =	shalt  }
0x4b: {  	_ =	shalt  }
0x4c: {  	_ =	shalt  }
0x4d: {  	_ =	shalt  }
0x4e: {  	_ =	shalt  }
0x4f: {  	_ =	shalt  }
0x50: {  	_ =	shalt  }
0x51: {  	_ =	shalt  }
0x52: {  	_ =	shalt  }
0x53: {  	_ =	shalt  }
0x54: {  	_ =	shalt  }
0x55: {  	_ =	shalt  }
0x56: {  	_ =	shalt  }
0x57: {  	_ =	shalt  }
0x58: {  	_ =	shalt  }
0x59: {  	_ =	shalt  }
0x5a: {  	_ =	shalt  }
0x5b: {  	_ =	shalt  }
0x5c: {  	_ =	shalt  }
0x5d: {  	_ =	shalt  }
0x5e: {  	_ =	shalt  }
0x5f: {  	_ =	shalt  }
0x60: {  	_ =	shalt  }
0x61: {  	_ =	shalt  }
0x62: {  	_ =	shalt  }
0x63: {  	_ =	shalt  }
0x64: {  	_ =	shalt  }
0x65: {  	_ =	shalt  }
0x66: {  	_ =	shalt  }
0x67: {  	_ =	shalt  }
0x68: {  	_ =	shalt  }
0x69: {  	_ =	shalt  }
0x6a: {  	_ =	shalt  }
0x6b: {  	_ =	shalt  }
0x6c: {  	_ =	shalt  }
0x6d: {  	_ =	shalt  }
0x6e: {  	_ =	shalt  }
0x6f: {  	_ =	shalt  }
0x70: {  	_ =	shalt  }
0x71: {  	_ =	shalt  }
0x72: {  	_ =	shalt  }
0x73: {  	_ =	shalt  }
0x74: {  	_ =	shalt  }
0x75: {  	_ =	shalt  }
0x76: {  	_ =	shalt  }
0x77: {  	_ =	shalt  }
0x78: {  	_ =	shalt  }
0x79: {  	_ =	shalt  }
0x7a: {  	_ =	shalt  }
0x7b: {  	_ =	shalt  }
0x7c: {  	_ =	shalt  }
0x7d: {  	_ =	shalt  }
0x7e: {  	_ =	shalt  }
0x7f: {  	_ =	shalt  }
0x80: {  	_ =	shalt  }
0x81: {  	_ =	shalt  }
0x82: {  	_ =	shalt  }
0x83: {  	_ =	shalt  }
0x84: {  	_ =	shalt  }
0x85: {  	_ =	shalt  }
0x86: {  	_ =	shalt  }
0x87: {  	_ =	shalt  }
.Lfunc_end0:
.L_simem_size_0:
called_computation.4_lowered:
.L_overlay_start_0:
0x88: {  	s2 =	sld [smem:$0x3FD9]  }
0x89: {  	s3 =	sld [smem:$0x3FFE];
	_ =	sdelay $0x1  }
0x8a: {  	s1 =	srdreg.scid  }
0x8b: {  	s0 =	sand.u32 $0x1, s1  }
0x8c: {  	s16 =	sshll.u32 s0, $0xA;
	s2 =	sadd.s32 s3, s2  }
0x8d: {  	s2 =	sadd.s32 s2, s16  }
0x8e: {  	[smem:$0x3FBB] =	sst s2  }
0x8f: {  	_ = 	snop  }
0x90: {  	(tm) =	ssettm $0x1  }
0x91: {  	s17 =	sld [smem:$0x3FFB];
	_ =	sdelay $0x3  }
0x92: {  	_ =	strace s17  }
0x93: {  	s2 =	sld [smem:$0x3FFC];
	_ =	sdelay $0x3  }
0x94: {  	_ =	strace s2  }
0x95: {  	s2 =	sld [smem:$0x3FFD];
	_ =	sdelay $0x3  }
0x96: {  	_ =	strace s2  }
0x97: {  	_ =	strace $0x8FFFFFFF  }
0x98: {  	s18 =	sld [smem:$0x3FDB];
	_ =	sdelay $0x1  }
0x99: {  	s19 =	simm.s32 $_scs_section_size  }
0x9a: {  	s4 =	simm.s32 $_size__tile_overlayer_lowered;
	s5 =	simm.s32 $_tile_overlayer_lowered  }
0x9b: {  	s22 =	simm.s32 $0x1BFF;
	s21 =	sshll.u32 s5, $0x1;
	s2 =	sadd.s32 s19, s18  }
0x9c: {  	s6 =	simm.s32 $0x0;
	s20 =	sshll.u32 s4, $0x1;
	s4 =	sadd.s32 s21, s2  }
0x9d: {  	[timem:s6], [sflag:s22] =	dma.local [hbm:s4], s20  }
0x9e: {  	_ =	swait.ge [sflag:s22], s20  }
0x9f: {  	s3 =	ssub.s32 $0x0, s20;
	[sflag:s22] =	ssyncset.done $0x0  }
0xa0: {  	[sflag:s22] =	ssyncadd.s32 s3;
	_ =	sdelay $0x1  }
0xa1: {  	s23 =	simm.s32 $0x1B8B  }
0xa2: {  	_ =	swait.ge [sflag:s23], $0x1  }
0xa3: {  	[sflag:s23] =	ssyncset.done $0x0  }
0xa4: {  	s25 =	simm.s32 $0x1B8E;
	s24 =	sld [smem:$0x3FFE];
	[sflag:s23] =	ssyncadd.s32 $0xFFFFFFFF  }
0xa5: {  	s26 =	simm.s32 $execute0_lowered;
	[smem:$0x3FD2] =	sst s25  }
0xa6: {  	s4 =	sshll.u32 s26, $0x1;
	_ =	strace $0x80000052;
	[dreg:$0x1] =	wrdreg $0xFFFFFFFF  }
0xa7: {  	s28 =	simm.s32 $_size_execute0_lowered;
	s2 =	sadd.s32 s2, s4;
	[dreg:$0x0] =	wrdreg $0x0  }
0xa8: {  	s4 =	sshll.u32 s28, $0x1;
	[dreg:$0x2] =	wrdreg s2  }
0xa9: {  	[dreg:$0x3] =	wrdreg s4  }
0xaa: {  	[dreg:$0x4] =	wrdreg $0xC0  }
0xab: {  	_ =	task [dreg:s6], $0x5FFFF  }
0xac: {  	[dreg:$0x1] =	wrdreg $0xFFFFFFFF  }
0xad: {  	[dreg:$0x0] =	wrdreg $0x60  }
0xae: {  	[dreg:$0x2] =	wrdreg s24  }
0xaf: {  	[dreg:$0x3] =	wrdreg $0x9  }
0xb0: {  	_ =	task.clear_ibuf [dreg:s6], $0x4FFFF;
	_ =	strace $0x90000052  }
0xb1: {  	s29 =	simm.s32 $0x9;
	_ =	strace $0x80000054  }
0xb2: {  	_ =	swait.ge [sflag:s29], $0x1  }
0xb3: {  	[sflag:s29] =	ssyncadd.s32 $0xFFFFFFFF  }
0xb4: {  	_ =	strace $0x90000054  }
0xb5: {  	_ =	sfence  }
0xb6: {  	s30 =	sld [smem:$0x0];
	_ =	sdelay $0x2  }
0xb7: {  	s31 =	sshll.u32 s1, $0xD;
	s1 =	sshrl.u32 s1, $0x2  }
0xb8: {  	s3 =	sand.u32 $0x4000, s31;
	s1 =	sadd.s32 s1, s30  }
0xb9: {  	s0 =	sor.u32 s3, s0;
	s1 =	sshll.u32 s1, $0x11  }
0xba: {  	s0 =	sor.u32 s1, s0  }
0xbb: {  	s0 =	sadd.s32 $0x8F2B, s0  }
0xbc: {  	[sflag:s0] =	ssyncadd.remote.s32 $0x1  }
0xbd: {  	_ =	sfence.sel $0xFFFF  }
0xbe: {  	[dreg:$0x0] =	wrdreg $0xFFFFFFFF;
	(pc) =	sbr.abs _section_cstart, $3  }
0xbf: {  	[dreg:$0x1] =	wrdreg $0xFFFFFFFF  }
0xc0: {  	_ =	task.clear_ibuf [dreg:s6], $0x2FFFF;
	_ =	strace $0x9FFFFFFF  }
0xc1: {  	(tm) =	ssettm $0x7FFFFFFF  }
tec
execute0_lowered:
.L_overlay_start_1:
0x0: {  	(tag) =	ssettag $0x1  }
0x1: {  	s0 =	srdreg.scid;
	s1 =	stileid.u32  }
0x2: {  	s0 =	sand.u32 $0x1, s0;
	s1 =	sshll.u32 s1, $0x1  }
0x3: {  	s3 =	rddreg [dreg:$0x0];
	s1 =	sor.u32 s0, s1  }
0x4: {  	s2 =	simm.s32 $0x0;
	s31 =	simm.s32 $0x9;
	s4 =	smul.u32 $0x50, s1  }
0x5: {  	s30 =	simm.s32 $0x280;
	s29 =	simm.s32 $0xA0;
	s1 =	smul.u32 $0x2800, s1  }
0x6: {  	s28 =	simm.s32 $0x320;
	p0 =	por $0x0, $0x0;
	s6 =	sadd.s32 $0x2BC00, s3  }
0x7: {  	[smem:$0x7FF] =	sst s2;
	s4 =	sadd.s32 s4, s3;
	s24 =	sadd.s32 s6, s1  }
0x8: {  	_ =	strace $0x80000053;
	s5 =	sadd.s32 $0x107800, s4;
	[dreg:$0x4] =	wrdreg s24  }
0x9: {  	s7 =	sor.u32 $0x500, s1;
	s4 =	sadd.s32 $0x108200, s4;
	[dreg:$0x2] =	wrdreg s5  }
0xa: {  	s9 =	sadd.s32 $0xA00, s1;
	s26 =	sadd.s32 s6, s7;
	[dreg:$0x3] =	wrdreg s4  }
0xb: {  	s12 =	sadd.s32 $0xF00, s1;
	s10 =	sadd.s32 s6, s9;
	[dreg:$0x6] =	wrdreg s26  }
0xc: {  	s15 =	sadd.s32 $0x1400, s1;
	s13 =	sadd.s32 s6, s12;
	[dreg:$0x8] =	wrdreg s10  }
0xd: {  	s18 =	sadd.s32 $0x1900, s1;
	s16 =	sadd.s32 s6, s15;
	[dreg:$0xa] =	wrdreg s13  }
0xe: {  	s21 =	sadd.s32 $0x1E00, s1;
	s19 =	sadd.s32 s6, s18;
	[dreg:$0xc] =	wrdreg s16  }
0xf: {  	s0 =	ssub.s32 $0x2, s0;
	s22 =	sadd.s32 s6, s21;
	[dreg:$0xe] =	wrdreg s19  }
0x10: {  	s24 =	sshrl.u32 s0, $0x1;
	s5 =	sadd.s32 $0x7BC00, s3;
	[dreg:$0x10] =	wrdreg s22  }
0x11: {  	s0 =	ssub.s32 s0, s24;
	s10 =	sadd.s32 $0x3C00, s3;
	s26 =	simm.s32 $0x2D0  }
0x12: {  	s16 =	simm.s32 $0x1;
	s13 =	simm.s32 $0x3;
	s3 =	simm.s32 $0x7  }
0x13: {  	s4 =	simm.s32 $0x8;
	s24 =	simm.s32 $0x140;
	s22 =	simm.s32 $0x190  }
0x14: {  	s19 =	simm.s32 $0x460;
	s25 =	sadd.s32 s5, s1;
	s8 =	sadd.s32 s5, s7  }
0x15: {  	s11 =	sadd.s32 s5, s9;
	s14 =	sadd.s32 s5, s12;
	[dreg:$0x14] =	wrdreg s26  }
0x16: {  	s17 =	sadd.s32 s5, s15;
	s20 =	sadd.s32 s5, s18;
	[dreg:$0x5] =	wrdreg s25  }
0x17: {  	s23 =	sadd.s32 s5, s21;
	s1 =	sadd.s32 $0x2300, s1;
	[dreg:$0x7] =	wrdreg s8  }
0x18: {  	s0 =	smax.u32 s0, $0x1;
	s15 =	simm.s32 $0x50;
	[dreg:$0x9] =	wrdreg s11  }
0x19: {  	s12 =	simm.s32 $0x500;
	s9 =	simm.s32 $0x5500;
	[dreg:$0xb] =	wrdreg s14  }
0x1a: {  	s7 =	simm.s32 $0x6;
	s26 =	simm.s32 $0xF0;
	[dreg:$0xd] =	wrdreg s17  }
0x1b: {  	s21 =	simm.s32 $0x410;
	s18 =	simm.s32 $0x230;
	[dreg:$0xf] =	wrdreg s20  }
0x1c: {  	[dreg:$0x11] =	wrdreg s23;
	s25 =	sadd.s32 s6, s1;
	p1 =	sne.s32 s0, $0x1  }
.Ltmp0:
0x1d: {  	s1 =	sadd.s32 s5, s1;
	s8 =	simm.s32 $0x2D00;
	(pc) =	sbr.rel @!p1 .LBB2_3-.Ltmp0, $4  }
0x1e: {  	s5 =	simm.s32 $0x7D00;
	s6 =	simm.s32 $0x5;
	s14 =	simm.s32 $0x2  }
0x1f: {  	s11 =	simm.s32 $0x4;
	s23 =	simm.s32 $0x3C0;
	[dreg:$0x12] =	wrdreg s25  }
0x20: {  	s20 =	simm.s32 $0x1E0;
	s17 =	simm.s32 $0x4B0;
	[dreg:$0x13] =	wrdreg s1  }
0x21: {  	s25 =	simm.s32 $0x370;
	s1 =	sadd.s32 $0xFFFFFFFF, s0;
	s0 =	rddreg [dreg:$0x2]  }
0x22: {  	[tilespmem:s2], [sflag:$0x9] =	stream.linear.gather [hbm4b:s0+s2], $0x280, $0x38;
	[tilespmem:$0xA500] =	vst v63  }
0x23: {  	_ =	swait.ge [sflag:s31], $0x280  }
0x24: {  	[sflag:s31] =	ssyncset.done $0x0  }
0x25: {  	s0 =	rddreg [dreg:$0x3];
	[sflag:s31] =	ssyncadd.s32 $0xFFFFFD80  }
0x26: {  	[tilespmem:s30], [sflag:$0x9] =	stream.linear.gather [hbm4b:s0+s2], $0x280, $0x38;
	[tilespmem:$0xA500] =	vst v63  }
0x27: {  	_ =	swait.ge [sflag:s31], $0x280  }
0x28: {  	[sflag:s31] =	ssyncset.done $0x0  }
0x29: {  	[sflag:s31] =	ssyncadd.s32 $0xFFFFFD80  }
0x2a: {  	[tilespmem:s12], [sflag:$0x1] =	stream.indirect.gather [hbm4b:s10+s15], $0x80, s2, s15, $0xb8;
	[tilespmem:$0xA500] =	vst v63  }
0x2b: {  	_ = 	snop  }
0x2c: {  	[tilespmem:s9], [sflag:$0x3] =	stream.indirect.gather [hbm4b:s10+s15], $0x80, s30, s15, $0xb8;
	[tilespmem:$0xA500] =	vst v63  }
0x2d: {  	_ = 	snop  }
0x2e: {  	[tilespmem:s8], [sflag:$0x2] =	stream.indirect.gather [hbm4b:s10+s15], $0x80, s15, s15, $0xb8;
	[tilespmem:$0xA500] =	vst v63  }
0x2f: {  	s0 =	rddreg [dreg:$0x14]  }
0x30: {  	[tilespmem:s5], [sflag:$0x4] =	stream.indirect.gather [hbm4b:s10+s15], $0x80, s0, s15, $0xb8;
	[tilespmem:$0xA500] =	vst v63  }
0x31: {  	_ =	swait.ge [sflag:s16], $0x2800  }
0x32: {  	[sflag:s16] =	ssyncset.done $0x0  }
0x33: {  	s0 =	rddreg [dreg:$0x4];
	[sflag:s16] =	ssyncadd.s32 $0xFFFFD800  }
0x34: {  	[hbm4b:s0+s2] =	stream.linear.scatter [tilespmem:s12], [sflag:$0x5], $0x2800, $0x38;
	[tilespmem:$0xA500] =	vst v63  }
0x35: {  	_ =	swait.ge [sflag:s13], $0x2800  }
0x36: {  	[sflag:s13] =	ssyncset.done $0x0  }
0x37: {  	s0 =	rddreg [dreg:$0x5];
	[sflag:s13] =	ssyncadd.s32 $0xFFFFD800  }
0x38: {  	[hbm4b:s0+s2] =	stream.linear.scatter [tilespmem:s9], [sflag:$0x7], $0x2800, $0x38;
	[tilespmem:$0xA500] =	vst v63  }
0x39: {  	_ =	swait.ge [sflag:s6], $0x2800  }
0x3a: {  	[sflag:s6] =	ssyncset.done $0x0  }
0x3b: {  	[sflag:s6] =	ssyncadd.s32 $0xFFFFD800  }
0x3c: {  	[tilespmem:s12], [sflag:$0x1] =	stream.indirect.gather [hbm4b:s10+s15], $0x80, s29, s15, $0xb8;
	[tilespmem:$0xA500] =	vst v63  }
0x3d: {  	_ =	swait.ge [sflag:s3], $0x2800  }
0x3e: {  	[sflag:s3] =	ssyncset.done $0x0  }
0x3f: {  	[sflag:s3] =	ssyncadd.s32 $0xFFFFD800  }
0x40: {  	[tilespmem:s9], [sflag:$0x3] =	stream.indirect.gather [hbm4b:s10+s15], $0x80, s28, s15, $0xb8;
	[tilespmem:$0xA500] =	vst v63  }
0x41: {  	_ =	swait.ge [sflag:s14], $0x2800  }
0x42: {  	[sflag:s14] =	ssyncset.done $0x0  }
0x43: {  	s0 =	rddreg [dreg:$0x6];
	[sflag:s14] =	ssyncadd.s32 $0xFFFFD800  }
0x44: {  	[hbm4b:s0+s2] =	stream.linear.scatter [tilespmem:s8], [sflag:$0x6], $0x2800, $0x38;
	[tilespmem:$0xA500] =	vst v63  }
0x45: {  	_ =	swait.ge [sflag:s11], $0x2800  }
0x46: {  	[sflag:s11] =	ssyncset.done $0x0  }
0x47: {  	s0 =	rddreg [dreg:$0x7];
	[sflag:s11] =	ssyncadd.s32 $0xFFFFD800  }
0x48: {  	[hbm4b:s0+s2] =	stream.linear.scatter [tilespmem:s5], [sflag:$0x8], $0x2800, $0x38;
	[tilespmem:$0xA500] =	vst v63  }
0x49: {  	_ =	swait.ge [sflag:s7], $0x2800  }
0x4a: {  	[sflag:s7] =	ssyncset.done $0x0  }
0x4b: {  	[sflag:s7] =	ssyncadd.s32 $0xFFFFD800  }
0x4c: {  	[tilespmem:s8], [sflag:$0x2] =	stream.indirect.gather [hbm4b:s10+s15], $0x80, s26, s15, $0xb8;
	[tilespmem:$0xA500] =	vst v63  }
0x4d: {  	_ =	swait.ge [sflag:s4], $0x2800  }
0x4e: {  	[sflag:s4] =	ssyncset.done $0x0  }
0x4f: {  	[sflag:s4] =	ssyncadd.s32 $0xFFFFD800  }
0x50: {  	[tilespmem:s5], [sflag:$0x4] =	stream.indirect.gather [hbm4b:s10+s15], $0x80, s25, s15, $0xb8;
	[tilespmem:$0xA500] =	vst v63  }
0x51: {  	_ =	swait.ge [sflag:s16], $0x2800  }
0x52: {  	[sflag:s16] =	ssyncset.done $0x0  }
0x53: {  	s0 =	rddreg [dreg:$0x8];
	[sflag:s16] =	ssyncadd.s32 $0xFFFFD800  }
0x54: {  	[hbm4b:s0+s2] =	stream.linear.scatter [tilespmem:s12], [sflag:$0x5], $0x2800, $0x38;
	[tilespmem:$0xA500] =	vst v63  }
0x55: {  	_ =	swait.ge [sflag:s13], $0x2800  }
0x56: {  	[sflag:s13] =	ssyncset.done $0x0  }
0x57: {  	s0 =	rddreg [dreg:$0x9];
	[sflag:s13] =	ssyncadd.s32 $0xFFFFD800  }
0x58: {  	[hbm4b:s0+s2] =	stream.linear.scatter [tilespmem:s9], [sflag:$0x7], $0x2800, $0x38;
	[tilespmem:$0xA500] =	vst v63  }
0x59: {  	_ =	swait.ge [sflag:s6], $0x2800  }
0x5a: {  	[sflag:s6] =	ssyncset.done $0x0  }
0x5b: {  	[sflag:s6] =	ssyncadd.s32 $0xFFFFD800  }
0x5c: {  	[tilespmem:s12], [sflag:$0x1] =	stream.indirect.gather [hbm4b:s10+s15], $0x80, s24, s15, $0xb8;
	[tilespmem:$0xA500] =	vst v63  }
0x5d: {  	_ =	swait.ge [sflag:s3], $0x2800  }
0x5e: {  	[sflag:s3] =	ssyncset.done $0x0  }
0x5f: {  	[sflag:s3] =	ssyncadd.s32 $0xFFFFD800  }
0x60: {  	[tilespmem:s9], [sflag:$0x3] =	stream.indirect.gather [hbm4b:s10+s15], $0x80, s23, s15, $0xb8;
	[tilespmem:$0xA500] =	vst v63  }
0x61: {  	_ =	swait.ge [sflag:s14], $0x2800  }
0x62: {  	[sflag:s14] =	ssyncset.done $0x0  }
0x63: {  	s0 =	rddreg [dreg:$0xa];
	[sflag:s14] =	ssyncadd.s32 $0xFFFFD800  }
0x64: {  	[hbm4b:s0+s2] =	stream.linear.scatter [tilespmem:s8], [sflag:$0x6], $0x2800, $0x38;
	[tilespmem:$0xA500] =	vst v63  }
0x65: {  	_ =	swait.ge [sflag:s11], $0x2800  }
0x66: {  	[sflag:s11] =	ssyncset.done $0x0  }
0x67: {  	s0 =	rddreg [dreg:$0xb];
	[sflag:s11] =	ssyncadd.s32 $0xFFFFD800  }
0x68: {  	[hbm4b:s0+s2] =	stream.linear.scatter [tilespmem:s5], [sflag:$0x8], $0x2800, $0x38;
	[tilespmem:$0xA500] =	vst v63  }
0x69: {  	_ =	swait.ge [sflag:s7], $0x2800  }
0x6a: {  	[sflag:s7] =	ssyncset.done $0x0  }
0x6b: {  	[sflag:s7] =	ssyncadd.s32 $0xFFFFD800  }
0x6c: {  	[tilespmem:s8], [sflag:$0x2] =	stream.indirect.gather [hbm4b:s10+s15], $0x80, s22, s15, $0xb8;
	[tilespmem:$0xA500] =	vst v63  }
0x6d: {  	_ =	swait.ge [sflag:s4], $0x2800  }
0x6e: {  	[sflag:s4] =	ssyncset.done $0x0  }
0x6f: {  	[sflag:s4] =	ssyncadd.s32 $0xFFFFD800  }
0x70: {  	[tilespmem:s5], [sflag:$0x4] =	stream.indirect.gather [hbm4b:s10+s15], $0x80, s21, s15, $0xb8;
	[tilespmem:$0xA500] =	vst v63  }
0x71: {  	_ =	swait.ge [sflag:s16], $0x2800  }
0x72: {  	[sflag:s16] =	ssyncset.done $0x0  }
0x73: {  	s0 =	rddreg [dreg:$0xc];
	[sflag:s16] =	ssyncadd.s32 $0xFFFFD800  }
0x74: {  	[hbm4b:s0+s2] =	stream.linear.scatter [tilespmem:s12], [sflag:$0x5], $0x2800, $0x38;
	[tilespmem:$0xA500] =	vst v63  }
0x75: {  	_ =	swait.ge [sflag:s13], $0x2800  }
0x76: {  	[sflag:s13] =	ssyncset.done $0x0  }
0x77: {  	s0 =	rddreg [dreg:$0xd];
	[sflag:s13] =	ssyncadd.s32 $0xFFFFD800  }
0x78: {  	[hbm4b:s0+s2] =	stream.linear.scatter [tilespmem:s9], [sflag:$0x7], $0x2800, $0x38;
	[tilespmem:$0xA500] =	vst v63  }
0x79: {  	_ =	swait.ge [sflag:s6], $0x2800  }
0x7a: {  	[sflag:s6] =	ssyncset.done $0x0  }
0x7b: {  	[sflag:s6] =	ssyncadd.s32 $0xFFFFD800  }
0x7c: {  	[tilespmem:s12], [sflag:$0x1] =	stream.indirect.gather [hbm4b:s10+s15], $0x80, s20, s15, $0xb8;
	[tilespmem:$0xA500] =	vst v63  }
0x7d: {  	_ =	swait.ge [sflag:s3], $0x2800  }
0x7e: {  	[sflag:s3] =	ssyncset.done $0x0  }
0x7f: {  	[sflag:s3] =	ssyncadd.s32 $0xFFFFD800  }
0x80: {  	[tilespmem:s9], [sflag:$0x3] =	stream.indirect.gather [hbm4b:s10+s15], $0x80, s19, s15, $0xb8;
	[tilespmem:$0xA500] =	vst v63  }
0x81: {  	_ =	swait.ge [sflag:s14], $0x2800  }
0x82: {  	[sflag:s14] =	ssyncset.done $0x0  }
0x83: {  	s0 =	rddreg [dreg:$0xe];
	[sflag:s14] =	ssyncadd.s32 $0xFFFFD800  }
0x84: {  	[hbm4b:s0+s2] =	stream.linear.scatter [tilespmem:s8], [sflag:$0x6], $0x2800, $0x38;
	[tilespmem:$0xA500] =	vst v63  }
0x85: {  	_ =	swait.ge [sflag:s11], $0x2800  }
0x86: {  	[sflag:s11] =	ssyncset.done $0x0  }
0x87: {  	s0 =	rddreg [dreg:$0xf];
	[sflag:s11] =	ssyncadd.s32 $0xFFFFD800  }
0x88: {  	[hbm4b:s0+s2] =	stream.linear.scatter [tilespmem:s5], [sflag:$0x8], $0x2800, $0x38;
	[tilespmem:$0xA500] =	vst v63  }
0x89: {  	_ =	swait.ge [sflag:s7], $0x2800  }
0x8a: {  	[sflag:s7] =	ssyncset.done $0x0  }
0x8b: {  	[sflag:s7] =	ssyncadd.s32 $0xFFFFD800  }
0x8c: {  	[tilespmem:s8], [sflag:$0x2] =	stream.indirect.gather [hbm4b:s10+s15], $0x80, s18, s15, $0xb8;
	[tilespmem:$0xA500] =	vst v63  }
0x8d: {  	_ =	swait.ge [sflag:s4], $0x2800  }
0x8e: {  	[sflag:s4] =	ssyncset.done $0x0  }
0x8f: {  	[sflag:s4] =	ssyncadd.s32 $0xFFFFD800  }
0x90: {  	[tilespmem:s5], [sflag:$0x4] =	stream.indirect.gather [hbm4b:s10+s15], $0x80, s17, s15, $0xb8;
	[tilespmem:$0xA500] =	vst v63  }
0x91: {  	_ =	swait.ge [sflag:s16], $0x2800  }
0x92: {  	[sflag:s16] =	ssyncset.done $0x0  }
0x93: {  	s0 =	rddreg [dreg:$0x10];
	[sflag:s16] =	ssyncadd.s32 $0xFFFFD800  }
0x94: {  	[hbm4b:s0+s2] =	stream.linear.scatter [tilespmem:s12], [sflag:$0x5], $0x2800, $0x38;
	[tilespmem:$0xA500] =	vst v63  }
0x95: {  	_ =	swait.ge [sflag:s13], $0x2800  }
0x96: {  	[sflag:s13] =	ssyncset.done $0x0  }
0x97: {  	s0 =	rddreg [dreg:$0x11];
	[sflag:s13] =	ssyncadd.s32 $0xFFFFD800  }
0x98: {  	[hbm4b:s0+s2] =	stream.linear.scatter [tilespmem:s9], [sflag:$0x7], $0x2800, $0x38;
	[tilespmem:$0xA500] =	vst v63  }
0x99: {  	_ =	swait.ge [sflag:s14], $0x2800  }
0x9a: {  	[sflag:s14] =	ssyncset.done $0x0  }
0x9b: {  	s0 =	rddreg [dreg:$0x12];
	[sflag:s14] =	ssyncadd.s32 $0xFFFFD800  }
0x9c: {  	[hbm4b:s0+s2] =	stream.linear.scatter [tilespmem:s8], [sflag:$0x6], $0x2800, $0x38;
	[tilespmem:$0xA500] =	vst v63  }
0x9d: {  	_ =	swait.ge [sflag:s11], $0x2800  }
0x9e: {  	[sflag:s11] =	ssyncset.done $0x0  }
0x9f: {  	s0 =	rddreg [dreg:$0x13];
	[sflag:s11] =	ssyncadd.s32 $0xFFFFD800  }
0xa0: {  	[hbm4b:s0+s2] =	stream.linear.scatter [tilespmem:s5], [sflag:$0x8], $0x2800, $0x38;
	[tilespmem:$0xA500] =	vst v63  }
0xa1: {  	_ =	swait.ge [sflag:s6], $0x2800  }
0xa2: {  	[sflag:s6] =	ssyncset.done $0x0  }
0xa3: {  	[sflag:s6] =	ssyncadd.s32 $0xFFFFD800  }
0xa4: {  	_ =	swait.ge [sflag:s3], $0x2800  }
0xa5: {  	[sflag:s3] =	ssyncset.done $0x0  }
0xa6: {  	p1 =	sne.s32 s1, $0x1;
	[sflag:s3] =	ssyncadd.s32 $0xFFFFD800  }
.Ltmp1:
0xa7: {  	_ =	swait.ge [sflag:s7], $0x2800;
	(pc) =	sbr.rel @!p1 .LBB2_3-.Ltmp1, $4  }
0xa8: {  	[sflag:s7] =	ssyncset.done $0x0  }
0xa9: {  	[sflag:s7] =	ssyncadd.s32 $0xFFFFD800  }
0xaa: {  	s1 =	sadd.s32 $0xFFFFFFFF, s1;
	_ =	swait.ge [sflag:s4], $0x2800  }
0xab: {  	p0 =	por $0x1, $0x1;
	s0 =	rddreg [dreg:$0x2];
	[sflag:s4] =	ssyncset.done $0x0  }
.LBB2_2:
0xac: {  	[sflag:s4] =	ssyncadd.s32 $0xFFFFD800  }
0xad: {  	[tilespmem:s2], [sflag:$0x9] =	stream.linear.gather [hbm4b:s0+s2], $0x280, $0x38;
	[tilespmem:$0xA500] =	vst v63  }
0xae: {  	_ =	swait.ge [sflag:s31], $0x280  }
0xaf: {  	[sflag:s31] =	ssyncset.done $0x0  }
0xb0: {  	s0 =	rddreg [dreg:$0x3];
	[sflag:s31] =	ssyncadd.s32 $0xFFFFFD80  }
0xb1: {  	[tilespmem:s30], [sflag:$0x9] =	stream.linear.gather [hbm4b:s0+s2], $0x280, $0x38;
	[tilespmem:$0xA500] =	vst v63  }
0xb2: {  	_ =	swait.ge [sflag:s31], $0x280  }
0xb3: {  	[sflag:s31] =	ssyncset.done $0x0  }
0xb4: {  	[sflag:s31] =	ssyncadd.s32 $0xFFFFFD80  }
0xb5: {  	[tilespmem:s12], [sflag:$0x1] =	stream.indirect.gather [hbm4b:s10+s15], $0x80, s2, s15, $0xb8;
	[tilespmem:$0xA500] =	vst v63  }
0xb6: {  	_ = 	snop  }
0xb7: {  	[tilespmem:s9], [sflag:$0x3] =	stream.indirect.gather [hbm4b:s10+s15], $0x80, s30, s15, $0xb8;
	[tilespmem:$0xA500] =	vst v63  }
0xb8: {  	_ = 	snop  }
0xb9: {  	[tilespmem:s8], [sflag:$0x2] =	stream.indirect.gather [hbm4b:s10+s15], $0x80, s15, s15, $0xb8;
	[tilespmem:$0xA500] =	vst v63  }
0xba: {  	s0 =	rddreg [dreg:$0x14]  }
0xbb: {  	[tilespmem:s5], [sflag:$0x4] =	stream.indirect.gather [hbm4b:s10+s15], $0x80, s0, s15, $0xb8;
	[tilespmem:$0xA500] =	vst v63  }
0xbc: {  	_ =	swait.ge [sflag:s16], $0x2800  }
0xbd: {  	[sflag:s16] =	ssyncset.done $0x0  }
0xbe: {  	s0 =	rddreg [dreg:$0x4];
	[sflag:s16] =	ssyncadd.s32 $0xFFFFD800  }
0xbf: {  	[hbm4b:s0+s2] =	stream.linear.scatter [tilespmem:s12], [sflag:$0x5], $0x2800, $0x38;
	[tilespmem:$0xA500] =	vst v63  }
0xc0: {  	_ =	swait.ge [sflag:s13], $0x2800  }
0xc1: {  	[sflag:s13] =	ssyncset.done $0x0  }
0xc2: {  	s0 =	rddreg [dreg:$0x5];
	[sflag:s13] =	ssyncadd.s32 $0xFFFFD800  }
0xc3: {  	[hbm4b:s0+s2] =	stream.linear.scatter [tilespmem:s9], [sflag:$0x7], $0x2800, $0x38;
	[tilespmem:$0xA500] =	vst v63  }
0xc4: {  	_ =	swait.ge [sflag:s6], $0x2800  }
0xc5: {  	[sflag:s6] =	ssyncset.done $0x0  }
0xc6: {  	[sflag:s6] =	ssyncadd.s32 $0xFFFFD800  }
0xc7: {  	[tilespmem:s12], [sflag:$0x1] =	stream.indirect.gather [hbm4b:s10+s15], $0x80, s29, s15, $0xb8;
	[tilespmem:$0xA500] =	vst v63  }
0xc8: {  	_ =	swait.ge [sflag:s3], $0x2800  }
0xc9: {  	[sflag:s3] =	ssyncset.done $0x0  }
0xca: {  	[sflag:s3] =	ssyncadd.s32 $0xFFFFD800  }
0xcb: {  	[tilespmem:s9], [sflag:$0x3] =	stream.indirect.gather [hbm4b:s10+s15], $0x80, s28, s15, $0xb8;
	[tilespmem:$0xA500] =	vst v63  }
0xcc: {  	_ =	swait.ge [sflag:s14], $0x2800  }
0xcd: {  	[sflag:s14] =	ssyncset.done $0x0  }
0xce: {  	s0 =	rddreg [dreg:$0x6];
	[sflag:s14] =	ssyncadd.s32 $0xFFFFD800  }
0xcf: {  	[hbm4b:s0+s2] =	stream.linear.scatter [tilespmem:s8], [sflag:$0x6], $0x2800, $0x38;
	[tilespmem:$0xA500] =	vst v63  }
0xd0: {  	_ =	swait.ge [sflag:s11], $0x2800  }
0xd1: {  	[sflag:s11] =	ssyncset.done $0x0  }
0xd2: {  	s0 =	rddreg [dreg:$0x7];
	[sflag:s11] =	ssyncadd.s32 $0xFFFFD800  }
0xd3: {  	[hbm4b:s0+s2] =	stream.linear.scatter [tilespmem:s5], [sflag:$0x8], $0x2800, $0x38;
	[tilespmem:$0xA500] =	vst v63  }
0xd4: {  	_ =	swait.ge [sflag:s7], $0x2800  }
0xd5: {  	[sflag:s7] =	ssyncset.done $0x0  }
0xd6: {  	[sflag:s7] =	ssyncadd.s32 $0xFFFFD800  }
0xd7: {  	[tilespmem:s8], [sflag:$0x2] =	stream.indirect.gather [hbm4b:s10+s15], $0x80, s26, s15, $0xb8;
	[tilespmem:$0xA500] =	vst v63  }
0xd8: {  	_ =	swait.ge [sflag:s4], $0x2800  }
0xd9: {  	[sflag:s4] =	ssyncset.done $0x0  }
0xda: {  	[sflag:s4] =	ssyncadd.s32 $0xFFFFD800  }
0xdb: {  	[tilespmem:s5], [sflag:$0x4] =	stream.indirect.gather [hbm4b:s10+s15], $0x80, s25, s15, $0xb8;
	[tilespmem:$0xA500] =	vst v63  }
0xdc: {  	_ =	swait.ge [sflag:s16], $0x2800  }
0xdd: {  	[sflag:s16] =	ssyncset.done $0x0  }
0xde: {  	s0 =	rddreg [dreg:$0x8];
	[sflag:s16] =	ssyncadd.s32 $0xFFFFD800  }
0xdf: {  	[hbm4b:s0+s2] =	stream.linear.scatter [tilespmem:s12], [sflag:$0x5], $0x2800, $0x38;
	[tilespmem:$0xA500] =	vst v63  }
0xe0: {  	_ =	swait.ge [sflag:s13], $0x2800  }
0xe1: {  	[sflag:s13] =	ssyncset.done $0x0  }
0xe2: {  	s0 =	rddreg [dreg:$0x9];
	[sflag:s13] =	ssyncadd.s32 $0xFFFFD800  }
0xe3: {  	[hbm4b:s0+s2] =	stream.linear.scatter [tilespmem:s9], [sflag:$0x7], $0x2800, $0x38;
	[tilespmem:$0xA500] =	vst v63  }
0xe4: {  	_ =	swait.ge [sflag:s6], $0x2800  }
0xe5: {  	[sflag:s6] =	ssyncset.done $0x0  }
0xe6: {  	[sflag:s6] =	ssyncadd.s32 $0xFFFFD800  }
0xe7: {  	[tilespmem:s12], [sflag:$0x1] =	stream.indirect.gather [hbm4b:s10+s15], $0x80, s24, s15, $0xb8;
	[tilespmem:$0xA500] =	vst v63  }
0xe8: {  	_ =	swait.ge [sflag:s3], $0x2800  }
0xe9: {  	[sflag:s3] =	ssyncset.done $0x0  }
0xea: {  	[sflag:s3] =	ssyncadd.s32 $0xFFFFD800  }
0xeb: {  	[tilespmem:s9], [sflag:$0x3] =	stream.indirect.gather [hbm4b:s10+s15], $0x80, s23, s15, $0xb8;
	[tilespmem:$0xA500] =	vst v63  }
0xec: {  	_ =	swait.ge [sflag:s14], $0x2800  }
0xed: {  	[sflag:s14] =	ssyncset.done $0x0  }
0xee: {  	s0 =	rddreg [dreg:$0xa];
	[sflag:s14] =	ssyncadd.s32 $0xFFFFD800  }
0xef: {  	[hbm4b:s0+s2] =	stream.linear.scatter [tilespmem:s8], [sflag:$0x6], $0x2800, $0x38;
	[tilespmem:$0xA500] =	vst v63  }
0xf0: {  	_ =	swait.ge [sflag:s11], $0x2800  }
0xf1: {  	[sflag:s11] =	ssyncset.done $0x0  }
0xf2: {  	s0 =	rddreg [dreg:$0xb];
	[sflag:s11] =	ssyncadd.s32 $0xFFFFD800  }
0xf3: {  	[hbm4b:s0+s2] =	stream.linear.scatter [tilespmem:s5], [sflag:$0x8], $0x2800, $0x38;
	[tilespmem:$0xA500] =	vst v63  }
0xf4: {  	_ =	swait.ge [sflag:s7], $0x2800  }
0xf5: {  	[sflag:s7] =	ssyncset.done $0x0  }
0xf6: {  	[sflag:s7] =	ssyncadd.s32 $0xFFFFD800  }
0xf7: {  	[tilespmem:s8], [sflag:$0x2] =	stream.indirect.gather [hbm4b:s10+s15], $0x80, s22, s15, $0xb8;
	[tilespmem:$0xA500] =	vst v63  }
0xf8: {  	_ =	swait.ge [sflag:s4], $0x2800  }
0xf9: {  	[sflag:s4] =	ssyncset.done $0x0  }
0xfa: {  	[sflag:s4] =	ssyncadd.s32 $0xFFFFD800  }
0xfb: {  	[tilespmem:s5], [sflag:$0x4] =	stream.indirect.gather [hbm4b:s10+s15], $0x80, s21, s15, $0xb8;
	[tilespmem:$0xA500] =	vst v63  }
0xfc: {  	_ =	swait.ge [sflag:s16], $0x2800  }
0xfd: {  	[sflag:s16] =	ssyncset.done $0x0  }
0xfe: {  	s0 =	rddreg [dreg:$0xc];
	[sflag:s16] =	ssyncadd.s32 $0xFFFFD800  }
0xff: {  	[hbm4b:s0+s2] =	stream.linear.scatter [tilespmem:s12], [sflag:$0x5], $0x2800, $0x38;
	[tilespmem:$0xA500] =	vst v63  }
0x100: {  	_ =	swait.ge [sflag:s13], $0x2800  }
0x101: {  	[sflag:s13] =	ssyncset.done $0x0  }
0x102: {  	s0 =	rddreg [dreg:$0xd];
	[sflag:s13] =	ssyncadd.s32 $0xFFFFD800  }
0x103: {  	[hbm4b:s0+s2] =	stream.linear.scatter [tilespmem:s9], [sflag:$0x7], $0x2800, $0x38;
	[tilespmem:$0xA500] =	vst v63  }
0x104: {  	_ =	swait.ge [sflag:s6], $0x2800  }
0x105: {  	[sflag:s6] =	ssyncset.done $0x0  }
0x106: {  	[sflag:s6] =	ssyncadd.s32 $0xFFFFD800  }
0x107: {  	[tilespmem:s12], [sflag:$0x1] =	stream.indirect.gather [hbm4b:s10+s15], $0x80, s20, s15, $0xb8;
	[tilespmem:$0xA500] =	vst v63  }
0x108: {  	_ =	swait.ge [sflag:s3], $0x2800  }
0x109: {  	[sflag:s3] =	ssyncset.done $0x0  }
0x10a: {  	[sflag:s3] =	ssyncadd.s32 $0xFFFFD800  }
0x10b: {  	[tilespmem:s9], [sflag:$0x3] =	stream.indirect.gather [hbm4b:s10+s15], $0x80, s19, s15, $0xb8;
	[tilespmem:$0xA500] =	vst v63  }
0x10c: {  	_ =	swait.ge [sflag:s14], $0x2800  }
0x10d: {  	[sflag:s14] =	ssyncset.done $0x0  }
0x10e: {  	s0 =	rddreg [dreg:$0xe];
	[sflag:s14] =	ssyncadd.s32 $0xFFFFD800  }
0x10f: {  	[hbm4b:s0+s2] =	stream.linear.scatter [tilespmem:s8], [sflag:$0x6], $0x2800, $0x38;
	[tilespmem:$0xA500] =	vst v63  }
0x110: {  	_ =	swait.ge [sflag:s11], $0x2800  }
0x111: {  	[sflag:s11] =	ssyncset.done $0x0  }
0x112: {  	s0 =	rddreg [dreg:$0xf];
	[sflag:s11] =	ssyncadd.s32 $0xFFFFD800  }
0x113: {  	[hbm4b:s0+s2] =	stream.linear.scatter [tilespmem:s5], [sflag:$0x8], $0x2800, $0x38;
	[tilespmem:$0xA500] =	vst v63  }
0x114: {  	_ =	swait.ge [sflag:s7], $0x2800  }
0x115: {  	[sflag:s7] =	ssyncset.done $0x0  }
0x116: {  	[sflag:s7] =	ssyncadd.s32 $0xFFFFD800  }
0x117: {  	[tilespmem:s8], [sflag:$0x2] =	stream.indirect.gather [hbm4b:s10+s15], $0x80, s18, s15, $0xb8;
	[tilespmem:$0xA500] =	vst v63  }
0x118: {  	_ =	swait.ge [sflag:s4], $0x2800  }
0x119: {  	[sflag:s4] =	ssyncset.done $0x0  }
0x11a: {  	[sflag:s4] =	ssyncadd.s32 $0xFFFFD800  }
0x11b: {  	[tilespmem:s5], [sflag:$0x4] =	stream.indirect.gather [hbm4b:s10+s15], $0x80, s17, s15, $0xb8;
	[tilespmem:$0xA500] =	vst v63  }
0x11c: {  	_ =	swait.ge [sflag:s16], $0x2800  }
0x11d: {  	[sflag:s16] =	ssyncset.done $0x0  }
0x11e: {  	s0 =	rddreg [dreg:$0x10];
	[sflag:s16] =	ssyncadd.s32 $0xFFFFD800  }
0x11f: {  	[hbm4b:s0+s2] =	stream.linear.scatter [tilespmem:s12], [sflag:$0x5], $0x2800, $0x38;
	[tilespmem:$0xA500] =	vst v63  }
0x120: {  	_ =	swait.ge [sflag:s13], $0x2800  }
0x121: {  	[sflag:s13] =	ssyncset.done $0x0  }
0x122: {  	s0 =	rddreg [dreg:$0x11];
	[sflag:s13] =	ssyncadd.s32 $0xFFFFD800  }
0x123: {  	[hbm4b:s0+s2] =	stream.linear.scatter [tilespmem:s9], [sflag:$0x7], $0x2800, $0x38;
	[tilespmem:$0xA500] =	vst v63  }
0x124: {  	_ =	swait.ge [sflag:s14], $0x2800  }
0x125: {  	[sflag:s14] =	ssyncset.done $0x0  }
0x126: {  	s0 =	rddreg [dreg:$0x12];
	[sflag:s14] =	ssyncadd.s32 $0xFFFFD800  }
0x127: {  	[hbm4b:s0+s2] =	stream.linear.scatter [tilespmem:s8], [sflag:$0x6], $0x2800, $0x38;
	[tilespmem:$0xA500] =	vst v63  }
0x128: {  	_ =	swait.ge [sflag:s11], $0x2800  }
0x129: {  	[sflag:s11] =	ssyncset.done $0x0  }
0x12a: {  	s0 =	rddreg [dreg:$0x13];
	[sflag:s11] =	ssyncadd.s32 $0xFFFFD800  }
0x12b: {  	[hbm4b:s0+s2] =	stream.linear.scatter [tilespmem:s5], [sflag:$0x8], $0x2800, $0x38;
	[tilespmem:$0xA500] =	vst v63  }
0x12c: {  	_ =	swait.ge [sflag:s6], $0x2800  }
0x12d: {  	[sflag:s6] =	ssyncset.done $0x0  }
0x12e: {  	[sflag:s6] =	ssyncadd.s32 $0xFFFFD800  }
0x12f: {  	_ =	swait.ge [sflag:s3], $0x2800  }
0x130: {  	[sflag:s3] =	ssyncset.done $0x0  }
0x131: {  	p1 =	sne.s32 s1, $0x1;
	[sflag:s3] =	ssyncadd.s32 $0xFFFFD800  }
.Ltmp2:
0x132: {  	_ =	swait.ge [sflag:s7], $0x2800;
	(pc) =	sbr.rel @p1 .LBB2_2-.Ltmp2, $4  }
0x133: {  	[sflag:s7] =	ssyncset.done $0x0  }
0x134: {  	[sflag:s7] =	ssyncadd.s32 $0xFFFFD800  }
0x135: {  	_ =	swait.ge [sflag:s4], $0x2800  }
0x136: {  	s1 =	sadd.s32 $0xFFFFFFFF, s1;
	s0 =	rddreg [dreg:$0x2];
	[sflag:s4] =	ssyncset.done $0x0  }
.LBB2_3:
0x137: {  	[sflag:s4] =	ssyncadd.s32 @p0 $0xFFFFD800  }
0x138: {  	[tilespmem:s2], [sflag:$0x9] =	stream.linear.gather [hbm4b:s0+s2], $0x280, $0x38;
	[tilespmem:$0xA500] =	vst v63  }
0x139: {  	_ =	swait.ge [sflag:s31], $0x280  }
0x13a: {  	[sflag:s31] =	ssyncset.done $0x0  }
0x13b: {  	s1 =	rddreg [dreg:$0x3];
	[sflag:s31] =	ssyncadd.s32 $0xFFFFFD80  }
0x13c: {  	[tilespmem:s30], [sflag:$0x9] =	stream.linear.gather [hbm4b:s1+s2], $0x280, $0x38;
	[tilespmem:$0xA500] =	vst v63  }
0x13d: {  	_ =	swait.ge [sflag:s31], $0x280  }
0x13e: {  	[sflag:s31] =	ssyncset.done $0x0  }
0x13f: {  	[sflag:s31] =	ssyncadd.s32 $0xFFFFFD80  }
0x140: {  	[tilespmem:s12], [sflag:$0x1] =	stream.indirect.gather [hbm4b:s10+s15], $0x80, s2, s15, $0xb8;
	[tilespmem:$0xA500] =	vst v63  }
0x141: {  	_ = 	snop  }
0x142: {  	[tilespmem:s9], [sflag:$0x3] =	stream.indirect.gather [hbm4b:s10+s15], $0x80, s30, s15, $0xb8;
	[tilespmem:$0xA500] =	vst v63  }
0x143: {  	_ = 	snop  }
0x144: {  	[tilespmem:s8], [sflag:$0x2] =	stream.indirect.gather [hbm4b:s10+s15], $0x80, s15, s15, $0xb8;
	[tilespmem:$0xA500] =	vst v63  }
0x145: {  	s1 =	rddreg [dreg:$0x14]  }
0x146: {  	[tilespmem:s5], [sflag:$0x4] =	stream.indirect.gather [hbm4b:s10+s15], $0x80, s1, s15, $0xb8;
	[tilespmem:$0xA500] =	vst v63  }
0x147: {  	_ =	swait.ge [sflag:s16], $0x2800  }
0x148: {  	[sflag:s16] =	ssyncset.done $0x0  }
0x149: {  	s30 =	rddreg [dreg:$0x4];
	[sflag:s16] =	ssyncadd.s32 $0xFFFFD800  }
0x14a: {  	[hbm4b:s30+s2] =	stream.linear.scatter [tilespmem:s12], [sflag:$0x5], $0x2800, $0x38;
	[tilespmem:$0xA500] =	vst v63  }
0x14b: {  	_ =	swait.ge [sflag:s13], $0x2800  }
0x14c: {  	[sflag:s13] =	ssyncset.done $0x0  }
0x14d: {  	s31 =	rddreg [dreg:$0x5];
	[sflag:s13] =	ssyncadd.s32 $0xFFFFD800  }
0x14e: {  	[hbm4b:s31+s2] =	stream.linear.scatter [tilespmem:s9], [sflag:$0x7], $0x2800, $0x38;
	[tilespmem:$0xA500] =	vst v63  }
0x14f: {  	_ =	swait.ge [sflag:s6], $0x2800  }
0x150: {  	[sflag:s6] =	ssyncset.done $0x0  }
0x151: {  	[sflag:s6] =	ssyncadd.s32 $0xFFFFD800  }
0x152: {  	[tilespmem:s12], [sflag:$0x1] =	stream.indirect.gather [hbm4b:s10+s15], $0x80, s29, s15, $0xb8;
	[tilespmem:$0xA500] =	vst v63  }
0x153: {  	_ =	swait.ge [sflag:s3], $0x2800  }
0x154: {  	[sflag:s3] =	ssyncset.done $0x0  }
0x155: {  	[sflag:s3] =	ssyncadd.s32 $0xFFFFD800  }
0x156: {  	[tilespmem:s9], [sflag:$0x3] =	stream.indirect.gather [hbm4b:s10+s15], $0x80, s28, s15, $0xb8;
	[tilespmem:$0xA500] =	vst v63  }
0x157: {  	_ =	swait.ge [sflag:s14], $0x2800  }
0x158: {  	[sflag:s14] =	ssyncset.done $0x0  }
0x159: {  	s1 =	rddreg [dreg:$0x6];
	[sflag:s14] =	ssyncadd.s32 $0xFFFFD800  }
0x15a: {  	[hbm4b:s1+s2] =	stream.linear.scatter [tilespmem:s8], [sflag:$0x6], $0x2800, $0x38;
	[tilespmem:$0xA500] =	vst v63  }
0x15b: {  	_ =	swait.ge [sflag:s11], $0x2800  }
0x15c: {  	[sflag:s11] =	ssyncset.done $0x0  }
0x15d: {  	s28 =	rddreg [dreg:$0x7];
	[sflag:s11] =	ssyncadd.s32 $0xFFFFD800  }
0x15e: {  	[hbm4b:s28+s2] =	stream.linear.scatter [tilespmem:s5], [sflag:$0x8], $0x2800, $0x38;
	[tilespmem:$0xA500] =	vst v63  }
0x15f: {  	_ =	swait.ge [sflag:s7], $0x2800  }
0x160: {  	[sflag:s7] =	ssyncset.done $0x0  }
0x161: {  	[sflag:s7] =	ssyncadd.s32 $0xFFFFD800  }
0x162: {  	[tilespmem:s8], [sflag:$0x2] =	stream.indirect.gather [hbm4b:s10+s15], $0x80, s26, s15, $0xb8;
	[tilespmem:$0xA500] =	vst v63  }
0x163: {  	_ =	swait.ge [sflag:s4], $0x2800  }
0x164: {  	[sflag:s4] =	ssyncset.done $0x0  }
0x165: {  	[sflag:s4] =	ssyncadd.s32 $0xFFFFD800  }
0x166: {  	[tilespmem:s5], [sflag:$0x4] =	stream.indirect.gather [hbm4b:s10+s15], $0x80, s25, s15, $0xb8;
	[tilespmem:$0xA500] =	vst v63  }
0x167: {  	_ =	swait.ge [sflag:s16], $0x2800  }
0x168: {  	[sflag:s16] =	ssyncset.done $0x0  }
0x169: {  	s29 =	rddreg [dreg:$0x8];
	[sflag:s16] =	ssyncadd.s32 $0xFFFFD800  }
0x16a: {  	[hbm4b:s29+s2] =	stream.linear.scatter [tilespmem:s12], [sflag:$0x5], $0x2800, $0x38;
	[tilespmem:$0xA500] =	vst v63  }
0x16b: {  	_ =	swait.ge [sflag:s13], $0x2800  }
0x16c: {  	[sflag:s13] =	ssyncset.done $0x0  }
0x16d: {  	s30 =	rddreg [dreg:$0x9];
	[sflag:s13] =	ssyncadd.s32 $0xFFFFD800  }
0x16e: {  	[hbm4b:s30+s2] =	stream.linear.scatter [tilespmem:s9], [sflag:$0x7], $0x2800, $0x38;
	[tilespmem:$0xA500] =	vst v63  }
0x16f: {  	_ =	swait.ge [sflag:s6], $0x2800  }
0x170: {  	[sflag:s6] =	ssyncset.done $0x0  }
0x171: {  	[sflag:s6] =	ssyncadd.s32 $0xFFFFD800  }
0x172: {  	[tilespmem:s12], [sflag:$0x1] =	stream.indirect.gather [hbm4b:s10+s15], $0x80, s24, s15, $0xb8;
	[tilespmem:$0xA500] =	vst v63  }
0x173: {  	_ =	swait.ge [sflag:s3], $0x2800  }
0x174: {  	[sflag:s3] =	ssyncset.done $0x0  }
0x175: {  	[sflag:s3] =	ssyncadd.s32 $0xFFFFD800  }
0x176: {  	[tilespmem:s9], [sflag:$0x3] =	stream.indirect.gather [hbm4b:s10+s15], $0x80, s23, s15, $0xb8;
	[tilespmem:$0xA500] =	vst v63  }
0x177: {  	_ =	swait.ge [sflag:s14], $0x2800  }
0x178: {  	[sflag:s14] =	ssyncset.done $0x0  }
0x179: {  	s31 =	rddreg [dreg:$0xa];
	[sflag:s14] =	ssyncadd.s32 $0xFFFFD800  }
0x17a: {  	[hbm4b:s31+s2] =	stream.linear.scatter [tilespmem:s8], [sflag:$0x6], $0x2800, $0x38;
	[tilespmem:$0xA500] =	vst v63  }
0x17b: {  	_ =	swait.ge [sflag:s11], $0x2800  }
0x17c: {  	[sflag:s11] =	ssyncset.done $0x0  }
0x17d: {  	s1 =	rddreg [dreg:$0xb];
	[sflag:s11] =	ssyncadd.s32 $0xFFFFD800  }
0x17e: {  	[hbm4b:s1+s2] =	stream.linear.scatter [tilespmem:s5], [sflag:$0x8], $0x2800, $0x38;
	[tilespmem:$0xA500] =	vst v63  }
0x17f: {  	_ =	swait.ge [sflag:s7], $0x2800  }
0x180: {  	[sflag:s7] =	ssyncset.done $0x0  }
0x181: {  	[sflag:s7] =	ssyncadd.s32 $0xFFFFD800  }
0x182: {  	[tilespmem:s8], [sflag:$0x2] =	stream.indirect.gather [hbm4b:s10+s15], $0x80, s22, s15, $0xb8;
	[tilespmem:$0xA500] =	vst v63  }
0x183: {  	_ =	swait.ge [sflag:s4], $0x2800  }
0x184: {  	[sflag:s4] =	ssyncset.done $0x0  }
0x185: {  	[sflag:s4] =	ssyncadd.s32 $0xFFFFD800  }
0x186: {  	[tilespmem:s5], [sflag:$0x4] =	stream.indirect.gather [hbm4b:s10+s15], $0x80, s21, s15, $0xb8;
	[tilespmem:$0xA500] =	vst v63  }
0x187: {  	_ =	swait.ge [sflag:s16], $0x2800  }
0x188: {  	[sflag:s16] =	ssyncset.done $0x0  }
0x189: {  	s22 =	rddreg [dreg:$0xc];
	[sflag:s16] =	ssyncadd.s32 $0xFFFFD800  }
0x18a: {  	[hbm4b:s22+s2] =	stream.linear.scatter [tilespmem:s12], [sflag:$0x5], $0x2800, $0x38;
	[tilespmem:$0xA500] =	vst v63  }
0x18b: {  	_ =	swait.ge [sflag:s13], $0x2800  }
0x18c: {  	[sflag:s13] =	ssyncset.done $0x0  }
0x18d: {  	s23 =	rddreg [dreg:$0xd];
	[sflag:s13] =	ssyncadd.s32 $0xFFFFD800  }
0x18e: {  	[hbm4b:s23+s2] =	stream.linear.scatter [tilespmem:s9], [sflag:$0x7], $0x2800, $0x38;
	[tilespmem:$0xA500] =	vst v63  }
0x18f: {  	_ =	swait.ge [sflag:s6], $0x2800  }
0x190: {  	[sflag:s6] =	ssyncset.done $0x0  }
0x191: {  	[sflag:s6] =	ssyncadd.s32 $0xFFFFD800  }
0x192: {  	[tilespmem:s12], [sflag:$0x1] =	stream.indirect.gather [hbm4b:s10+s15], $0x80, s20, s15, $0xb8;
	[tilespmem:$0xA500] =	vst v63  }
0x193: {  	_ =	swait.ge [sflag:s3], $0x2800  }
0x194: {  	[sflag:s3] =	ssyncset.done $0x0  }
0x195: {  	[sflag:s3] =	ssyncadd.s32 $0xFFFFD800  }
0x196: {  	[tilespmem:s9], [sflag:$0x3] =	stream.indirect.gather [hbm4b:s10+s15], $0x80, s19, s15, $0xb8;
	[tilespmem:$0xA500] =	vst v63  }
0x197: {  	_ =	swait.ge [sflag:s14], $0x2800  }
0x198: {  	[sflag:s14] =	ssyncset.done $0x0  }
0x199: {  	s24 =	rddreg [dreg:$0xe];
	[sflag:s14] =	ssyncadd.s32 $0xFFFFD800  }
0x19a: {  	[hbm4b:s24+s2] =	stream.linear.scatter [tilespmem:s8], [sflag:$0x6], $0x2800, $0x38;
	[tilespmem:$0xA500] =	vst v63  }
0x19b: {  	_ =	swait.ge [sflag:s11], $0x2800  }
0x19c: {  	[sflag:s11] =	ssyncset.done $0x0  }
0x19d: {  	s25 =	rddreg [dreg:$0xf];
	[sflag:s11] =	ssyncadd.s32 $0xFFFFD800  }
0x19e: {  	[hbm4b:s25+s2] =	stream.linear.scatter [tilespmem:s5], [sflag:$0x8], $0x2800, $0x38;
	[tilespmem:$0xA500] =	vst v63  }
0x19f: {  	_ =	swait.ge [sflag:s7], $0x2800  }
0x1a0: {  	[sflag:s7] =	ssyncset.done $0x0  }
0x1a1: {  	[sflag:s7] =	ssyncadd.s32 $0xFFFFD800  }
0x1a2: {  	[tilespmem:s8], [sflag:$0x2] =	stream.indirect.gather [hbm4b:s10+s15], $0x80, s18, s15, $0xb8;
	[tilespmem:$0xA500] =	vst v63  }
0x1a3: {  	_ =	swait.ge [sflag:s4], $0x2800  }
0x1a4: {  	[sflag:s4] =	ssyncset.done $0x0  }
0x1a5: {  	[sflag:s4] =	ssyncadd.s32 $0xFFFFD800  }
0x1a6: {  	[tilespmem:s5], [sflag:$0x4] =	stream.indirect.gather [hbm4b:s10+s15], $0x80, s17, s15, $0xb8;
	[tilespmem:$0xA500] =	vst v63  }
0x1a7: {  	_ =	swait.ge [sflag:s16], $0x2800  }
0x1a8: {  	[sflag:s16] =	ssyncset.done $0x0  }
0x1a9: {  	s26 =	rddreg [dreg:$0x10];
	[sflag:s16] =	ssyncadd.s32 $0xFFFFD800  }
0x1aa: {  	[hbm4b:s26+s2] =	stream.linear.scatter [tilespmem:s12], [sflag:$0x5], $0x2800, $0x38;
	[tilespmem:$0xA500] =	vst v63  }
0x1ab: {  	_ =	swait.ge [sflag:s13], $0x2800  }
0x1ac: {  	[sflag:s13] =	ssyncset.done $0x0  }
0x1ad: {  	s28 =	rddreg [dreg:$0x11];
	[sflag:s13] =	ssyncadd.s32 $0xFFFFD800  }
0x1ae: {  	[hbm4b:s28+s2] =	stream.linear.scatter [tilespmem:s9], [sflag:$0x7], $0x2800, $0x38;
	[tilespmem:$0xA500] =	vst v63  }
0x1af: {  	_ =	swait.ge [sflag:s14], $0x2800  }
0x1b0: {  	[sflag:s14] =	ssyncset.done $0x0  }
0x1b1: {  	s29 =	rddreg [dreg:$0x12];
	[sflag:s14] =	ssyncadd.s32 $0xFFFFD800  }
0x1b2: {  	[hbm4b:s29+s2] =	stream.linear.scatter [tilespmem:s8], [sflag:$0x6], $0x2800, $0x38;
	[tilespmem:$0xA500] =	vst v63  }
0x1b3: {  	_ =	swait.ge [sflag:s11], $0x2800  }
0x1b4: {  	[sflag:s11] =	ssyncset.done $0x0  }
0x1b5: {  	s30 =	rddreg [dreg:$0x13];
	[sflag:s11] =	ssyncadd.s32 $0xFFFFD800  }
0x1b6: {  	[hbm4b:s30+s2] =	stream.linear.scatter [tilespmem:s5], [sflag:$0x8], $0x2800, $0x38;
	[tilespmem:$0xA500] =	vst v63  }
0x1b7: {  	_ =	swait.ge [sflag:s6], $0x2800  }
0x1b8: {  	[sflag:s6] =	ssyncset.done $0x0  }
0x1b9: {  	[sflag:s6] =	ssyncadd.s32 $0xFFFFD800  }
0x1ba: {  	_ =	swait.ge [sflag:s3], $0x2800  }
0x1bb: {  	[sflag:s3] =	ssyncset.done $0x0  }
0x1bc: {  	[sflag:s3] =	ssyncadd.s32 $0xFFFFD800  }
0x1bd: {  	_ =	swait.ge [sflag:s7], $0x2800  }
0x1be: {  	[sflag:s7] =	ssyncset.done $0x0  }
0x1bf: {  	[sflag:s7] =	ssyncadd.s32 $0xFFFFD800  }
0x1c0: {  	_ =	swait.ge [sflag:s4], $0x2800  }
0x1c1: {  	[sflag:s4] =	ssyncset.done $0x0  }
0x1c2: {  	[sflag:s4] =	ssyncadd.s32 $0xFFFFD800  }
0x1c3: {  	_ =	sfence.sel $0x180000  }
0x1c4: {  	[bflag:$0x0] =	sbarrier.arrive $0xFFFF  }
0x1c5: {  	_ =	strace $0x90000053  }
0x1c6: {  	s31 =	stileid.u32;
	[bflag:$0x2] =	sbarrier.arrive $0xFFFF  }
0x1c7: {  	p0 =	sne.s32 s31, $0x0;
	s0 =	rddreg [dreg:$0x1]  }
0x1c8: {  	s0 =	sadd.s32 @!p0 $0x100000, s0  }
0x1c9: {  	[sflag:s0] =	ssyncadd.tile.s32 @!p0 $0x1;
	_ =	shalt  }
.Lfunc_end2:
_tile_overlayer_lowered:
.L_overlay_start_2:
0x1ca: {  	(tag) =	ssettag $0x2  }
0x1cb: {  	s0 =	rddreg [dreg:$0x0];
	s2 =	stileid.u32  }
0x1cc: {  	s1 =	rddreg [dreg:$0x1];
	p0 =	sne.s32 s2, $0x0  }
0x1cd: {  	s3 =	rddreg [dreg:$0x2];
	[bflag:$0x3] =	sbarrier.arrive $0xFFFF;
	s2 =	simm.s32 @!p0 $0x1C09  }
0x1ce: {  	[timem:s3], [sflag:s2] =	dma.local @!p0 [hbm:s0], s1  }
0x1cf: {  	s0 =	simm.s32 @!p0 $0x9  }
0x1d0: {  	_ =	swait.ge @!p0 [sflag:s0], s1  }
0x1d1: {  	s1 =	ssub.s32 @!p0 $0x0, s1;
	[sflag:s0] =	ssyncset.done @!p0 $0x0  }
0x1d2: {  	[sflag:s0] =	ssyncadd.s32 @!p0 s1  }
0x1d3: {  	[bflag:$0x3] =	sbarrier.arrive $0xFFFF  }
0x1d4: {  	_ =	shalt  }

</sc_bundles>
